<compile_context>
chip_gen: v7x
topology: tpu7x:2x2x1
jax: 0.10.2.dev20260603
libtpu: 0.0.44.dev20260713+nightly
codegen_flags: <defaults>
</compile_context>

<pallas_src>
import jax
import jax.numpy as jnp
from jax import lax
from jax.experimental import pallas as pl
from jax.experimental.pallas import tpu as pltpu
from jax.experimental.pallas import tpu_sc as plsc

_M, _N = 16384, 256
_NW = 32
_ROWS_PER_W = _M // _NW
_CH_R = 32
_NCHUNK = _ROWS_PER_W // _CH_R
_NBUF = 4
_NJ = (_N // 2) // 16


def _sc_body(in_hbm, out_hbm, *refs):
    in_bufs = refs[:_NBUF]
    out_bufs = refs[_NBUF:2 * _NBUF]
    in_sems, out_sems = refs[2 * _NBUF], refs[2 * _NBUF + 1]
    wid = lax.axis_index("s") * 2 + lax.axis_index("c")
    row_base = wid * _ROWS_PER_W

    _H = _CH_R // 2

    def in_copies(c, b):
        r0 = row_base + c * _CH_R
        return (
            pltpu.make_async_copy(
                in_hbm.at[pl.ds(r0, _H), :],
                in_bufs[b].at[pl.ds(0, _H), :], in_sems.at[b, 0]),
            pltpu.make_async_copy(
                in_hbm.at[pl.ds(r0 + _H, _H), :],
                in_bufs[b].at[pl.ds(_H, _H), :], in_sems.at[b, 1]),
        )

    def in_start(c, b):
        for cp in in_copies(c, b):
            cp.start()

    def in_wait(c, b):
        for cp in in_copies(c, b):
            cp.wait()

    def out_copies(c, b):
        r0 = row_base + c * _CH_R
        return (
            pltpu.make_async_copy(
                out_bufs[b].at[pl.ds(0, _H), :],
                out_hbm.at[pl.ds(r0, _H), :], out_sems.at[b, 0]),
            pltpu.make_async_copy(
                out_bufs[b].at[pl.ds(_H, _H), :],
                out_hbm.at[pl.ds(r0 + _H, _H), :], out_sems.at[b, 1]),
        )

    def out_start(c, b):
        for cp in out_copies(c, b):
            cp.start()

    def out_wait(c, b):
        for cp in out_copies(c, b):
            cp.wait()

    for b in range(_NBUF):
        in_start(b, b)

    iota = lax.iota(jnp.int32, 16)
    idx_cols = [iota * 2 + (32 * jb) for jb in range(_NJ)]

    def super_chunk(i, _):
        for b in range(_NBUF):
            c = i * _NBUF + b
            in_wait(c, b)

            @pl.when(c >= _NBUF)
            def _():
                out_wait(c - _NBUF, b)

            in_buf = in_bufs[b]
            out_buf = out_bufs[b]

            @plsc.parallel_loop(0, _CH_R, unroll=4)
            def _row(r, in_buf=in_buf, out_buf=out_buf):
                idx_row = jnp.broadcast_to(r, (16,))
                for jb in range(_NJ):
                    v = plsc.load_gather(in_buf, [idx_row, idx_cols[jb]])
                    out_buf[r, pl.ds(16 * jb, 16)] = v

            out_start(c, b)

            @pl.when(c + _NBUF < _NCHUNK)
            def _():
                in_start(c + _NBUF, b)
        return _

    lax.fori_loop(0, _NCHUNK // _NBUF, super_chunk, None)
    for b in range(_NBUF):
        out_wait(_NCHUNK - _NBUF + b, b)


def kernel(inputs):
    k = pl.kernel(
        _sc_body,
        out_type=jax.ShapeDtypeStruct((_M, _N // 2), jnp.float32),
        mesh=plsc.VectorSubcoreMesh(core_axis_name="c", subcore_axis_name="s"),
        compiler_params=pltpu.CompilerParams(
            needs_layout_passes=False, skip_device_barrier=True),
        scratch_types=(
            [pltpu.VMEM((_CH_R, _N), jnp.float32) for _ in range(_NBUF)]
            + [pltpu.VMEM((_CH_R, _N // 2), jnp.float32) for _ in range(_NBUF)]
            + [pltpu.SemaphoreType.DMA((_NBUF, 2)),
               pltpu.SemaphoreType.DMA((_NBUF, 2))]
        ),
    )
    return k(inputs)

# --- scband reference (transcript-rebuilt; emitter-appended) ---
"""Pipeline reference for scband-torch-feed-forward-network-82102594831011 (READ-ONLY COPY).

The authoritative reference and input builder live on the scoring server;
editing this copy changes nothing except your own understanding.
"""

import jax, jax.numpy as jnp
import numpy as np

INPUT_KEYS = np.arange(256)
OUTPUT_KEYS = np.arange(0, 256, 2)


def setup_inputs(seed: int = 0) -> dict:
    key = jax.random.key(seed)
    inputs = jax.random.normal(key, (16384, 256), dtype=jnp.float32)
    return {"inputs": inputs}


def reference(inputs):
    # Faithful translation of TorchFeedForwardNetwork.forward with node_evals=[]:
    # 1) values[k] = inputs[:, i][:, None] for each input key k (column i)
    # 2) no node_evals to iterate
    # 3) result = concat([values[k] for k in output_nodes], dim=1)
    # Since output keys are a subset of input keys, this is exactly a column
    # gather on the input matrix.
    out_idx = jnp.asarray(OUTPUT_KEYS, dtype=jnp.int32)
    result = jnp.take(inputs, out_idx, axis=1)
    return result

if __name__ == "__main__":
    import jax
    _d = setup_inputs()
    print(jax.jit(kernel)(*tuple(_d.values())))

</pallas_src>

<mosaic_0001>
#map = affine_map<(d0, d1) -> (0, 0)>
module attributes {stable_mosaic.version = 14 : i64} {
  func.func @_sc_body(%arg0: i32, %arg1: i32, %arg2: memref<16384x256xf32, #tpu.memory_space<hbm>>, %arg3: memref<16384x128xf32, #tpu.memory_space<hbm>>, %arg4: memref<32x256xf32, #tpu.memory_space<vmem>>, %arg5: memref<32x256xf32, #tpu.memory_space<vmem>>, %arg6: memref<32x256xf32, #tpu.memory_space<vmem>>, %arg7: memref<32x256xf32, #tpu.memory_space<vmem>>, %arg8: memref<32x128xf32, #tpu.memory_space<vmem>>, %arg9: memref<32x128xf32, #tpu.memory_space<vmem>>, %arg10: memref<32x128xf32, #tpu.memory_space<vmem>>, %arg11: memref<32x128xf32, #tpu.memory_space<vmem>>, %arg12: memref<4x2x!tpu.dma_semaphore, #tpu.memory_space<semaphore_mem>>, %arg13: memref<4x2x!tpu.dma_semaphore, #tpu.memory_space<semaphore_mem>>) attributes {dimension_semantics = [#tpu.dimension_semantics<core_parallel>, #tpu.dimension_semantics<subcore_parallel>], iteration_bounds = array<i64: 2, 16>, scalar_prefetch = 0 : i64, scratch_operands = 10 : i64, tpu.core_type = #tpu.core_type<sc_vector_subcore>, window_params = [{transform_indices = #map}, {transform_indices = #map}]} {
    %mul3A = arith.constant 2 : i32
    %mul3A_0 = arith.muli %arg1, %mul3A : i32
    %add3A = arith.addi %mul3A_0, %arg0 : i32
    %mul3A_1 = arith.constant 512 : i32
    %mul3A_2 = arith.muli %add3A, %mul3A_1 : i32
    %add3A_3 = arith.constant 0 : i32
    %add3A_4 = arith.addi %mul3A_2, %add3A_3 : i32
    %add3A_5 = arith.constant 16 : i32
    %add3A_6 = arith.addi %add3A_4, %add3A_5 : i32
    %dma_start3A = arith.constant 0 : i32
    %dma_start3A_7 = arith.constant 0 : i32
    %dma_start3A_8 = arith.constant 0 : i32
    %dma_start3A_9 = arith.constant 0 : i32
    %dma_start3A_10 = tpu.memref_slice %arg4[%dma_start3A_8, %dma_start3A_9] : memref<32x256xf32, #tpu.memory_space<vmem>> -> memref<16x256xf32, #tpu.memory_space<vmem>>
    %dma_start3A_11 = arith.constant 0 : i32
    %dma_start3A_12 = tpu.memref_slice %arg2[%add3A_4, %dma_start3A_11] : memref<16384x256xf32, #tpu.memory_space<hbm>> -> memref<16x256xf32, #tpu.memory_space<hbm>>
    %dma_start3A_13 = tpu.memref_slice %arg12[%dma_start3A, %dma_start3A_7] : memref<4x2x!tpu.dma_semaphore, #tpu.memory_space<semaphore_mem>> -> memref<1x1x!tpu.dma_semaphore, #tpu.memory_space<semaphore_mem>>
    %dma_start3A_14 = tpu.memref_squeeze %dma_start3A_13 : memref<1x1x!tpu.dma_semaphore, #tpu.memory_space<semaphore_mem>> -> memref<!tpu.dma_semaphore, #tpu.memory_space<semaphore_mem>>
    %dma_start3A_15 = arith.constant 0 : i32
    %dma_start3A_16 = arith.constant 0 : i32
    %dma_start3A_17 = tpu.memref_slice %arg4[%dma_start3A_15, %dma_start3A_16] : memref<32x256xf32, #tpu.memory_space<vmem>> -> memref<16x256xf32, #tpu.memory_space<vmem>>
    %dma_start3A_18 = arith.constant 0 : i32
    %dma_start3A_19 = tpu.memref_slice %arg2[%add3A_4, %dma_start3A_18] : memref<16384x256xf32, #tpu.memory_space<hbm>> -> memref<16x256xf32, #tpu.memory_space<hbm>>
    tpu.enqueue_dma source(%dma_start3A_19 : memref<16x256xf32, #tpu.memory_space<hbm>>) target(%dma_start3A_17 : memref<16x256xf32, #tpu.memory_space<vmem>>) target_semaphore(%dma_start3A_14 : memref<!tpu.dma_semaphore, #tpu.memory_space<semaphore_mem>>)
    %dma_start3A_20 = arith.constant 0 : i32
    %dma_start3A_21 = arith.constant 1 : i32
    %dma_start3A_22 = arith.constant 16 : i32
    %dma_start3A_23 = arith.constant 0 : i32
    %dma_start3A_24 = tpu.memref_slice %arg4[%dma_start3A_22, %dma_start3A_23] : memref<32x256xf32, #tpu.memory_space<vmem>> -> memref<16x256xf32, #tpu.memory_space<vmem>>
    %dma_start3A_25 = arith.constant 0 : i32
    %dma_start3A_26 = tpu.memref_slice %arg2[%add3A_6, %dma_start3A_25] : memref<16384x256xf32, #tpu.memory_space<hbm>> -> memref<16x256xf32, #tpu.memory_space<hbm>>
    %dma_start3A_27 = tpu.memref_slice %arg12[%dma_start3A_20, %dma_start3A_21] : memref<4x2x!tpu.dma_semaphore, #tpu.memory_space<semaphore_mem>> -> memref<1x1x!tpu.dma_semaphore, #tpu.memory_space<semaphore_mem>>
    %dma_start3A_28 = tpu.memref_squeeze %dma_start3A_27 : memref<1x1x!tpu.dma_semaphore, #tpu.memory_space<semaphore_mem>> -> memref<!tpu.dma_semaphore, #tpu.memory_space<semaphore_mem>>
    %dma_start3A_29 = arith.constant 16 : i32
    %dma_start3A_30 = arith.constant 0 : i32
    %dma_start3A_31 = tpu.memref_slice %arg4[%dma_start3A_29, %dma_start3A_30] : memref<32x256xf32, #tpu.memory_space<vmem>> -> memref<16x256xf32, #tpu.memory_space<vmem>>
    %dma_start3A_32 = arith.constant 0 : i32
    %dma_start3A_33 = tpu.memref_slice %arg2[%add3A_6, %dma_start3A_32] : memref<16384x256xf32, #tpu.memory_space<hbm>> -> memref<16x256xf32, #tpu.memory_space<hbm>>
    tpu.enqueue_dma source(%dma_start3A_33 : memref<16x256xf32, #tpu.memory_space<hbm>>) target(%dma_start3A_31 : memref<16x256xf32, #tpu.memory_space<vmem>>) target_semaphore(%dma_start3A_28 : memref<!tpu.dma_semaphore, #tpu.memory_space<semaphore_mem>>)
    %add3A_34 = arith.constant 32 : i32
    %add3A_35 = arith.addi %mul3A_2, %add3A_34 : i32
    %add3A_36 = arith.constant 16 : i32
    %add3A_37 = arith.addi %add3A_35, %add3A_36 : i32
    %dma_start3A_38 = arith.constant 1 : i32
    %dma_start3A_39 = arith.constant 0 : i32
    %dma_start3A_40 = arith.constant 0 : i32
    %dma_start3A_41 = arith.constant 0 : i32
    %dma_start3A_42 = tpu.memref_slice %arg5[%dma_start3A_40, %dma_start3A_41] : memref<32x256xf32, #tpu.memory_space<vmem>> -> memref<16x256xf32, #tpu.memory_space<vmem>>
    %dma_start3A_43 = arith.constant 0 : i32
    %dma_start3A_44 = tpu.memref_slice %arg2[%add3A_35, %dma_start3A_43] : memref<16384x256xf32, #tpu.memory_space<hbm>> -> memref<16x256xf32, #tpu.memory_space<hbm>>
    %dma_start3A_45 = tpu.memref_slice %arg12[%dma_start3A_38, %dma_start3A_39] : memref<4x2x!tpu.dma_semaphore, #tpu.memory_space<semaphore_mem>> -> memref<1x1x!tpu.dma_semaphore, #tpu.memory_space<semaphore_mem>>
    %dma_start3A_46 = tpu.memref_squeeze %dma_start3A_45 : memref<1x1x!tpu.dma_semaphore, #tpu.memory_space<semaphore_mem>> -> memref<!tpu.dma_semaphore, #tpu.memory_space<semaphore_mem>>
    %dma_start3A_47 = arith.constant 0 : i32
    %dma_start3A_48 = arith.constant 0 : i32
    %dma_start3A_49 = tpu.memref_slice %arg5[%dma_start3A_47, %dma_start3A_48] : memref<32x256xf32, #tpu.memory_space<vmem>> -> memref<16x256xf32, #tpu.memory_space<vmem>>
    %dma_start3A_50 = arith.constant 0 : i32
    %dma_start3A_51 = tpu.memref_slice %arg2[%add3A_35, %dma_start3A_50] : memref<16384x256xf32, #tpu.memory_space<hbm>> -> memref<16x256xf32, #tpu.memory_space<hbm>>
    tpu.enqueue_dma source(%dma_start3A_51 : memref<16x256xf32, #tpu.memory_space<hbm>>) target(%dma_start3A_49 : memref<16x256xf32, #tpu.memory_space<vmem>>) target_semaphore(%dma_start3A_46 : memref<!tpu.dma_semaphore, #tpu.memory_space<semaphore_mem>>)
    %dma_start3A_52 = arith.constant 1 : i32
    %dma_start3A_53 = arith.constant 1 : i32
    %dma_start3A_54 = arith.constant 16 : i32
    %dma_start3A_55 = arith.constant 0 : i32
    %dma_start3A_56 = tpu.memref_slice %arg5[%dma_start3A_54, %dma_start3A_55] : memref<32x256xf32, #tpu.memory_space<vmem>> -> memref<16x256xf32, #tpu.memory_space<vmem>>
    %dma_start3A_57 = arith.constant 0 : i32
    %dma_start3A_58 = tpu.memref_slice %arg2[%add3A_37, %dma_start3A_57] : memref<16384x256xf32, #tpu.memory_space<hbm>> -> memref<16x256xf32, #tpu.memory_space<hbm>>
    %dma_start3A_59 = tpu.memref_slice %arg12[%dma_start3A_52, %dma_start3A_53] : memref<4x2x!tpu.dma_semaphore, #tpu.memory_space<semaphore_mem>> -> memref<1x1x!tpu.dma_semaphore, #tpu.memory_space<semaphore_mem>>
    %dma_start3A_60 = tpu.memref_squeeze %dma_start3A_59 : memref<1x1x!tpu.dma_semaphore, #tpu.memory_space<semaphore_mem>> -> memref<!tpu.dma_semaphore, #tpu.memory_space<semaphore_mem>>
    %dma_start3A_61 = arith.constant 16 : i32
    %dma_start3A_62 = arith.constant 0 : i32
    %dma_start3A_63 = tpu.memref_slice %arg5[%dma_start3A_61, %dma_start3A_62] : memref<32x256xf32, #tpu.memory_space<vmem>> -> memref<16x256xf32, #tpu.memory_space<vmem>>
    %dma_start3A_64 = arith.constant 0 : i32
    %dma_start3A_65 = tpu.memref_slice %arg2[%add3A_37, %dma_start3A_64] : memref<16384x256xf32, #tpu.memory_space<hbm>> -> memref<16x256xf32, #tpu.memory_space<hbm>>
    tpu.enqueue_dma source(%dma_start3A_65 : memref<16x256xf32, #tpu.memory_space<hbm>>) target(%dma_start3A_63 : memref<16x256xf32, #tpu.memory_space<vmem>>) target_semaphore(%dma_start3A_60 : memref<!tpu.dma_semaphore, #tpu.memory_space<semaphore_mem>>)
    %add3A_66 = arith.constant 64 : i32
    %add3A_67 = arith.addi %mul3A_2, %add3A_66 : i32
    %add3A_68 = arith.constant 16 : i32
    %add3A_69 = arith.addi %add3A_67, %add3A_68 : i32
    %dma_start3A_70 = arith.constant 2 : i32
    %dma_start3A_71 = arith.constant 0 : i32
    %dma_start3A_72 = arith.constant 0 : i32
    %dma_start3A_73 = arith.constant 0 : i32
    %dma_start3A_74 = tpu.memref_slice %arg6[%dma_start3A_72, %dma_start3A_73] : memref<32x256xf32, #tpu.memory_space<vmem>> -> memref<16x256xf32, #tpu.memory_space<vmem>>
    %dma_start3A_75 = arith.constant 0 : i32
    %dma_start3A_76 = tpu.memref_slice %arg2[%add3A_67, %dma_start3A_75] : memref<16384x256xf32, #tpu.memory_space<hbm>> -> memref<16x256xf32, #tpu.memory_space<hbm>>
    %dma_start3A_77 = tpu.memref_slice %arg12[%dma_start3A_70, %dma_start3A_71] : memref<4x2x!tpu.dma_semaphore, #tpu.memory_space<semaphore_mem>> -> memref<1x1x!tpu.dma_semaphore, #tpu.memory_space<semaphore_mem>>
    %dma_start3A_78 = tpu.memref_squeeze %dma_start3A_77 : memref<1x1x!tpu.dma_semaphore, #tpu.memory_space<semaphore_mem>> -> memref<!tpu.dma_semaphore, #tpu.memory_space<semaphore_mem>>
    %dma_start3A_79 = arith.constant 0 : i32
    %dma_start3A_80 = arith.constant 0 : i32
    %dma_start3A_81 = tpu.memref_slice %arg6[%dma_start3A_79, %dma_start3A_80] : memref<32x256xf32, #tpu.memory_space<vmem>> -> memref<16x256xf32, #tpu.memory_space<vmem>>
    %dma_start3A_82 = arith.constant 0 : i32
    %dma_start3A_83 = tpu.memref_slice %arg2[%add3A_67, %dma_start3A_82] : memref<16384x256xf32, #tpu.memory_space<hbm>> -> memref<16x256xf32, #tpu.memory_space<hbm>>
    tpu.enqueue_dma source(%dma_start3A_83 : memref<16x256xf32, #tpu.memory_space<hbm>>) target(%dma_start3A_81 : memref<16x256xf32, #tpu.memory_space<vmem>>) target_semaphore(%dma_start3A_78 : memref<!tpu.dma_semaphore, #tpu.memory_space<semaphore_mem>>)
    %dma_start3A_84 = arith.constant 2 : i32
    %dma_start3A_85 = arith.constant 1 : i32
    %dma_start3A_86 = arith.constant 16 : i32
    %dma_start3A_87 = arith.constant 0 : i32
    %dma_start3A_88 = tpu.memref_slice %arg6[%dma_start3A_86, %dma_start3A_87] : memref<32x256xf32, #tpu.memory_space<vmem>> -> memref<16x256xf32, #tpu.memory_space<vmem>>
    %dma_start3A_89 = arith.constant 0 : i32
    %dma_start3A_90 = tpu.memref_slice %arg2[%add3A_69, %dma_start3A_89] : memref<16384x256xf32, #tpu.memory_space<hbm>> -> memref<16x256xf32, #tpu.memory_space<hbm>>
    %dma_start3A_91 = tpu.memref_slice %arg12[%dma_start3A_84, %dma_start3A_85] : memref<4x2x!tpu.dma_semaphore, #tpu.memory_space<semaphore_mem>> -> memref<1x1x!tpu.dma_semaphore, #tpu.memory_space<semaphore_mem>>
    %dma_start3A_92 = tpu.memref_squeeze %dma_start3A_91 : memref<1x1x!tpu.dma_semaphore, #tpu.memory_space<semaphore_mem>> -> memref<!tpu.dma_semaphore, #tpu.memory_space<semaphore_mem>>
    %dma_start3A_93 = arith.constant 16 : i32
    %dma_start3A_94 = arith.constant 0 : i32
    %dma_start3A_95 = tpu.memref_slice %arg6[%dma_start3A_93, %dma_start3A_94] : memref<32x256xf32, #tpu.memory_space<vmem>> -> memref<16x256xf32, #tpu.memory_space<vmem>>
    %dma_start3A_96 = arith.constant 0 : i32
    %dma_start3A_97 = tpu.memref_slice %arg2[%add3A_69, %dma_start3A_96] : memref<16384x256xf32, #tpu.memory_space<hbm>> -> memref<16x256xf32, #tpu.memory_space<hbm>>
    tpu.enqueue_dma source(%dma_start3A_97 : memref<16x256xf32, #tpu.memory_space<hbm>>) target(%dma_start3A_95 : memref<16x256xf32, #tpu.memory_space<vmem>>) target_semaphore(%dma_start3A_92 : memref<!tpu.dma_semaphore, #tpu.memory_space<semaphore_mem>>)
    %add3A_98 = arith.constant 96 : i32
    %add3A_99 = arith.addi %mul3A_2, %add3A_98 : i32
    %add3A_100 = arith.constant 16 : i32
    %add3A_101 = arith.addi %add3A_99, %add3A_100 : i32
    %dma_start3A_102 = arith.constant 3 : i32
    %dma_start3A_103 = arith.constant 0 : i32
    %dma_start3A_104 = arith.constant 0 : i32
    %dma_start3A_105 = arith.constant 0 : i32
    %dma_start3A_106 = tpu.memref_slice %arg7[%dma_start3A_104, %dma_start3A_105] : memref<32x256xf32, #tpu.memory_space<vmem>> -> memref<16x256xf32, #tpu.memory_space<vmem>>
    %dma_start3A_107 = arith.constant 0 : i32
    %dma_start3A_108 = tpu.memref_slice %arg2[%add3A_99, %dma_start3A_107] : memref<16384x256xf32, #tpu.memory_space<hbm>> -> memref<16x256xf32, #tpu.memory_space<hbm>>
    %dma_start3A_109 = tpu.memref_slice %arg12[%dma_start3A_102, %dma_start3A_103] : memref<4x2x!tpu.dma_semaphore, #tpu.memory_space<semaphore_mem>> -> memref<1x1x!tpu.dma_semaphore, #tpu.memory_space<semaphore_mem>>
    %dma_start3A_110 = tpu.memref_squeeze %dma_start3A_109 : memref<1x1x!tpu.dma_semaphore, #tpu.memory_space<semaphore_mem>> -> memref<!tpu.dma_semaphore, #tpu.memory_space<semaphore_mem>>
    %dma_start3A_111 = arith.constant 0 : i32
    %dma_start3A_112 = arith.constant 0 : i32
    %dma_start3A_113 = tpu.memref_slice %arg7[%dma_start3A_111, %dma_start3A_112] : memref<32x256xf32, #tpu.memory_space<vmem>> -> memref<16x256xf32, #tpu.memory_space<vmem>>
    %dma_start3A_114 = arith.constant 0 : i32
    %dma_start3A_115 = tpu.memref_slice %arg2[%add3A_99, %dma_start3A_114] : memref<16384x256xf32, #tpu.memory_space<hbm>> -> memref<16x256xf32, #tpu.memory_space<hbm>>
    tpu.enqueue_dma source(%dma_start3A_115 : memref<16x256xf32, #tpu.memory_space<hbm>>) target(%dma_start3A_113 : memref<16x256xf32, #tpu.memory_space<vmem>>) target_semaphore(%dma_start3A_110 : memref<!tpu.dma_semaphore, #tpu.memory_space<semaphore_mem>>)
    %dma_start3A_116 = arith.constant 3 : i32
    %dma_start3A_117 = arith.constant 1 : i32
    %dma_start3A_118 = arith.constant 16 : i32
    %dma_start3A_119 = arith.constant 0 : i32
    %dma_start3A_120 = tpu.memref_slice %arg7[%dma_start3A_118, %dma_start3A_119] : memref<32x256xf32, #tpu.memory_space<vmem>> -> memref<16x256xf32, #tpu.memory_space<vmem>>
    %dma_start3A_121 = arith.constant 0 : i32
    %dma_start3A_122 = tpu.memref_slice %arg2[%add3A_101, %dma_start3A_121] : memref<16384x256xf32, #tpu.memory_space<hbm>> -> memref<16x256xf32, #tpu.memory_space<hbm>>
    %dma_start3A_123 = tpu.memref_slice %arg12[%dma_start3A_116, %dma_start3A_117] : memref<4x2x!tpu.dma_semaphore, #tpu.memory_space<semaphore_mem>> -> memref<1x1x!tpu.dma_semaphore, #tpu.memory_space<semaphore_mem>>
    %dma_start3A_124 = tpu.memref_squeeze %dma_start3A_123 : memref<1x1x!tpu.dma_semaphore, #tpu.memory_space<semaphore_mem>> -> memref<!tpu.dma_semaphore, #tpu.memory_space<semaphore_mem>>
    %dma_start3A_125 = arith.constant 16 : i32
    %dma_start3A_126 = arith.constant 0 : i32
    %dma_start3A_127 = tpu.memref_slice %arg7[%dma_start3A_125, %dma_start3A_126] : memref<32x256xf32, #tpu.memory_space<vmem>> -> memref<16x256xf32, #tpu.memory_space<vmem>>
    %dma_start3A_128 = arith.constant 0 : i32
    %dma_start3A_129 = tpu.memref_slice %arg2[%add3A_101, %dma_start3A_128] : memref<16384x256xf32, #tpu.memory_space<hbm>> -> memref<16x256xf32, #tpu.memory_space<hbm>>
    tpu.enqueue_dma source(%dma_start3A_129 : memref<16x256xf32, #tpu.memory_space<hbm>>) target(%dma_start3A_127 : memref<16x256xf32, #tpu.memory_space<vmem>>) target_semaphore(%dma_start3A_124 : memref<!tpu.dma_semaphore, #tpu.memory_space<semaphore_mem>>)
    %iota3A = tpu.iota {dimensions = array<i32: 0>} : vector<16xi32>
    %mul3A_130 = arith.constant 2 : i32
    %mul3A_131 = vector.broadcast %mul3A_130 : i32 to vector<16xi32>
    %mul3A_132 = arith.muli %iota3A, %mul3A_131 : vector<16xi32>
    %add3A_133 = arith.constant 0 : i32
    %add3A_134 = vector.broadcast %add3A_133 : i32 to vector<16xi32>
    %add3A_135 = arith.addi %mul3A_132, %add3A_134 : vector<16xi32>
    %mul3A_136 = arith.constant 2 : i32
    %mul3A_137 = vector.broadcast %mul3A_136 : i32 to vector<16xi32>
    %mul3A_138 = arith.muli %iota3A, %mul3A_137 : vector<16xi32>
    %add3A_139 = arith.constant 32 : i32
    %add3A_140 = vector.broadcast %add3A_139 : i32 to vector<16xi32>
    %add3A_141 = arith.addi %mul3A_138, %add3A_140 : vector<16xi32>
    %mul3A_142 = arith.constant 2 : i32
    %mul3A_143 = vector.broadcast %mul3A_142 : i32 to vector<16xi32>
    %mul3A_144 = arith.muli %iota3A, %mul3A_143 : vector<16xi32>
    %add3A_145 = arith.constant 64 : i32
    %add3A_146 = vector.broadcast %add3A_145 : i32 to vector<16xi32>
    %add3A_147 = arith.addi %mul3A_144, %add3A_146 : vector<16xi32>
    %mul3A_148 = arith.constant 2 : i32
    %mul3A_149 = vector.broadcast %mul3A_148 : i32 to vector<16xi32>
    %mul3A_150 = arith.muli %iota3A, %mul3A_149 : vector<16xi32>
    %add3A_151 = arith.constant 96 : i32
    %add3A_152 = vector.broadcast %add3A_151 : i32 to vector<16xi32>
    %add3A_153 = arith.addi %mul3A_150, %add3A_152 : vector<16xi32>
    %mul3A_154 = arith.constant 2 : i32
    %mul3A_155 = vector.broadcast %mul3A_154 : i32 to vector<16xi32>
    %mul3A_156 = arith.muli %iota3A, %mul3A_155 : vector<16xi32>
    %add3A_157 = arith.constant 128 : i32
    %add3A_158 = vector.broadcast %add3A_157 : i32 to vector<16xi32>
    %add3A_159 = arith.addi %mul3A_156, %add3A_158 : vector<16xi32>
    %mul3A_160 = arith.constant 2 : i32
    %mul3A_161 = vector.broadcast %mul3A_160 : i32 to vector<16xi32>
    %mul3A_162 = arith.muli %iota3A, %mul3A_161 : vector<16xi32>
    %add3A_163 = arith.constant 160 : i32
    %add3A_164 = vector.broadcast %add3A_163 : i32 to vector<16xi32>
    %add3A_165 = arith.addi %mul3A_162, %add3A_164 : vector<16xi32>
    %mul3A_166 = arith.constant 2 : i32
    %mul3A_167 = vector.broadcast %mul3A_166 : i32 to vector<16xi32>
    %mul3A_168 = arith.muli %iota3A, %mul3A_167 : vector<16xi32>
    %add3A_169 = arith.constant 192 : i32
    %add3A_170 = vector.broadcast %add3A_169 : i32 to vector<16xi32>
    %add3A_171 = arith.addi %mul3A_168, %add3A_170 : vector<16xi32>
    %mul3A_172 = arith.constant 2 : i32
    %mul3A_173 = vector.broadcast %mul3A_172 : i32 to vector<16xi32>
    %mul3A_174 = arith.muli %iota3A, %mul3A_173 : vector<16xi32>
    %add3A_175 = arith.constant 224 : i32
    %add3A_176 = vector.broadcast %add3A_175 : i32 to vector<16xi32>
    %add3A_177 = arith.addi %mul3A_174, %add3A_176 : vector<16xi32>
    %scan3A = arith.constant 0 : i32
    %scan3A_178 = arith.constant 4 : i32
    %scan3A_179 = arith.addi %scan3A, %scan3A_178 : i32
    %scan3A_180 = arith.constant 1 : i32
    scf.for %scan3A_309 = %scan3A to %scan3A_179 step %scan3A_180  : i32 {
      %mul3A_310 = arith.constant 4 : i32
      %mul3A_311 = arith.muli %scan3A_309, %mul3A_310 : i32
      %add3A_312 = arith.constant 0 : i32
      %add3A_313 = arith.addi %mul3A_311, %add3A_312 : i32
      %mul3A_314 = arith.constant 32 : i32
      %mul3A_315 = arith.muli %add3A_313, %mul3A_314 : i32
      %add3A_316 = arith.addi %mul3A_2, %mul3A_315 : i32
      %add3A_317 = arith.constant 16 : i32
      %add3A_318 = arith.addi %add3A_316, %add3A_317 : i32
      %dma_wait3A_319 = arith.constant 0 : i32
      %dma_wait3A_320 = arith.constant 0 : i32
      %dma_wait3A_321 = arith.constant 0 : i32
      %dma_wait3A_322 = arith.constant 0 : i32
      %dma_wait3A_323 = tpu.memref_slice %arg4[%dma_wait3A_321, %dma_wait3A_322] : memref<32x256xf32, #tpu.memory_space<vmem>> -> memref<16x256xf32, #tpu.memory_space<vmem>>
      %dma_wait3A_324 = arith.constant 0 : i32
      %dma_wait3A_325 = tpu.memref_slice %arg2[%add3A_316, %dma_wait3A_324] : memref<16384x256xf32, #tpu.memory_space<hbm>> -> memref<16x256xf32, #tpu.memory_space<hbm>>
      %dma_wait3A_326 = tpu.memref_slice %arg12[%dma_wait3A_319, %dma_wait3A_320] : memref<4x2x!tpu.dma_semaphore, #tpu.memory_space<semaphore_mem>> -> memref<1x1x!tpu.dma_semaphore, #tpu.memory_space<semaphore_mem>>
      %dma_wait3A_327 = tpu.memref_squeeze %dma_wait3A_326 : memref<1x1x!tpu.dma_semaphore, #tpu.memory_space<semaphore_mem>> -> memref<!tpu.dma_semaphore, #tpu.memory_space<semaphore_mem>>
      %dma_wait3A_328 = arith.constant 0 : i32
      %dma_wait3A_329 = arith.constant 0 : i32
      %dma_wait3A_330 = tpu.memref_slice %arg4[%dma_wait3A_328, %dma_wait3A_329] : memref<32x256xf32, #tpu.memory_space<vmem>> -> memref<16x256xf32, #tpu.memory_space<vmem>>
      %dma_wait3A_331 = arith.constant 0 : i32
      %dma_wait3A_332 = tpu.memref_slice %arg2[%add3A_316, %dma_wait3A_331] : memref<16384x256xf32, #tpu.memory_space<hbm>> -> memref<16x256xf32, #tpu.memory_space<hbm>>
      tpu.wait_dma2 semaphore(%dma_wait3A_327 : memref<!tpu.dma_semaphore, #tpu.memory_space<semaphore_mem>>) src(%dma_wait3A_332 : memref<16x256xf32, #tpu.memory_space<hbm>>) dst(%dma_wait3A_330 : memref<16x256xf32, #tpu.memory_space<vmem>>)
      %dma_wait3A_333 = arith.constant 0 : i32
      %dma_wait3A_334 = arith.constant 1 : i32
      %dma_wait3A_335 = arith.constant 16 : i32
      %dma_wait3A_336 = arith.constant 0 : i32
      %dma_wait3A_337 = tpu.memref_slice %arg4[%dma_wait3A_335, %dma_wait3A_336] : memref<32x256xf32, #tpu.memory_space<vmem>> -> memref<16x256xf32, #tpu.memory_space<vmem>>
      %dma_wait3A_338 = arith.constant 0 : i32
      %dma_wait3A_339 = tpu.memref_slice %arg2[%add3A_318, %dma_wait3A_338] : memref<16384x256xf32, #tpu.memory_space<hbm>> -> memref<16x256xf32, #tpu.memory_space<hbm>>
      %dma_wait3A_340 = tpu.memref_slice %arg12[%dma_wait3A_333, %dma_wait3A_334] : memref<4x2x!tpu.dma_semaphore, #tpu.memory_space<semaphore_mem>> -> memref<1x1x!tpu.dma_semaphore, #tpu.memory_space<semaphore_mem>>
      %dma_wait3A_341 = tpu.memref_squeeze %dma_wait3A_340 : memref<1x1x!tpu.dma_semaphore, #tpu.memory_space<semaphore_mem>> -> memref<!tpu.dma_semaphore, #tpu.memory_space<semaphore_mem>>
      %dma_wait3A_342 = arith.constant 16 : i32
      %dma_wait3A_343 = arith.constant 0 : i32
      %dma_wait3A_344 = tpu.memref_slice %arg4[%dma_wait3A_342, %dma_wait3A_343] : memref<32x256xf32, #tpu.memory_space<vmem>> -> memref<16x256xf32, #tpu.memory_space<vmem>>
      %dma_wait3A_345 = arith.constant 0 : i32
      %dma_wait3A_346 = tpu.memref_slice %arg2[%add3A_318, %dma_wait3A_345] : memref<16384x256xf32, #tpu.memory_space<hbm>> -> memref<16x256xf32, #tpu.memory_space<hbm>>
      tpu.wait_dma2 semaphore(%dma_wait3A_341 : memref<!tpu.dma_semaphore, #tpu.memory_space<semaphore_mem>>) src(%dma_wait3A_346 : memref<16x256xf32, #tpu.memory_space<hbm>>) dst(%dma_wait3A_344 : memref<16x256xf32, #tpu.memory_space<vmem>>)
      %ge3A = arith.constant 4 : i32
      %ge3A_347 = arith.cmpi sge, %add3A_313, %ge3A : i32
      %convert_element_type3A = arith.extui %ge3A_347 : i1 to i32
      %cond3A = arith.constant 0 : i32
      %cond3A_348 = arith.cmpi ne, %convert_element_type3A, %cond3A : i32
      scf.if %cond3A_348 {
        %sub3A = arith.constant 4 : i32
        %sub3A_645 = arith.subi %add3A_313, %sub3A : i32
        %mul3A_646 = arith.constant 32 : i32
        %mul3A_647 = arith.muli %sub3A_645, %mul3A_646 : i32
        %add3A_648 = arith.addi %mul3A_2, %mul3A_647 : i32
        %add3A_649 = arith.constant 16 : i32
        %add3A_650 = arith.addi %add3A_648, %add3A_649 : i32
        %dma_wait3A_651 = arith.constant 0 : i32
        %dma_wait3A_652 = arith.constant 0 : i32
        %dma_wait3A_653 = arith.constant 0 : i32
        %dma_wait3A_654 = arith.constant 0 : i32
        %dma_wait3A_655 = tpu.memref_slice %arg8[%dma_wait3A_653, %dma_wait3A_654] : memref<32x128xf32, #tpu.memory_space<vmem>> -> memref<16x128xf32, #tpu.memory_space<vmem>>
        %dma_wait3A_656 = arith.constant 0 : i32
        %dma_wait3A_657 = tpu.memref_slice %arg3[%add3A_648, %dma_wait3A_656] : memref<16384x128xf32, #tpu.memory_space<hbm>> -> memref<16x128xf32, #tpu.memory_space<hbm>>
        %dma_wait3A_658 = tpu.memref_slice %arg13[%dma_wait3A_651, %dma_wait3A_652] : memref<4x2x!tpu.dma_semaphore, #tpu.memory_space<semaphore_mem>> -> memref<1x1x!tpu.dma_semaphore, #tpu.memory_space<semaphore_mem>>
        %dma_wait3A_659 = tpu.memref_squeeze %dma_wait3A_658 : memref<1x1x!tpu.dma_semaphore, #tpu.memory_space<semaphore_mem>> -> memref<!tpu.dma_semaphore, #tpu.memory_space<semaphore_mem>>
        %dma_wait3A_660 = arith.constant 0 : i32
        %dma_wait3A_661 = tpu.memref_slice %arg3[%add3A_648, %dma_wait3A_660] : memref<16384x128xf32, #tpu.memory_space<hbm>> -> memref<16x128xf32, #tpu.memory_space<hbm>>
        %dma_wait3A_662 = arith.constant 0 : i32
        %dma_wait3A_663 = arith.constant 0 : i32
        %dma_wait3A_664 = tpu.memref_slice %arg8[%dma_wait3A_662, %dma_wait3A_663] : memref<32x128xf32, #tpu.memory_space<vmem>> -> memref<16x128xf32, #tpu.memory_space<vmem>>
        tpu.wait_dma2 semaphore(%dma_wait3A_659 : memref<!tpu.dma_semaphore, #tpu.memory_space<semaphore_mem>>) src(%dma_wait3A_664 : memref<16x128xf32, #tpu.memory_space<vmem>>) dst(%dma_wait3A_661 : memref<16x128xf32, #tpu.memory_space<hbm>>)
        %dma_wait3A_665 = arith.constant 0 : i32
        %dma_wait3A_666 = arith.constant 1 : i32
        %dma_wait3A_667 = arith.constant 16 : i32
        %dma_wait3A_668 = arith.constant 0 : i32
        %dma_wait3A_669 = tpu.memref_slice %arg8[%dma_wait3A_667, %dma_wait3A_668] : memref<32x128xf32, #tpu.memory_space<vmem>> -> memref<16x128xf32, #tpu.memory_space<vmem>>
        %dma_wait3A_670 = arith.constant 0 : i32
        %dma_wait3A_671 = tpu.memref_slice %arg3[%add3A_650, %dma_wait3A_670] : memref<16384x128xf32, #tpu.memory_space<hbm>> -> memref<16x128xf32, #tpu.memory_space<hbm>>
        %dma_wait3A_672 = tpu.memref_slice %arg13[%dma_wait3A_665, %dma_wait3A_666] : memref<4x2x!tpu.dma_semaphore, #tpu.memory_space<semaphore_mem>> -> memref<1x1x!tpu.dma_semaphore, #tpu.memory_space<semaphore_mem>>
        %dma_wait3A_673 = tpu.memref_squeeze %dma_wait3A_672 : memref<1x1x!tpu.dma_semaphore, #tpu.memory_space<semaphore_mem>> -> memref<!tpu.dma_semaphore, #tpu.memory_space<semaphore_mem>>
        %dma_wait3A_674 = arith.constant 0 : i32
        %dma_wait3A_675 = tpu.memref_slice %arg3[%add3A_650, %dma_wait3A_674] : memref<16384x128xf32, #tpu.memory_space<hbm>> -> memref<16x128xf32, #tpu.memory_space<hbm>>
        %dma_wait3A_676 = arith.constant 16 : i32
        %dma_wait3A_677 = arith.constant 0 : i32
        %dma_wait3A_678 = tpu.memref_slice %arg8[%dma_wait3A_676, %dma_wait3A_677] : memref<32x128xf32, #tpu.memory_space<vmem>> -> memref<16x128xf32, #tpu.memory_space<vmem>>
        tpu.wait_dma2 semaphore(%dma_wait3A_673 : memref<!tpu.dma_semaphore, #tpu.memory_space<semaphore_mem>>) src(%dma_wait3A_678 : memref<16x128xf32, #tpu.memory_space<vmem>>) dst(%dma_wait3A_675 : memref<16x128xf32, #tpu.memory_space<hbm>>)
      } else {
      }
      %parallel_loop3A = arith.constant 0 : i32
      %parallel_loop3A_349 = arith.constant 32 : i32
      %parallel_loop3A_350 = arith.constant 1 : i32
      scf.for %parallel_loop3A_645 = %parallel_loop3A to %parallel_loop3A_349 step %parallel_loop3A_350  : i32 {
        %parallel_loop3A_646 = vector.broadcast %parallel_loop3A_645 : i32 to vector<16xi32>
        %parallel_loop3A_647 = tpu.vector_load_idx %arg4[%parallel_loop3A_646, %add3A_135] : memref<32x256xf32, #tpu.memory_space<vmem>>[vector<16xi32>, vector<16xi32>], vector<16xf32>,
        %parallel_loop3A_648 = arith.index_cast %parallel_loop3A_645 : i32 to index
        %parallel_loop3A_649 = arith.constant 0 : index
        %parallel_loop3A_650 = tpu.vector_load %arg8[%parallel_loop3A_648, %parallel_loop3A_649] {strides = array<i32>} : memref<32x128xf32, #tpu.memory_space<vmem>>, vector<16xf32>,
        tpu.vector_store %arg8[%parallel_loop3A_648, %parallel_loop3A_649], %parallel_loop3A_647 {strides = array<i32>} : memref<32x128xf32, #tpu.memory_space<vmem>>, vector<16xf32>,
        %parallel_loop3A_651 = tpu.vector_load_idx %arg4[%parallel_loop3A_646, %add3A_141] : memref<32x256xf32, #tpu.memory_space<vmem>>[vector<16xi32>, vector<16xi32>], vector<16xf32>,
        %parallel_loop3A_652 = arith.index_cast %parallel_loop3A_645 : i32 to index
        %parallel_loop3A_653 = arith.constant 16 : index
        %parallel_loop3A_654 = tpu.vector_load %arg8[%parallel_loop3A_652, %parallel_loop3A_653] {strides = array<i32>} : memref<32x128xf32, #tpu.memory_space<vmem>>, vector<16xf32>,
        tpu.vector_store %arg8[%parallel_loop3A_652, %parallel_loop3A_653], %parallel_loop3A_651 {strides = array<i32>} : memref<32x128xf32, #tpu.memory_space<vmem>>, vector<16xf32>,
        %parallel_loop3A_655 = tpu.vector_load_idx %arg4[%parallel_loop3A_646, %add3A_147] : memref<32x256xf32, #tpu.memory_space<vmem>>[vector<16xi32>, vector<16xi32>], vector<16xf32>,
        %parallel_loop3A_656 = arith.index_cast %parallel_loop3A_645 : i32 to index
        %parallel_loop3A_657 = arith.constant 32 : index
        %parallel_loop3A_658 = tpu.vector_load %arg8[%parallel_loop3A_656, %parallel_loop3A_657] {strides = array<i32>} : memref<32x128xf32, #tpu.memory_space<vmem>>, vector<16xf32>,
        tpu.vector_store %arg8[%parallel_loop3A_656, %parallel_loop3A_657], %parallel_loop3A_655 {strides = array<i32>} : memref<32x128xf32, #tpu.memory_space<vmem>>, vector<16xf32>,
        %parallel_loop3A_659 = tpu.vector_load_idx %arg4[%parallel_loop3A_646, %add3A_153] : memref<32x256xf32, #tpu.memory_space<vmem>>[vector<16xi32>, vector<16xi32>], vector<16xf32>,
        %parallel_loop3A_660 = arith.index_cast %parallel_loop3A_645 : i32 to index
        %parallel_loop3A_661 = arith.constant 48 : index
        %parallel_loop3A_662 = tpu.vector_load %arg8[%parallel_loop3A_660, %parallel_loop3A_661] {strides = array<i32>} : memref<32x128xf32, #tpu.memory_space<vmem>>, vector<16xf32>,
        tpu.vector_store %arg8[%parallel_loop3A_660, %parallel_loop3A_661], %parallel_loop3A_659 {strides = array<i32>} : memref<32x128xf32, #tpu.memory_space<vmem>>, vector<16xf32>,
        %parallel_loop3A_663 = tpu.vector_load_idx %arg4[%parallel_loop3A_646, %add3A_159] : memref<32x256xf32, #tpu.memory_space<vmem>>[vector<16xi32>, vector<16xi32>], vector<16xf32>,
        %parallel_loop3A_664 = arith.index_cast %parallel_loop3A_645 : i32 to index
        %parallel_loop3A_665 = arith.constant 64 : index
        %parallel_loop3A_666 = tpu.vector_load %arg8[%parallel_loop3A_664, %parallel_loop3A_665] {strides = array<i32>} : memref<32x128xf32, #tpu.memory_space<vmem>>, vector<16xf32>,
        tpu.vector_store %arg8[%parallel_loop3A_664, %parallel_loop3A_665], %parallel_loop3A_663 {strides = array<i32>} : memref<32x128xf32, #tpu.memory_space<vmem>>, vector<16xf32>,
        %parallel_loop3A_667 = tpu.vector_load_idx %arg4[%parallel_loop3A_646, %add3A_165] : memref<32x256xf32, #tpu.memory_space<vmem>>[vector<16xi32>, vector<16xi32>], vector<16xf32>,
        %parallel_loop3A_668 = arith.index_cast %parallel_loop3A_645 : i32 to index
        %parallel_loop3A_669 = arith.constant 80 : index
        %parallel_loop3A_670 = tpu.vector_load %arg8[%parallel_loop3A_668, %parallel_loop3A_669] {strides = array<i32>} : memref<32x128xf32, #tpu.memory_space<vmem>>, vector<16xf32>,
        tpu.vector_store %arg8[%parallel_loop3A_668, %parallel_loop3A_669], %parallel_loop3A_667 {strides = array<i32>} : memref<32x128xf32, #tpu.memory_space<vmem>>, vector<16xf32>,
        %parallel_loop3A_671 = tpu.vector_load_idx %arg4[%parallel_loop3A_646, %add3A_171] : memref<32x256xf32, #tpu.memory_space<vmem>>[vector<16xi32>, vector<16xi32>], vector<16xf32>,
        %parallel_loop3A_672 = arith.index_cast %parallel_loop3A_645 : i32 to index
        %parallel_loop3A_673 = arith.constant 96 : index
        %parallel_loop3A_674 = tpu.vector_load %arg8[%parallel_loop3A_672, %parallel_loop3A_673] {strides = array<i32>} : memref<32x128xf32, #tpu.memory_space<vmem>>, vector<16xf32>,
        tpu.vector_store %arg8[%parallel_loop3A_672, %parallel_loop3A_673], %parallel_loop3A_671 {strides = array<i32>} : memref<32x128xf32, #tpu.memory_space<vmem>>, vector<16xf32>,
        %parallel_loop3A_675 = tpu.vector_load_idx %arg4[%parallel_loop3A_646, %add3A_177] : memref<32x256xf32, #tpu.memory_space<vmem>>[vector<16xi32>, vector<16xi32>], vector<16xf32>,
        %parallel_loop3A_676 = arith.index_cast %parallel_loop3A_645 : i32 to index
        %parallel_loop3A_677 = arith.constant 112 : index
        %parallel_loop3A_678 = tpu.vector_load %arg8[%parallel_loop3A_676, %parallel_loop3A_677] {strides = array<i32>} : memref<32x128xf32, #tpu.memory_space<vmem>>, vector<16xf32>,
        tpu.vector_store %arg8[%parallel_loop3A_676, %parallel_loop3A_677], %parallel_loop3A_675 {strides = array<i32>} : memref<32x128xf32, #tpu.memory_space<vmem>>, vector<16xf32>,
      } {sc.loop_unroll_factor = 4 : i64, sc.parallel_access}
      %mul3A_351 = arith.constant 32 : i32
      %mul3A_352 = arith.muli %add3A_313, %mul3A_351 : i32
      %add3A_353 = arith.addi %mul3A_2, %mul3A_352 : i32
      %add3A_354 = arith.constant 16 : i32
      %add3A_355 = arith.addi %add3A_353, %add3A_354 : i32
      %dma_start3A_356 = arith.constant 0 : i32
      %dma_start3A_357 = arith.constant 0 : i32
      %dma_start3A_358 = arith.constant 0 : i32
      %dma_start3A_359 = arith.constant 0 : i32
      %dma_start3A_360 = tpu.memref_slice %arg8[%dma_start3A_358, %dma_start3A_359] : memref<32x128xf32, #tpu.memory_space<vmem>> -> memref<16x128xf32, #tpu.memory_space<vmem>>
      %dma_start3A_361 = arith.constant 0 : i32
      %dma_start3A_362 = tpu.memref_slice %arg3[%add3A_353, %dma_start3A_361] : memref<16384x128xf32, #tpu.memory_space<hbm>> -> memref<16x128xf32, #tpu.memory_space<hbm>>
      %dma_start3A_363 = tpu.memref_slice %arg13[%dma_start3A_356, %dma_start3A_357] : memref<4x2x!tpu.dma_semaphore, #tpu.memory_space<semaphore_mem>> -> memref<1x1x!tpu.dma_semaphore, #tpu.memory_space<semaphore_mem>>
      %dma_start3A_364 = tpu.memref_squeeze %dma_start3A_363 : memref<1x1x!tpu.dma_semaphore, #tpu.memory_space<semaphore_mem>> -> memref<!tpu.dma_semaphore, #tpu.memory_space<semaphore_mem>>
      %dma_start3A_365 = arith.constant 0 : i32
      %dma_start3A_366 = tpu.memref_slice %arg3[%add3A_353, %dma_start3A_365] : memref<16384x128xf32, #tpu.memory_space<hbm>> -> memref<16x128xf32, #tpu.memory_space<hbm>>
      %dma_start3A_367 = arith.constant 0 : i32
      %dma_start3A_368 = arith.constant 0 : i32
      %dma_start3A_369 = tpu.memref_slice %arg8[%dma_start3A_367, %dma_start3A_368] : memref<32x128xf32, #tpu.memory_space<vmem>> -> memref<16x128xf32, #tpu.memory_space<vmem>>
      tpu.enqueue_dma source(%dma_start3A_369 : memref<16x128xf32, #tpu.memory_space<vmem>>) target(%dma_start3A_366 : memref<16x128xf32, #tpu.memory_space<hbm>>) target_semaphore(%dma_start3A_364 : memref<!tpu.dma_semaphore, #tpu.memory_space<semaphore_mem>>)
      %dma_start3A_370 = arith.constant 0 : i32
      %dma_start3A_371 = arith.constant 1 : i32
      %dma_start3A_372 = arith.constant 16 : i32
      %dma_start3A_373 = arith.constant 0 : i32
      %dma_start3A_374 = tpu.memref_slice %arg8[%dma_start3A_372, %dma_start3A_373] : memref<32x128xf32, #tpu.memory_space<vmem>> -> memref<16x128xf32, #tpu.memory_space<vmem>>
      %dma_start3A_375 = arith.constant 0 : i32
      %dma_start3A_376 = tpu.memref_slice %arg3[%add3A_355, %dma_start3A_375] : memref<16384x128xf32, #tpu.memory_space<hbm>> -> memref<16x128xf32, #tpu.memory_space<hbm>>
      %dma_start3A_377 = tpu.memref_slice %arg13[%dma_start3A_370, %dma_start3A_371] : memref<4x2x!tpu.dma_semaphore, #tpu.memory_space<semaphore_mem>> -> memref<1x1x!tpu.dma_semaphore, #tpu.memory_space<semaphore_mem>>
      %dma_start3A_378 = tpu.memref_squeeze %dma_start3A_377 : memref<1x1x!tpu.dma_semaphore, #tpu.memory_space<semaphore_mem>> -> memref<!tpu.dma_semaphore, #tpu.memory_space<semaphore_mem>>
      %dma_start3A_379 = arith.constant 0 : i32
      %dma_start3A_380 = tpu.memref_slice %arg3[%add3A_355, %dma_start3A_379] : memref<16384x128xf32, #tpu.memory_space<hbm>> -> memref<16x128xf32, #tpu.memory_space<hbm>>
      %dma_start3A_381 = arith.constant 16 : i32
      %dma_start3A_382 = arith.constant 0 : i32
      %dma_start3A_383 = tpu.memref_slice %arg8[%dma_start3A_381, %dma_start3A_382] : memref<32x128xf32, #tpu.memory_space<vmem>> -> memref<16x128xf32, #tpu.memory_space<vmem>>
      tpu.enqueue_dma source(%dma_start3A_383 : memref<16x128xf32, #tpu.memory_space<vmem>>) target(%dma_start3A_380 : memref<16x128xf32, #tpu.memory_space<hbm>>) target_semaphore(%dma_start3A_378 : memref<!tpu.dma_semaphore, #tpu.memory_space<semaphore_mem>>)
      %add3A_384 = arith.constant 4 : i32
      %add3A_385 = arith.addi %add3A_313, %add3A_384 : i32
      %lt3A = arith.constant 16 : i32
      %lt3A_386 = arith.cmpi slt, %add3A_385, %lt3A : i32
      %convert_element_type3A_387 = arith.extui %lt3A_386 : i1 to i32
      %cond3A_388 = arith.constant 0 : i32
      %cond3A_389 = arith.cmpi ne, %convert_element_type3A_387, %cond3A_388 : i32
      scf.if %cond3A_389 {
        %add3A_645 = arith.constant 4 : i32
        %add3A_646 = arith.addi %add3A_313, %add3A_645 : i32
        %mul3A_647 = arith.constant 32 : i32
        %mul3A_648 = arith.muli %add3A_646, %mul3A_647 : i32
        %add3A_649 = arith.addi %mul3A_2, %mul3A_648 : i32
        %add3A_650 = arith.constant 16 : i32
        %add3A_651 = arith.addi %add3A_649, %add3A_650 : i32
        %dma_start3A_652 = arith.constant 0 : i32
        %dma_start3A_653 = arith.constant 0 : i32
        %dma_start3A_654 = arith.constant 0 : i32
        %dma_start3A_655 = arith.constant 0 : i32
        %dma_start3A_656 = tpu.memref_slice %arg4[%dma_start3A_654, %dma_start3A_655] : memref<32x256xf32, #tpu.memory_space<vmem>> -> memref<16x256xf32, #tpu.memory_space<vmem>>
        %dma_start3A_657 = arith.constant 0 : i32
        %dma_start3A_658 = tpu.memref_slice %arg2[%add3A_649, %dma_start3A_657] : memref<16384x256xf32, #tpu.memory_space<hbm>> -> memref<16x256xf32, #tpu.memory_space<hbm>>
        %dma_start3A_659 = tpu.memref_slice %arg12[%dma_start3A_652, %dma_start3A_653] : memref<4x2x!tpu.dma_semaphore, #tpu.memory_space<semaphore_mem>> -> memref<1x1x!tpu.dma_semaphore, #tpu.memory_space<semaphore_mem>>
        %dma_start3A_660 = tpu.memref_squeeze %dma_start3A_659 : memref<1x1x!tpu.dma_semaphore, #tpu.memory_space<semaphore_mem>> -> memref<!tpu.dma_semaphore, #tpu.memory_space<semaphore_mem>>
        %dma_start3A_661 = arith.constant 0 : i32
        %dma_start3A_662 = arith.constant 0 : i32
        %dma_start3A_663 = tpu.memref_slice %arg4[%dma_start3A_661, %dma_start3A_662] : memref<32x256xf32, #tpu.memory_space<vmem>> -> memref<16x256xf32, #tpu.memory_space<vmem>>
        %dma_start3A_664 = arith.constant 0 : i32
        %dma_start3A_665 = tpu.memref_slice %arg2[%add3A_649, %dma_start3A_664] : memref<16384x256xf32, #tpu.memory_space<hbm>> -> memref<16x256xf32, #tpu.memory_space<hbm>>
        tpu.enqueue_dma source(%dma_start3A_665 : memref<16x256xf32, #tpu.memory_space<hbm>>) target(%dma_start3A_663 : memref<16x256xf32, #tpu.memory_space<vmem>>) target_semaphore(%dma_start3A_660 : memref<!tpu.dma_semaphore, #tpu.memory_space<semaphore_mem>>)
        %dma_start3A_666 = arith.constant 0 : i32
        %dma_start3A_667 = arith.constant 1 : i32
        %dma_start3A_668 = arith.constant 16 : i32
        %dma_start3A_669 = arith.constant 0 : i32
        %dma_start3A_670 = tpu.memref_slice %arg4[%dma_start3A_668, %dma_start3A_669] : memref<32x256xf32, #tpu.memory_space<vmem>> -> memref<16x256xf32, #tpu.memory_space<vmem>>
        %dma_start3A_671 = arith.constant 0 : i32
        %dma_start3A_672 = tpu.memref_slice %arg2[%add3A_651, %dma_start3A_671] : memref<16384x256xf32, #tpu.memory_space<hbm>> -> memref<16x256xf32, #tpu.memory_space<hbm>>
        %dma_start3A_673 = tpu.memref_slice %arg12[%dma_start3A_666, %dma_start3A_667] : memref<4x2x!tpu.dma_semaphore, #tpu.memory_space<semaphore_mem>> -> memref<1x1x!tpu.dma_semaphore, #tpu.memory_space<semaphore_mem>>
        %dma_start3A_674 = tpu.memref_squeeze %dma_start3A_673 : memref<1x1x!tpu.dma_semaphore, #tpu.memory_space<semaphore_mem>> -> memref<!tpu.dma_semaphore, #tpu.memory_space<semaphore_mem>>
        %dma_start3A_675 = arith.constant 16 : i32
        %dma_start3A_676 = arith.constant 0 : i32
        %dma_start3A_677 = tpu.memref_slice %arg4[%dma_start3A_675, %dma_start3A_676] : memref<32x256xf32, #tpu.memory_space<vmem>> -> memref<16x256xf32, #tpu.memory_space<vmem>>
        %dma_start3A_678 = arith.constant 0 : i32
        %dma_start3A_679 = tpu.memref_slice %arg2[%add3A_651, %dma_start3A_678] : memref<16384x256xf32, #tpu.memory_space<hbm>> -> memref<16x256xf32, #tpu.memory_space<hbm>>
        tpu.enqueue_dma source(%dma_start3A_679 : memref<16x256xf32, #tpu.memory_space<hbm>>) target(%dma_start3A_677 : memref<16x256xf32, #tpu.memory_space<vmem>>) target_semaphore(%dma_start3A_674 : memref<!tpu.dma_semaphore, #tpu.memory_space<semaphore_mem>>)
      } else {
      }
      %mul3A_390 = arith.constant 4 : i32
      %mul3A_391 = arith.muli %scan3A_309, %mul3A_390 : i32
      %add3A_392 = arith.constant 1 : i32
      %add3A_393 = arith.addi %mul3A_391, %add3A_392 : i32
      %mul3A_394 = arith.constant 32 : i32
      %mul3A_395 = arith.muli %add3A_393, %mul3A_394 : i32
      %add3A_396 = arith.addi %mul3A_2, %mul3A_395 : i32
      %add3A_397 = arith.constant 16 : i32
      %add3A_398 = arith.addi %add3A_396, %add3A_397 : i32
      %dma_wait3A_399 = arith.constant 1 : i32
      %dma_wait3A_400 = arith.constant 0 : i32
      %dma_wait3A_401 = arith.constant 0 : i32
      %dma_wait3A_402 = arith.constant 0 : i32
      %dma_wait3A_403 = tpu.memref_slice %arg5[%dma_wait3A_401, %dma_wait3A_402] : memref<32x256xf32, #tpu.memory_space<vmem>> -> memref<16x256xf32, #tpu.memory_space<vmem>>
      %dma_wait3A_404 = arith.constant 0 : i32
      %dma_wait3A_405 = tpu.memref_slice %arg2[%add3A_396, %dma_wait3A_404] : memref<16384x256xf32, #tpu.memory_space<hbm>> -> memref<16x256xf32, #tpu.memory_space<hbm>>
      %dma_wait3A_406 = tpu.memref_slice %arg12[%dma_wait3A_399, %dma_wait3A_400] : memref<4x2x!tpu.dma_semaphore, #tpu.memory_space<semaphore_mem>> -> memref<1x1x!tpu.dma_semaphore, #tpu.memory_space<semaphore_mem>>
      %dma_wait3A_407 = tpu.memref_squeeze %dma_wait3A_406 : memref<1x1x!tpu.dma_semaphore, #tpu.memory_space<semaphore_mem>> -> memref<!tpu.dma_semaphore, #tpu.memory_space<semaphore_mem>>
      %dma_wait3A_408 = arith.constant 0 : i32
      %dma_wait3A_409 = arith.constant 0 : i32
      %dma_wait3A_410 = tpu.memref_slice %arg5[%dma_wait3A_408, %dma_wait3A_409] : memref<32x256xf32, #tpu.memory_space<vmem>> -> memref<16x256xf32, #tpu.memory_space<vmem>>
      %dma_wait3A_411 = arith.constant 0 : i32
      %dma_wait3A_412 = tpu.memref_slice %arg2[%add3A_396, %dma_wait3A_411] : memref<16384x256xf32, #tpu.memory_space<hbm>> -> memref<16x256xf32, #tpu.memory_space<hbm>>
      tpu.wait_dma2 semaphore(%dma_wait3A_407 : memref<!tpu.dma_semaphore, #tpu.memory_space<semaphore_mem>>) src(%dma_wait3A_412 : memref<16x256xf32, #tpu.memory_space<hbm>>) dst(%dma_wait3A_410 : memref<16x256xf32, #tpu.memory_space<vmem>>)
      %dma_wait3A_413 = arith.constant 1 : i32
      %dma_wait3A_414 = arith.constant 1 : i32
      %dma_wait3A_415 = arith.constant 16 : i32
      %dma_wait3A_416 = arith.constant 0 : i32
      %dma_wait3A_417 = tpu.memref_slice %arg5[%dma_wait3A_415, %dma_wait3A_416] : memref<32x256xf32, #tpu.memory_space<vmem>> -> memref<16x256xf32, #tpu.memory_space<vmem>>
      %dma_wait3A_418 = arith.constant 0 : i32
      %dma_wait3A_419 = tpu.memref_slice %arg2[%add3A_398, %dma_wait3A_418] : memref<16384x256xf32, #tpu.memory_space<hbm>> -> memref<16x256xf32, #tpu.memory_space<hbm>>
      %dma_wait3A_420 = tpu.memref_slice %arg12[%dma_wait3A_413, %dma_wait3A_414] : memref<4x2x!tpu.dma_semaphore, #tpu.memory_space<semaphore_mem>> -> memref<1x1x!tpu.dma_semaphore, #tpu.memory_space<semaphore_mem>>
      %dma_wait3A_421 = tpu.memref_squeeze %dma_wait3A_420 : memref<1x1x!tpu.dma_semaphore, #tpu.memory_space<semaphore_mem>> -> memref<!tpu.dma_semaphore, #tpu.memory_space<semaphore_mem>>
      %dma_wait3A_422 = arith.constant 16 : i32
      %dma_wait3A_423 = arith.constant 0 : i32
      %dma_wait3A_424 = tpu.memref_slice %arg5[%dma_wait3A_422, %dma_wait3A_423] : memref<32x256xf32, #tpu.memory_space<vmem>> -> memref<16x256xf32, #tpu.memory_space<vmem>>
      %dma_wait3A_425 = arith.constant 0 : i32
      %dma_wait3A_426 = tpu.memref_slice %arg2[%add3A_398, %dma_wait3A_425] : memref<16384x256xf32, #tpu.memory_space<hbm>> -> memref<16x256xf32, #tpu.memory_space<hbm>>
      tpu.wait_dma2 semaphore(%dma_wait3A_421 : memref<!tpu.dma_semaphore, #tpu.memory_space<semaphore_mem>>) src(%dma_wait3A_426 : memref<16x256xf32, #tpu.memory_space<hbm>>) dst(%dma_wait3A_424 : memref<16x256xf32, #tpu.memory_space<vmem>>)
      %ge3A_427 = arith.constant 4 : i32
      %ge3A_428 = arith.cmpi sge, %add3A_393, %ge3A_427 : i32
      %convert_element_type3A_429 = arith.extui %ge3A_428 : i1 to i32
      %cond3A_430 = arith.constant 0 : i32
      %cond3A_431 = arith.cmpi ne, %convert_element_type3A_429, %cond3A_430 : i32
      scf.if %cond3A_431 {
        %sub3A = arith.constant 4 : i32
        %sub3A_645 = arith.subi %add3A_393, %sub3A : i32
        %mul3A_646 = arith.constant 32 : i32
        %mul3A_647 = arith.muli %sub3A_645, %mul3A_646 : i32
        %add3A_648 = arith.addi %mul3A_2, %mul3A_647 : i32
        %add3A_649 = arith.constant 16 : i32
        %add3A_650 = arith.addi %add3A_648, %add3A_649 : i32
        %dma_wait3A_651 = arith.constant 1 : i32
        %dma_wait3A_652 = arith.constant 0 : i32
        %dma_wait3A_653 = arith.constant 0 : i32
        %dma_wait3A_654 = arith.constant 0 : i32
        %dma_wait3A_655 = tpu.memref_slice %arg9[%dma_wait3A_653, %dma_wait3A_654] : memref<32x128xf32, #tpu.memory_space<vmem>> -> memref<16x128xf32, #tpu.memory_space<vmem>>
        %dma_wait3A_656 = arith.constant 0 : i32
        %dma_wait3A_657 = tpu.memref_slice %arg3[%add3A_648, %dma_wait3A_656] : memref<16384x128xf32, #tpu.memory_space<hbm>> -> memref<16x128xf32, #tpu.memory_space<hbm>>
        %dma_wait3A_658 = tpu.memref_slice %arg13[%dma_wait3A_651, %dma_wait3A_652] : memref<4x2x!tpu.dma_semaphore, #tpu.memory_space<semaphore_mem>> -> memref<1x1x!tpu.dma_semaphore, #tpu.memory_space<semaphore_mem>>
        %dma_wait3A_659 = tpu.memref_squeeze %dma_wait3A_658 : memref<1x1x!tpu.dma_semaphore, #tpu.memory_space<semaphore_mem>> -> memref<!tpu.dma_semaphore, #tpu.memory_space<semaphore_mem>>
        %dma_wait3A_660 = arith.constant 0 : i32
        %dma_wait3A_661 = tpu.memref_slice %arg3[%add3A_648, %dma_wait3A_660] : memref<16384x128xf32, #tpu.memory_space<hbm>> -> memref<16x128xf32, #tpu.memory_space<hbm>>
        %dma_wait3A_662 = arith.constant 0 : i32
        %dma_wait3A_663 = arith.constant 0 : i32
        %dma_wait3A_664 = tpu.memref_slice %arg9[%dma_wait3A_662, %dma_wait3A_663] : memref<32x128xf32, #tpu.memory_space<vmem>> -> memref<16x128xf32, #tpu.memory_space<vmem>>
        tpu.wait_dma2 semaphore(%dma_wait3A_659 : memref<!tpu.dma_semaphore, #tpu.memory_space<semaphore_mem>>) src(%dma_wait3A_664 : memref<16x128xf32, #tpu.memory_space<vmem>>) dst(%dma_wait3A_661 : memref<16x128xf32, #tpu.memory_space<hbm>>)
        %dma_wait3A_665 = arith.constant 1 : i32
        %dma_wait3A_666 = arith.constant 1 : i32
        %dma_wait3A_667 = arith.constant 16 : i32
        %dma_wait3A_668 = arith.constant 0 : i32
        %dma_wait3A_669 = tpu.memref_slice %arg9[%dma_wait3A_667, %dma_wait3A_668] : memref<32x128xf32, #tpu.memory_space<vmem>> -> memref<16x128xf32, #tpu.memory_space<vmem>>
        %dma_wait3A_670 = arith.constant 0 : i32
        %dma_wait3A_671 = tpu.memref_slice %arg3[%add3A_650, %dma_wait3A_670] : memref<16384x128xf32, #tpu.memory_space<hbm>> -> memref<16x128xf32, #tpu.memory_space<hbm>>
        %dma_wait3A_672 = tpu.memref_slice %arg13[%dma_wait3A_665, %dma_wait3A_666] : memref<4x2x!tpu.dma_semaphore, #tpu.memory_space<semaphore_mem>> -> memref<1x1x!tpu.dma_semaphore, #tpu.memory_space<semaphore_mem>>
        %dma_wait3A_673 = tpu.memref_squeeze %dma_wait3A_672 : memref<1x1x!tpu.dma_semaphore, #tpu.memory_space<semaphore_mem>> -> memref<!tpu.dma_semaphore, #tpu.memory_space<semaphore_mem>>
        %dma_wait3A_674 = arith.constant 0 : i32
        %dma_wait3A_675 = tpu.memref_slice %arg3[%add3A_650, %dma_wait3A_674] : memref<16384x128xf32, #tpu.memory_space<hbm>> -> memref<16x128xf32, #tpu.memory_space<hbm>>
        %dma_wait3A_676 = arith.constant 16 : i32
        %dma_wait3A_677 = arith.constant 0 : i32
        %dma_wait3A_678 = tpu.memref_slice %arg9[%dma_wait3A_676, %dma_wait3A_677] : memref<32x128xf32, #tpu.memory_space<vmem>> -> memref<16x128xf32, #tpu.memory_space<vmem>>
        tpu.wait_dma2 semaphore(%dma_wait3A_673 : memref<!tpu.dma_semaphore, #tpu.memory_space<semaphore_mem>>) src(%dma_wait3A_678 : memref<16x128xf32, #tpu.memory_space<vmem>>) dst(%dma_wait3A_675 : memref<16x128xf32, #tpu.memory_space<hbm>>)
      } else {
      }
      %parallel_loop3A_432 = arith.constant 0 : i32
      %parallel_loop3A_433 = arith.constant 32 : i32
      %parallel_loop3A_434 = arith.constant 1 : i32
      scf.for %parallel_loop3A_645 = %parallel_loop3A_432 to %parallel_loop3A_433 step %parallel_loop3A_434  : i32 {
        %parallel_loop3A_646 = vector.broadcast %parallel_loop3A_645 : i32 to vector<16xi32>
        %parallel_loop3A_647 = tpu.vector_load_idx %arg5[%parallel_loop3A_646, %add3A_135] : memref<32x256xf32, #tpu.memory_space<vmem>>[vector<16xi32>, vector<16xi32>], vector<16xf32>,
        %parallel_loop3A_648 = arith.index_cast %parallel_loop3A_645 : i32 to index
        %parallel_loop3A_649 = arith.constant 0 : index
        %parallel_loop3A_650 = tpu.vector_load %arg9[%parallel_loop3A_648, %parallel_loop3A_649] {strides = array<i32>} : memref<32x128xf32, #tpu.memory_space<vmem>>, vector<16xf32>,
        tpu.vector_store %arg9[%parallel_loop3A_648, %parallel_loop3A_649], %parallel_loop3A_647 {strides = array<i32>} : memref<32x128xf32, #tpu.memory_space<vmem>>, vector<16xf32>,
        %parallel_loop3A_651 = tpu.vector_load_idx %arg5[%parallel_loop3A_646, %add3A_141] : memref<32x256xf32, #tpu.memory_space<vmem>>[vector<16xi32>, vector<16xi32>], vector<16xf32>,
        %parallel_loop3A_652 = arith.index_cast %parallel_loop3A_645 : i32 to index
        %parallel_loop3A_653 = arith.constant 16 : index
        %parallel_loop3A_654 = tpu.vector_load %arg9[%parallel_loop3A_652, %parallel_loop3A_653] {strides = array<i32>} : memref<32x128xf32, #tpu.memory_space<vmem>>, vector<16xf32>,
        tpu.vector_store %arg9[%parallel_loop3A_652, %parallel_loop3A_653], %parallel_loop3A_651 {strides = array<i32>} : memref<32x128xf32, #tpu.memory_space<vmem>>, vector<16xf32>,
        %parallel_loop3A_655 = tpu.vector_load_idx %arg5[%parallel_loop3A_646, %add3A_147] : memref<32x256xf32, #tpu.memory_space<vmem>>[vector<16xi32>, vector<16xi32>], vector<16xf32>,
        %parallel_loop3A_656 = arith.index_cast %parallel_loop3A_645 : i32 to index
        %parallel_loop3A_657 = arith.constant 32 : index
        %parallel_loop3A_658 = tpu.vector_load %arg9[%parallel_loop3A_656, %parallel_loop3A_657] {strides = array<i32>} : memref<32x128xf32, #tpu.memory_space<vmem>>, vector<16xf32>,
        tpu.vector_store %arg9[%parallel_loop3A_656, %parallel_loop3A_657], %parallel_loop3A_655 {strides = array<i32>} : memref<32x128xf32, #tpu.memory_space<vmem>>, vector<16xf32>,
        %parallel_loop3A_659 = tpu.vector_load_idx %arg5[%parallel_loop3A_646, %add3A_153] : memref<32x256xf32, #tpu.memory_space<vmem>>[vector<16xi32>, vector<16xi32>], vector<16xf32>,
        %parallel_loop3A_660 = arith.index_cast %parallel_loop3A_645 : i32 to index
        %parallel_loop3A_661 = arith.constant 48 : index
        %parallel_loop3A_662 = tpu.vector_load %arg9[%parallel_loop3A_660, %parallel_loop3A_661] {strides = array<i32>} : memref<32x128xf32, #tpu.memory_space<vmem>>, vector<16xf32>,
        tpu.vector_store %arg9[%parallel_loop3A_660, %parallel_loop3A_661], %parallel_loop3A_659 {strides = array<i32>} : memref<32x128xf32, #tpu.memory_space<vmem>>, vector<16xf32>,
        %parallel_loop3A_663 = tpu.vector_load_idx %arg5[%parallel_loop3A_646, %add3A_159] : memref<32x256xf32, #tpu.memory_space<vmem>>[vector<16xi32>, vector<16xi32>], vector<16xf32>,
        %parallel_loop3A_664 = arith.index_cast %parallel_loop3A_645 : i32 to index
        %parallel_loop3A_665 = arith.constant 64 : index
        %parallel_loop3A_666 = tpu.vector_load %arg9[%parallel_loop3A_664, %parallel_loop3A_665] {strides = array<i32>} : memref<32x128xf32, #tpu.memory_space<vmem>>, vector<16xf32>,
        tpu.vector_store %arg9[%parallel_loop3A_664, %parallel_loop3A_665], %parallel_loop3A_663 {strides = array<i32>} : memref<32x128xf32, #tpu.memory_space<vmem>>, vector<16xf32>,
        %parallel_loop3A_667 = tpu.vector_load_idx %arg5[%parallel_loop3A_646, %add3A_165] : memref<32x256xf32, #tpu.memory_space<vmem>>[vector<16xi32>, vector<16xi32>], vector<16xf32>,
        %parallel_loop3A_668 = arith.index_cast %parallel_loop3A_645 : i32 to index
        %parallel_loop3A_669 = arith.constant 80 : index
        %parallel_loop3A_670 = tpu.vector_load %arg9[%parallel_loop3A_668, %parallel_loop3A_669] {strides = array<i32>} : memref<32x128xf32, #tpu.memory_space<vmem>>, vector<16xf32>,
        tpu.vector_store %arg9[%parallel_loop3A_668, %parallel_loop3A_669], %parallel_loop3A_667 {strides = array<i32>} : memref<32x128xf32, #tpu.memory_space<vmem>>, vector<16xf32>,
        %parallel_loop3A_671 = tpu.vector_load_idx %arg5[%parallel_loop3A_646, %add3A_171] : memref<32x256xf32, #tpu.memory_space<vmem>>[vector<16xi32>, vector<16xi32>], vector<16xf32>,
        %parallel_loop3A_672 = arith.index_cast %parallel_loop3A_645 : i32 to index
        %parallel_loop3A_673 = arith.constant 96 : index
        %parallel_loop3A_674 = tpu.vector_load %arg9[%parallel_loop3A_672, %parallel_loop3A_673] {strides = array<i32>} : memref<32x128xf32, #tpu.memory_space<vmem>>, vector<16xf32>,
        tpu.vector_store %arg9[%parallel_loop3A_672, %parallel_loop3A_673], %parallel_loop3A_671 {strides = array<i32>} : memref<32x128xf32, #tpu.memory_space<vmem>>, vector<16xf32>,
        %parallel_loop3A_675 = tpu.vector_load_idx %arg5[%parallel_loop3A_646, %add3A_177] : memref<32x256xf32, #tpu.memory_space<vmem>>[vector<16xi32>, vector<16xi32>], vector<16xf32>,
        %parallel_loop3A_676 = arith.index_cast %parallel_loop3A_645 : i32 to index
        %parallel_loop3A_677 = arith.constant 112 : index
        %parallel_loop3A_678 = tpu.vector_load %arg9[%parallel_loop3A_676, %parallel_loop3A_677] {strides = array<i32>} : memref<32x128xf32, #tpu.memory_space<vmem>>, vector<16xf32>,
        tpu.vector_store %arg9[%parallel_loop3A_676, %parallel_loop3A_677], %parallel_loop3A_675 {strides = array<i32>} : memref<32x128xf32, #tpu.memory_space<vmem>>, vector<16xf32>,
      } {sc.loop_unroll_factor = 4 : i64, sc.parallel_access}
      %mul3A_435 = arith.constant 32 : i32
      %mul3A_436 = arith.muli %add3A_393, %mul3A_435 : i32
      %add3A_437 = arith.addi %mul3A_2, %mul3A_436 : i32
      %add3A_438 = arith.constant 16 : i32
      %add3A_439 = arith.addi %add3A_437, %add3A_438 : i32
      %dma_start3A_440 = arith.constant 1 : i32
      %dma_start3A_441 = arith.constant 0 : i32
      %dma_start3A_442 = arith.constant 0 : i32
      %dma_start3A_443 = arith.constant 0 : i32
      %dma_start3A_444 = tpu.memref_slice %arg9[%dma_start3A_442, %dma_start3A_443] : memref<32x128xf32, #tpu.memory_space<vmem>> -> memref<16x128xf32, #tpu.memory_space<vmem>>
      %dma_start3A_445 = arith.constant 0 : i32
      %dma_start3A_446 = tpu.memref_slice %arg3[%add3A_437, %dma_start3A_445] : memref<16384x128xf32, #tpu.memory_space<hbm>> -> memref<16x128xf32, #tpu.memory_space<hbm>>
      %dma_start3A_447 = tpu.memref_slice %arg13[%dma_start3A_440, %dma_start3A_441] : memref<4x2x!tpu.dma_semaphore, #tpu.memory_space<semaphore_mem>> -> memref<1x1x!tpu.dma_semaphore, #tpu.memory_space<semaphore_mem>>
      %dma_start3A_448 = tpu.memref_squeeze %dma_start3A_447 : memref<1x1x!tpu.dma_semaphore, #tpu.memory_space<semaphore_mem>> -> memref<!tpu.dma_semaphore, #tpu.memory_space<semaphore_mem>>
      %dma_start3A_449 = arith.constant 0 : i32
      %dma_start3A_450 = tpu.memref_slice %arg3[%add3A_437, %dma_start3A_449] : memref<16384x128xf32, #tpu.memory_space<hbm>> -> memref<16x128xf32, #tpu.memory_space<hbm>>
      %dma_start3A_451 = arith.constant 0 : i32
      %dma_start3A_452 = arith.constant 0 : i32
      %dma_start3A_453 = tpu.memref_slice %arg9[%dma_start3A_451, %dma_start3A_452] : memref<32x128xf32, #tpu.memory_space<vmem>> -> memref<16x128xf32, #tpu.memory_space<vmem>>
      tpu.enqueue_dma source(%dma_start3A_453 : memref<16x128xf32, #tpu.memory_space<vmem>>) target(%dma_start3A_450 : memref<16x128xf32, #tpu.memory_space<hbm>>) target_semaphore(%dma_start3A_448 : memref<!tpu.dma_semaphore, #tpu.memory_space<semaphore_mem>>)
      %dma_start3A_454 = arith.constant 1 : i32
      %dma_start3A_455 = arith.constant 1 : i32
      %dma_start3A_456 = arith.constant 16 : i32
      %dma_start3A_457 = arith.constant 0 : i32
      %dma_start3A_458 = tpu.memref_slice %arg9[%dma_start3A_456, %dma_start3A_457] : memref<32x128xf32, #tpu.memory_space<vmem>> -> memref<16x128xf32, #tpu.memory_space<vmem>>
      %dma_start3A_459 = arith.constant 0 : i32
      %dma_start3A_460 = tpu.memref_slice %arg3[%add3A_439, %dma_start3A_459] : memref<16384x128xf32, #tpu.memory_space<hbm>> -> memref<16x128xf32, #tpu.memory_space<hbm>>
      %dma_start3A_461 = tpu.memref_slice %arg13[%dma_start3A_454, %dma_start3A_455] : memref<4x2x!tpu.dma_semaphore, #tpu.memory_space<semaphore_mem>> -> memref<1x1x!tpu.dma_semaphore, #tpu.memory_space<semaphore_mem>>
      %dma_start3A_462 = tpu.memref_squeeze %dma_start3A_461 : memref<1x1x!tpu.dma_semaphore, #tpu.memory_space<semaphore_mem>> -> memref<!tpu.dma_semaphore, #tpu.memory_space<semaphore_mem>>
      %dma_start3A_463 = arith.constant 0 : i32
      %dma_start3A_464 = tpu.memref_slice %arg3[%add3A_439, %dma_start3A_463] : memref<16384x128xf32, #tpu.memory_space<hbm>> -> memref<16x128xf32, #tpu.memory_space<hbm>>
      %dma_start3A_465 = arith.constant 16 : i32
      %dma_start3A_466 = arith.constant 0 : i32
      %dma_start3A_467 = tpu.memref_slice %arg9[%dma_start3A_465, %dma_start3A_466] : memref<32x128xf32, #tpu.memory_space<vmem>> -> memref<16x128xf32, #tpu.memory_space<vmem>>
      tpu.enqueue_dma source(%dma_start3A_467 : memref<16x128xf32, #tpu.memory_space<vmem>>) target(%dma_start3A_464 : memref<16x128xf32, #tpu.memory_space<hbm>>) target_semaphore(%dma_start3A_462 : memref<!tpu.dma_semaphore, #tpu.memory_space<semaphore_mem>>)
      %add3A_468 = arith.constant 4 : i32
      %add3A_469 = arith.addi %add3A_393, %add3A_468 : i32
      %lt3A_470 = arith.constant 16 : i32
      %lt3A_471 = arith.cmpi slt, %add3A_469, %lt3A_470 : i32
      %convert_element_type3A_472 = arith.extui %lt3A_471 : i1 to i32
      %cond3A_473 = arith.constant 0 : i32
      %cond3A_474 = arith.cmpi ne, %convert_element_type3A_472, %cond3A_473 : i32
      scf.if %cond3A_474 {
        %add3A_645 = arith.constant 4 : i32
        %add3A_646 = arith.addi %add3A_393, %add3A_645 : i32
        %mul3A_647 = arith.constant 32 : i32
        %mul3A_648 = arith.muli %add3A_646, %mul3A_647 : i32
        %add3A_649 = arith.addi %mul3A_2, %mul3A_648 : i32
        %add3A_650 = arith.constant 16 : i32
        %add3A_651 = arith.addi %add3A_649, %add3A_650 : i32
        %dma_start3A_652 = arith.constant 1 : i32
        %dma_start3A_653 = arith.constant 0 : i32
        %dma_start3A_654 = arith.constant 0 : i32
        %dma_start3A_655 = arith.constant 0 : i32
        %dma_start3A_656 = tpu.memref_slice %arg5[%dma_start3A_654, %dma_start3A_655] : memref<32x256xf32, #tpu.memory_space<vmem>> -> memref<16x256xf32, #tpu.memory_space<vmem>>
        %dma_start3A_657 = arith.constant 0 : i32
        %dma_start3A_658 = tpu.memref_slice %arg2[%add3A_649, %dma_start3A_657] : memref<16384x256xf32, #tpu.memory_space<hbm>> -> memref<16x256xf32, #tpu.memory_space<hbm>>
        %dma_start3A_659 = tpu.memref_slice %arg12[%dma_start3A_652, %dma_start3A_653] : memref<4x2x!tpu.dma_semaphore, #tpu.memory_space<semaphore_mem>> -> memref<1x1x!tpu.dma_semaphore, #tpu.memory_space<semaphore_mem>>
        %dma_start3A_660 = tpu.memref_squeeze %dma_start3A_659 : memref<1x1x!tpu.dma_semaphore, #tpu.memory_space<semaphore_mem>> -> memref<!tpu.dma_semaphore, #tpu.memory_space<semaphore_mem>>
        %dma_start3A_661 = arith.constant 0 : i32
        %dma_start3A_662 = arith.constant 0 : i32
        %dma_start3A_663 = tpu.memref_slice %arg5[%dma_start3A_661, %dma_start3A_662] : memref<32x256xf32, #tpu.memory_space<vmem>> -> memref<16x256xf32, #tpu.memory_space<vmem>>
        %dma_start3A_664 = arith.constant 0 : i32
        %dma_start3A_665 = tpu.memref_slice %arg2[%add3A_649, %dma_start3A_664] : memref<16384x256xf32, #tpu.memory_space<hbm>> -> memref<16x256xf32, #tpu.memory_space<hbm>>
        tpu.enqueue_dma source(%dma_start3A_665 : memref<16x256xf32, #tpu.memory_space<hbm>>) target(%dma_start3A_663 : memref<16x256xf32, #tpu.memory_space<vmem>>) target_semaphore(%dma_start3A_660 : memref<!tpu.dma_semaphore, #tpu.memory_space<semaphore_mem>>)
        %dma_start3A_666 = arith.constant 1 : i32
        %dma_start3A_667 = arith.constant 1 : i32
        %dma_start3A_668 = arith.constant 16 : i32
        %dma_start3A_669 = arith.constant 0 : i32
        %dma_start3A_670 = tpu.memref_slice %arg5[%dma_start3A_668, %dma_start3A_669] : memref<32x256xf32, #tpu.memory_space<vmem>> -> memref<16x256xf32, #tpu.memory_space<vmem>>
        %dma_start3A_671 = arith.constant 0 : i32
        %dma_start3A_672 = tpu.memref_slice %arg2[%add3A_651, %dma_start3A_671] : memref<16384x256xf32, #tpu.memory_space<hbm>> -> memref<16x256xf32, #tpu.memory_space<hbm>>
        %dma_start3A_673 = tpu.memref_slice %arg12[%dma_start3A_666, %dma_start3A_667] : memref<4x2x!tpu.dma_semaphore, #tpu.memory_space<semaphore_mem>> -> memref<1x1x!tpu.dma_semaphore, #tpu.memory_space<semaphore_mem>>
        %dma_start3A_674 = tpu.memref_squeeze %dma_start3A_673 : memref<1x1x!tpu.dma_semaphore, #tpu.memory_space<semaphore_mem>> -> memref<!tpu.dma_semaphore, #tpu.memory_space<semaphore_mem>>
        %dma_start3A_675 = arith.constant 16 : i32
        %dma_start3A_676 = arith.constant 0 : i32
        %dma_start3A_677 = tpu.memref_slice %arg5[%dma_start3A_675, %dma_start3A_676] : memref<32x256xf32, #tpu.memory_space<vmem>> -> memref<16x256xf32, #tpu.memory_space<vmem>>
        %dma_start3A_678 = arith.constant 0 : i32
        %dma_start3A_679 = tpu.memref_slice %arg2[%add3A_651, %dma_start3A_678] : memref<16384x256xf32, #tpu.memory_space<hbm>> -> memref<16x256xf32, #tpu.memory_space<hbm>>
        tpu.enqueue_dma source(%dma_start3A_679 : memref<16x256xf32, #tpu.memory_space<hbm>>) target(%dma_start3A_677 : memref<16x256xf32, #tpu.memory_space<vmem>>) target_semaphore(%dma_start3A_674 : memref<!tpu.dma_semaphore, #tpu.memory_space<semaphore_mem>>)
      } else {
      }
      %mul3A_475 = arith.constant 4 : i32
      %mul3A_476 = arith.muli %scan3A_309, %mul3A_475 : i32
      %add3A_477 = arith.constant 2 : i32
      %add3A_478 = arith.addi %mul3A_476, %add3A_477 : i32
      %mul3A_479 = arith.constant 32 : i32
      %mul3A_480 = arith.muli %add3A_478, %mul3A_479 : i32
      %add3A_481 = arith.addi %mul3A_2, %mul3A_480 : i32
      %add3A_482 = arith.constant 16 : i32
      %add3A_483 = arith.addi %add3A_481, %add3A_482 : i32
      %dma_wait3A_484 = arith.constant 2 : i32
      %dma_wait3A_485 = arith.constant 0 : i32
      %dma_wait3A_486 = arith.constant 0 : i32
      %dma_wait3A_487 = arith.constant 0 : i32
      %dma_wait3A_488 = tpu.memref_slice %arg6[%dma_wait3A_486, %dma_wait3A_487] : memref<32x256xf32, #tpu.memory_space<vmem>> -> memref<16x256xf32, #tpu.memory_space<vmem>>
      %dma_wait3A_489 = arith.constant 0 : i32
      %dma_wait3A_490 = tpu.memref_slice %arg2[%add3A_481, %dma_wait3A_489] : memref<16384x256xf32, #tpu.memory_space<hbm>> -> memref<16x256xf32, #tpu.memory_space<hbm>>
      %dma_wait3A_491 = tpu.memref_slice %arg12[%dma_wait3A_484, %dma_wait3A_485] : memref<4x2x!tpu.dma_semaphore, #tpu.memory_space<semaphore_mem>> -> memref<1x1x!tpu.dma_semaphore, #tpu.memory_space<semaphore_mem>>
      %dma_wait3A_492 = tpu.memref_squeeze %dma_wait3A_491 : memref<1x1x!tpu.dma_semaphore, #tpu.memory_space<semaphore_mem>> -> memref<!tpu.dma_semaphore, #tpu.memory_space<semaphore_mem>>
      %dma_wait3A_493 = arith.constant 0 : i32
      %dma_wait3A_494 = arith.constant 0 : i32
      %dma_wait3A_495 = tpu.memref_slice %arg6[%dma_wait3A_493, %dma_wait3A_494] : memref<32x256xf32, #tpu.memory_space<vmem>> -> memref<16x256xf32, #tpu.memory_space<vmem>>
      %dma_wait3A_496 = arith.constant 0 : i32
      %dma_wait3A_497 = tpu.memref_slice %arg2[%add3A_481, %dma_wait3A_496] : memref<16384x256xf32, #tpu.memory_space<hbm>> -> memref<16x256xf32, #tpu.memory_space<hbm>>
      tpu.wait_dma2 semaphore(%dma_wait3A_492 : memref<!tpu.dma_semaphore, #tpu.memory_space<semaphore_mem>>) src(%dma_wait3A_497 : memref<16x256xf32, #tpu.memory_space<hbm>>) dst(%dma_wait3A_495 : memref<16x256xf32, #tpu.memory_space<vmem>>)
      %dma_wait3A_498 = arith.constant 2 : i32
      %dma_wait3A_499 = arith.constant 1 : i32
      %dma_wait3A_500 = arith.constant 16 : i32
      %dma_wait3A_501 = arith.constant 0 : i32
      %dma_wait3A_502 = tpu.memref_slice %arg6[%dma_wait3A_500, %dma_wait3A_501] : memref<32x256xf32, #tpu.memory_space<vmem>> -> memref<16x256xf32, #tpu.memory_space<vmem>>
      %dma_wait3A_503 = arith.constant 0 : i32
      %dma_wait3A_504 = tpu.memref_slice %arg2[%add3A_483, %dma_wait3A_503] : memref<16384x256xf32, #tpu.memory_space<hbm>> -> memref<16x256xf32, #tpu.memory_space<hbm>>
      %dma_wait3A_505 = tpu.memref_slice %arg12[%dma_wait3A_498, %dma_wait3A_499] : memref<4x2x!tpu.dma_semaphore, #tpu.memory_space<semaphore_mem>> -> memref<1x1x!tpu.dma_semaphore, #tpu.memory_space<semaphore_mem>>
      %dma_wait3A_506 = tpu.memref_squeeze %dma_wait3A_505 : memref<1x1x!tpu.dma_semaphore, #tpu.memory_space<semaphore_mem>> -> memref<!tpu.dma_semaphore, #tpu.memory_space<semaphore_mem>>
      %dma_wait3A_507 = arith.constant 16 : i32
      %dma_wait3A_508 = arith.constant 0 : i32
      %dma_wait3A_509 = tpu.memref_slice %arg6[%dma_wait3A_507, %dma_wait3A_508] : memref<32x256xf32, #tpu.memory_space<vmem>> -> memref<16x256xf32, #tpu.memory_space<vmem>>
      %dma_wait3A_510 = arith.constant 0 : i32
      %dma_wait3A_511 = tpu.memref_slice %arg2[%add3A_483, %dma_wait3A_510] : memref<16384x256xf32, #tpu.memory_space<hbm>> -> memref<16x256xf32, #tpu.memory_space<hbm>>
      tpu.wait_dma2 semaphore(%dma_wait3A_506 : memref<!tpu.dma_semaphore, #tpu.memory_space<semaphore_mem>>) src(%dma_wait3A_511 : memref<16x256xf32, #tpu.memory_space<hbm>>) dst(%dma_wait3A_509 : memref<16x256xf32, #tpu.memory_space<vmem>>)
      %ge3A_512 = arith.constant 4 : i32
      %ge3A_513 = arith.cmpi sge, %add3A_478, %ge3A_512 : i32
      %convert_element_type3A_514 = arith.extui %ge3A_513 : i1 to i32
      %cond3A_515 = arith.constant 0 : i32
      %cond3A_516 = arith.cmpi ne, %convert_element_type3A_514, %cond3A_515 : i32
      scf.if %cond3A_516 {
        %sub3A = arith.constant 4 : i32
        %sub3A_645 = arith.subi %add3A_478, %sub3A : i32
        %mul3A_646 = arith.constant 32 : i32
        %mul3A_647 = arith.muli %sub3A_645, %mul3A_646 : i32
        %add3A_648 = arith.addi %mul3A_2, %mul3A_647 : i32
        %add3A_649 = arith.constant 16 : i32
        %add3A_650 = arith.addi %add3A_648, %add3A_649 : i32
        %dma_wait3A_651 = arith.constant 2 : i32
        %dma_wait3A_652 = arith.constant 0 : i32
        %dma_wait3A_653 = arith.constant 0 : i32
        %dma_wait3A_654 = arith.constant 0 : i32
        %dma_wait3A_655 = tpu.memref_slice %arg10[%dma_wait3A_653, %dma_wait3A_654] : memref<32x128xf32, #tpu.memory_space<vmem>> -> memref<16x128xf32, #tpu.memory_space<vmem>>
        %dma_wait3A_656 = arith.constant 0 : i32
        %dma_wait3A_657 = tpu.memref_slice %arg3[%add3A_648, %dma_wait3A_656] : memref<16384x128xf32, #tpu.memory_space<hbm>> -> memref<16x128xf32, #tpu.memory_space<hbm>>
        %dma_wait3A_658 = tpu.memref_slice %arg13[%dma_wait3A_651, %dma_wait3A_652] : memref<4x2x!tpu.dma_semaphore, #tpu.memory_space<semaphore_mem>> -> memref<1x1x!tpu.dma_semaphore, #tpu.memory_space<semaphore_mem>>
        %dma_wait3A_659 = tpu.memref_squeeze %dma_wait3A_658 : memref<1x1x!tpu.dma_semaphore, #tpu.memory_space<semaphore_mem>> -> memref<!tpu.dma_semaphore, #tpu.memory_space<semaphore_mem>>
        %dma_wait3A_660 = arith.constant 0 : i32
        %dma_wait3A_661 = tpu.memref_slice %arg3[%add3A_648, %dma_wait3A_660] : memref<16384x128xf32, #tpu.memory_space<hbm>> -> memref<16x128xf32, #tpu.memory_space<hbm>>
        %dma_wait3A_662 = arith.constant 0 : i32
        %dma_wait3A_663 = arith.constant 0 : i32
        %dma_wait3A_664 = tpu.memref_slice %arg10[%dma_wait3A_662, %dma_wait3A_663] : memref<32x128xf32, #tpu.memory_space<vmem>> -> memref<16x128xf32, #tpu.memory_space<vmem>>
        tpu.wait_dma2 semaphore(%dma_wait3A_659 : memref<!tpu.dma_semaphore, #tpu.memory_space<semaphore_mem>>) src(%dma_wait3A_664 : memref<16x128xf32, #tpu.memory_space<vmem>>) dst(%dma_wait3A_661 : memref<16x128xf32, #tpu.memory_space<hbm>>)
        %dma_wait3A_665 = arith.constant 2 : i32
        %dma_wait3A_666 = arith.constant 1 : i32
        %dma_wait3A_667 = arith.constant 16 : i32
        %dma_wait3A_668 = arith.constant 0 : i32
        %dma_wait3A_669 = tpu.memref_slice %arg10[%dma_wait3A_667, %dma_wait3A_668] : memref<32x128xf32, #tpu.memory_space<vmem>> -> memref<16x128xf32, #tpu.memory_space<vmem>>
        %dma_wait3A_670 = arith.constant 0 : i32
        %dma_wait3A_671 = tpu.memref_slice %arg3[%add3A_650, %dma_wait3A_670] : memref<16384x128xf32, #tpu.memory_space<hbm>> -> memref<16x128xf32, #tpu.memory_space<hbm>>
        %dma_wait3A_672 = tpu.memref_slice %arg13[%dma_wait3A_665, %dma_wait3A_666] : memref<4x2x!tpu.dma_semaphore, #tpu.memory_space<semaphore_mem>> -> memref<1x1x!tpu.dma_semaphore, #tpu.memory_space<semaphore_mem>>
        %dma_wait3A_673 = tpu.memref_squeeze %dma_wait3A_672 : memref<1x1x!tpu.dma_semaphore, #tpu.memory_space<semaphore_mem>> -> memref<!tpu.dma_semaphore, #tpu.memory_space<semaphore_mem>>
        %dma_wait3A_674 = arith.constant 0 : i32
        %dma_wait3A_675 = tpu.memref_slice %arg3[%add3A_650, %dma_wait3A_674] : memref<16384x128xf32, #tpu.memory_space<hbm>> -> memref<16x128xf32, #tpu.memory_space<hbm>>
        %dma_wait3A_676 = arith.constant 16 : i32
        %dma_wait3A_677 = arith.constant 0 : i32
        %dma_wait3A_678 = tpu.memref_slice %arg10[%dma_wait3A_676, %dma_wait3A_677] : memref<32x128xf32, #tpu.memory_space<vmem>> -> memref<16x128xf32, #tpu.memory_space<vmem>>
        tpu.wait_dma2 semaphore(%dma_wait3A_673 : memref<!tpu.dma_semaphore, #tpu.memory_space<semaphore_mem>>) src(%dma_wait3A_678 : memref<16x128xf32, #tpu.memory_space<vmem>>) dst(%dma_wait3A_675 : memref<16x128xf32, #tpu.memory_space<hbm>>)
      } else {
      }
      %parallel_loop3A_517 = arith.constant 0 : i32
      %parallel_loop3A_518 = arith.constant 32 : i32
      %parallel_loop3A_519 = arith.constant 1 : i32
      scf.for %parallel_loop3A_645 = %parallel_loop3A_517 to %parallel_loop3A_518 step %parallel_loop3A_519  : i32 {
        %parallel_loop3A_646 = vector.broadcast %parallel_loop3A_645 : i32 to vector<16xi32>
        %parallel_loop3A_647 = tpu.vector_load_idx %arg6[%parallel_loop3A_646, %add3A_135] : memref<32x256xf32, #tpu.memory_space<vmem>>[vector<16xi32>, vector<16xi32>], vector<16xf32>,
        %parallel_loop3A_648 = arith.index_cast %parallel_loop3A_645 : i32 to index
        %parallel_loop3A_649 = arith.constant 0 : index
        %parallel_loop3A_650 = tpu.vector_load %arg10[%parallel_loop3A_648, %parallel_loop3A_649] {strides = array<i32>} : memref<32x128xf32, #tpu.memory_space<vmem>>, vector<16xf32>,
        tpu.vector_store %arg10[%parallel_loop3A_648, %parallel_loop3A_649], %parallel_loop3A_647 {strides = array<i32>} : memref<32x128xf32, #tpu.memory_space<vmem>>, vector<16xf32>,
        %parallel_loop3A_651 = tpu.vector_load_idx %arg6[%parallel_loop3A_646, %add3A_141] : memref<32x256xf32, #tpu.memory_space<vmem>>[vector<16xi32>, vector<16xi32>], vector<16xf32>,
        %parallel_loop3A_652 = arith.index_cast %parallel_loop3A_645 : i32 to index
        %parallel_loop3A_653 = arith.constant 16 : index
        %parallel_loop3A_654 = tpu.vector_load %arg10[%parallel_loop3A_652, %parallel_loop3A_653] {strides = array<i32>} : memref<32x128xf32, #tpu.memory_space<vmem>>, vector<16xf32>,
        tpu.vector_store %arg10[%parallel_loop3A_652, %parallel_loop3A_653], %parallel_loop3A_651 {strides = array<i32>} : memref<32x128xf32, #tpu.memory_space<vmem>>, vector<16xf32>,
        %parallel_loop3A_655 = tpu.vector_load_idx %arg6[%parallel_loop3A_646, %add3A_147] : memref<32x256xf32, #tpu.memory_space<vmem>>[vector<16xi32>, vector<16xi32>], vector<16xf32>,
        %parallel_loop3A_656 = arith.index_cast %parallel_loop3A_645 : i32 to index
        %parallel_loop3A_657 = arith.constant 32 : index
        %parallel_loop3A_658 = tpu.vector_load %arg10[%parallel_loop3A_656, %parallel_loop3A_657] {strides = array<i32>} : memref<32x128xf32, #tpu.memory_space<vmem>>, vector<16xf32>,
        tpu.vector_store %arg10[%parallel_loop3A_656, %parallel_loop3A_657], %parallel_loop3A_655 {strides = array<i32>} : memref<32x128xf32, #tpu.memory_space<vmem>>, vector<16xf32>,
        %parallel_loop3A_659 = tpu.vector_load_idx %arg6[%parallel_loop3A_646, %add3A_153] : memref<32x256xf32, #tpu.memory_space<vmem>>[vector<16xi32>, vector<16xi32>], vector<16xf32>,
        %parallel_loop3A_660 = arith.index_cast %parallel_loop3A_645 : i32 to index
        %parallel_loop3A_661 = arith.constant 48 : index
        %parallel_loop3A_662 = tpu.vector_load %arg10[%parallel_loop3A_660, %parallel_loop3A_661] {strides = array<i32>} : memref<32x128xf32, #tpu.memory_space<vmem>>, vector<16xf32>,
        tpu.vector_store %arg10[%parallel_loop3A_660, %parallel_loop3A_661], %parallel_loop3A_659 {strides = array<i32>} : memref<32x128xf32, #tpu.memory_space<vmem>>, vector<16xf32>,
        %parallel_loop3A_663 = tpu.vector_load_idx %arg6[%parallel_loop3A_646, %add3A_159] : memref<32x256xf32, #tpu.memory_space<vmem>>[vector<16xi32>, vector<16xi32>], vector<16xf32>,
        %parallel_loop3A_664 = arith.index_cast %parallel_loop3A_645 : i32 to index
        %parallel_loop3A_665 = arith.constant 64 : index
        %parallel_loop3A_666 = tpu.vector_load %arg10[%parallel_loop3A_664, %parallel_loop3A_665] {strides = array<i32>} : memref<32x128xf32, #tpu.memory_space<vmem>>, vector<16xf32>,
        tpu.vector_store %arg10[%parallel_loop3A_664, %parallel_loop3A_665], %parallel_loop3A_663 {strides = array<i32>} : memref<32x128xf32, #tpu.memory_space<vmem>>, vector<16xf32>,
        %parallel_loop3A_667 = tpu.vector_load_idx %arg6[%parallel_loop3A_646, %add3A_165] : memref<32x256xf32, #tpu.memory_space<vmem>>[vector<16xi32>, vector<16xi32>], vector<16xf32>,
        %parallel_loop3A_668 = arith.index_cast %parallel_loop3A_645 : i32 to index
        %parallel_loop3A_669 = arith.constant 80 : index
        %parallel_loop3A_670 = tpu.vector_load %arg10[%parallel_loop3A_668, %parallel_loop3A_669] {strides = array<i32>} : memref<32x128xf32, #tpu.memory_space<vmem>>, vector<16xf32>,
        tpu.vector_store %arg10[%parallel_loop3A_668, %parallel_loop3A_669], %parallel_loop3A_667 {strides = array<i32>} : memref<32x128xf32, #tpu.memory_space<vmem>>, vector<16xf32>,
        %parallel_loop3A_671 = tpu.vector_load_idx %arg6[%parallel_loop3A_646, %add3A_171] : memref<32x256xf32, #tpu.memory_space<vmem>>[vector<16xi32>, vector<16xi32>], vector<16xf32>,
        %parallel_loop3A_672 = arith.index_cast %parallel_loop3A_645 : i32 to index
        %parallel_loop3A_673 = arith.constant 96 : index
        %parallel_loop3A_674 = tpu.vector_load %arg10[%parallel_loop3A_672, %parallel_loop3A_673] {strides = array<i32>} : memref<32x128xf32, #tpu.memory_space<vmem>>, vector<16xf32>,
        tpu.vector_store %arg10[%parallel_loop3A_672, %parallel_loop3A_673], %parallel_loop3A_671 {strides = array<i32>} : memref<32x128xf32, #tpu.memory_space<vmem>>, vector<16xf32>,
        %parallel_loop3A_675 = tpu.vector_load_idx %arg6[%parallel_loop3A_646, %add3A_177] : memref<32x256xf32, #tpu.memory_space<vmem>>[vector<16xi32>, vector<16xi32>], vector<16xf32>,
        %parallel_loop3A_676 = arith.index_cast %parallel_loop3A_645 : i32 to index
        %parallel_loop3A_677 = arith.constant 112 : index
        %parallel_loop3A_678 = tpu.vector_load %arg10[%parallel_loop3A_676, %parallel_loop3A_677] {strides = array<i32>} : memref<32x128xf32, #tpu.memory_space<vmem>>, vector<16xf32>,
        tpu.vector_store %arg10[%parallel_loop3A_676, %parallel_loop3A_677], %parallel_loop3A_675 {strides = array<i32>} : memref<32x128xf32, #tpu.memory_space<vmem>>, vector<16xf32>,
      } {sc.loop_unroll_factor = 4 : i64, sc.parallel_access}
      %mul3A_520 = arith.constant 32 : i32
      %mul3A_521 = arith.muli %add3A_478, %mul3A_520 : i32
      %add3A_522 = arith.addi %mul3A_2, %mul3A_521 : i32
      %add3A_523 = arith.constant 16 : i32
      %add3A_524 = arith.addi %add3A_522, %add3A_523 : i32
      %dma_start3A_525 = arith.constant 2 : i32
      %dma_start3A_526 = arith.constant 0 : i32
      %dma_start3A_527 = arith.constant 0 : i32
      %dma_start3A_528 = arith.constant 0 : i32
      %dma_start3A_529 = tpu.memref_slice %arg10[%dma_start3A_527, %dma_start3A_528] : memref<32x128xf32, #tpu.memory_space<vmem>> -> memref<16x128xf32, #tpu.memory_space<vmem>>
      %dma_start3A_530 = arith.constant 0 : i32
      %dma_start3A_531 = tpu.memref_slice %arg3[%add3A_522, %dma_start3A_530] : memref<16384x128xf32, #tpu.memory_space<hbm>> -> memref<16x128xf32, #tpu.memory_space<hbm>>
      %dma_start3A_532 = tpu.memref_slice %arg13[%dma_start3A_525, %dma_start3A_526] : memref<4x2x!tpu.dma_semaphore, #tpu.memory_space<semaphore_mem>> -> memref<1x1x!tpu.dma_semaphore, #tpu.memory_space<semaphore_mem>>
      %dma_start3A_533 = tpu.memref_squeeze %dma_start3A_532 : memref<1x1x!tpu.dma_semaphore, #tpu.memory_space<semaphore_mem>> -> memref<!tpu.dma_semaphore, #tpu.memory_space<semaphore_mem>>
      %dma_start3A_534 = arith.constant 0 : i32
      %dma_start3A_535 = tpu.memref_slice %arg3[%add3A_522, %dma_start3A_534] : memref<16384x128xf32, #tpu.memory_space<hbm>> -> memref<16x128xf32, #tpu.memory_space<hbm>>
      %dma_start3A_536 = arith.constant 0 : i32
      %dma_start3A_537 = arith.constant 0 : i32
      %dma_start3A_538 = tpu.memref_slice %arg10[%dma_start3A_536, %dma_start3A_537] : memref<32x128xf32, #tpu.memory_space<vmem>> -> memref<16x128xf32, #tpu.memory_space<vmem>>
      tpu.enqueue_dma source(%dma_start3A_538 : memref<16x128xf32, #tpu.memory_space<vmem>>) target(%dma_start3A_535 : memref<16x128xf32, #tpu.memory_space<hbm>>) target_semaphore(%dma_start3A_533 : memref<!tpu.dma_semaphore, #tpu.memory_space<semaphore_mem>>)
      %dma_start3A_539 = arith.constant 2 : i32
      %dma_start3A_540 = arith.constant 1 : i32
      %dma_start3A_541 = arith.constant 16 : i32
      %dma_start3A_542 = arith.constant 0 : i32
      %dma_start3A_543 = tpu.memref_slice %arg10[%dma_start3A_541, %dma_start3A_542] : memref<32x128xf32, #tpu.memory_space<vmem>> -> memref<16x128xf32, #tpu.memory_space<vmem>>
      %dma_start3A_544 = arith.constant 0 : i32
      %dma_start3A_545 = tpu.memref_slice %arg3[%add3A_524, %dma_start3A_544] : memref<16384x128xf32, #tpu.memory_space<hbm>> -> memref<16x128xf32, #tpu.memory_space<hbm>>
      %dma_start3A_546 = tpu.memref_slice %arg13[%dma_start3A_539, %dma_start3A_540] : memref<4x2x!tpu.dma_semaphore, #tpu.memory_space<semaphore_mem>> -> memref<1x1x!tpu.dma_semaphore, #tpu.memory_space<semaphore_mem>>
      %dma_start3A_547 = tpu.memref_squeeze %dma_start3A_546 : memref<1x1x!tpu.dma_semaphore, #tpu.memory_space<semaphore_mem>> -> memref<!tpu.dma_semaphore, #tpu.memory_space<semaphore_mem>>
      %dma_start3A_548 = arith.constant 0 : i32
      %dma_start3A_549 = tpu.memref_slice %arg3[%add3A_524, %dma_start3A_548] : memref<16384x128xf32, #tpu.memory_space<hbm>> -> memref<16x128xf32, #tpu.memory_space<hbm>>
      %dma_start3A_550 = arith.constant 16 : i32
      %dma_start3A_551 = arith.constant 0 : i32
      %dma_start3A_552 = tpu.memref_slice %arg10[%dma_start3A_550, %dma_start3A_551] : memref<32x128xf32, #tpu.memory_space<vmem>> -> memref<16x128xf32, #tpu.memory_space<vmem>>
      tpu.enqueue_dma source(%dma_start3A_552 : memref<16x128xf32, #tpu.memory_space<vmem>>) target(%dma_start3A_549 : memref<16x128xf32, #tpu.memory_space<hbm>>) target_semaphore(%dma_start3A_547 : memref<!tpu.dma_semaphore, #tpu.memory_space<semaphore_mem>>)
      %add3A_553 = arith.constant 4 : i32
      %add3A_554 = arith.addi %add3A_478, %add3A_553 : i32
      %lt3A_555 = arith.constant 16 : i32
      %lt3A_556 = arith.cmpi slt, %add3A_554, %lt3A_555 : i32
      %convert_element_type3A_557 = arith.extui %lt3A_556 : i1 to i32
      %cond3A_558 = arith.constant 0 : i32
      %cond3A_559 = arith.cmpi ne, %convert_element_type3A_557, %cond3A_558 : i32
      scf.if %cond3A_559 {
        %add3A_645 = arith.constant 4 : i32
        %add3A_646 = arith.addi %add3A_478, %add3A_645 : i32
        %mul3A_647 = arith.constant 32 : i32
        %mul3A_648 = arith.muli %add3A_646, %mul3A_647 : i32
        %add3A_649 = arith.addi %mul3A_2, %mul3A_648 : i32
        %add3A_650 = arith.constant 16 : i32
        %add3A_651 = arith.addi %add3A_649, %add3A_650 : i32
        %dma_start3A_652 = arith.constant 2 : i32
        %dma_start3A_653 = arith.constant 0 : i32
        %dma_start3A_654 = arith.constant 0 : i32
        %dma_start3A_655 = arith.constant 0 : i32
        %dma_start3A_656 = tpu.memref_slice %arg6[%dma_start3A_654, %dma_start3A_655] : memref<32x256xf32, #tpu.memory_space<vmem>> -> memref<16x256xf32, #tpu.memory_space<vmem>>
        %dma_start3A_657 = arith.constant 0 : i32
        %dma_start3A_658 = tpu.memref_slice %arg2[%add3A_649, %dma_start3A_657] : memref<16384x256xf32, #tpu.memory_space<hbm>> -> memref<16x256xf32, #tpu.memory_space<hbm>>
        %dma_start3A_659 = tpu.memref_slice %arg12[%dma_start3A_652, %dma_start3A_653] : memref<4x2x!tpu.dma_semaphore, #tpu.memory_space<semaphore_mem>> -> memref<1x1x!tpu.dma_semaphore, #tpu.memory_space<semaphore_mem>>
        %dma_start3A_660 = tpu.memref_squeeze %dma_start3A_659 : memref<1x1x!tpu.dma_semaphore, #tpu.memory_space<semaphore_mem>> -> memref<!tpu.dma_semaphore, #tpu.memory_space<semaphore_mem>>
        %dma_start3A_661 = arith.constant 0 : i32
        %dma_start3A_662 = arith.constant 0 : i32
        %dma_start3A_663 = tpu.memref_slice %arg6[%dma_start3A_661, %dma_start3A_662] : memref<32x256xf32, #tpu.memory_space<vmem>> -> memref<16x256xf32, #tpu.memory_space<vmem>>
        %dma_start3A_664 = arith.constant 0 : i32
        %dma_start3A_665 = tpu.memref_slice %arg2[%add3A_649, %dma_start3A_664] : memref<16384x256xf32, #tpu.memory_space<hbm>> -> memref<16x256xf32, #tpu.memory_space<hbm>>
        tpu.enqueue_dma source(%dma_start3A_665 : memref<16x256xf32, #tpu.memory_space<hbm>>) target(%dma_start3A_663 : memref<16x256xf32, #tpu.memory_space<vmem>>) target_semaphore(%dma_start3A_660 : memref<!tpu.dma_semaphore, #tpu.memory_space<semaphore_mem>>)
        %dma_start3A_666 = arith.constant 2 : i32
        %dma_start3A_667 = arith.constant 1 : i32
        %dma_start3A_668 = arith.constant 16 : i32
        %dma_start3A_669 = arith.constant 0 : i32
        %dma_start3A_670 = tpu.memref_slice %arg6[%dma_start3A_668, %dma_start3A_669] : memref<32x256xf32, #tpu.memory_space<vmem>> -> memref<16x256xf32, #tpu.memory_space<vmem>>
        %dma_start3A_671 = arith.constant 0 : i32
        %dma_start3A_672 = tpu.memref_slice %arg2[%add3A_651, %dma_start3A_671] : memref<16384x256xf32, #tpu.memory_space<hbm>> -> memref<16x256xf32, #tpu.memory_space<hbm>>
        %dma_start3A_673 = tpu.memref_slice %arg12[%dma_start3A_666, %dma_start3A_667] : memref<4x2x!tpu.dma_semaphore, #tpu.memory_space<semaphore_mem>> -> memref<1x1x!tpu.dma_semaphore, #tpu.memory_space<semaphore_mem>>
        %dma_start3A_674 = tpu.memref_squeeze %dma_start3A_673 : memref<1x1x!tpu.dma_semaphore, #tpu.memory_space<semaphore_mem>> -> memref<!tpu.dma_semaphore, #tpu.memory_space<semaphore_mem>>
        %dma_start3A_675 = arith.constant 16 : i32
        %dma_start3A_676 = arith.constant 0 : i32
        %dma_start3A_677 = tpu.memref_slice %arg6[%dma_start3A_675, %dma_start3A_676] : memref<32x256xf32, #tpu.memory_space<vmem>> -> memref<16x256xf32, #tpu.memory_space<vmem>>
        %dma_start3A_678 = arith.constant 0 : i32
        %dma_start3A_679 = tpu.memref_slice %arg2[%add3A_651, %dma_start3A_678] : memref<16384x256xf32, #tpu.memory_space<hbm>> -> memref<16x256xf32, #tpu.memory_space<hbm>>
        tpu.enqueue_dma source(%dma_start3A_679 : memref<16x256xf32, #tpu.memory_space<hbm>>) target(%dma_start3A_677 : memref<16x256xf32, #tpu.memory_space<vmem>>) target_semaphore(%dma_start3A_674 : memref<!tpu.dma_semaphore, #tpu.memory_space<semaphore_mem>>)
      } else {
      }
      %mul3A_560 = arith.constant 4 : i32
      %mul3A_561 = arith.muli %scan3A_309, %mul3A_560 : i32
      %add3A_562 = arith.constant 3 : i32
      %add3A_563 = arith.addi %mul3A_561, %add3A_562 : i32
      %mul3A_564 = arith.constant 32 : i32
      %mul3A_565 = arith.muli %add3A_563, %mul3A_564 : i32
      %add3A_566 = arith.addi %mul3A_2, %mul3A_565 : i32
      %add3A_567 = arith.constant 16 : i32
      %add3A_568 = arith.addi %add3A_566, %add3A_567 : i32
      %dma_wait3A_569 = arith.constant 3 : i32
      %dma_wait3A_570 = arith.constant 0 : i32
      %dma_wait3A_571 = arith.constant 0 : i32
      %dma_wait3A_572 = arith.constant 0 : i32
      %dma_wait3A_573 = tpu.memref_slice %arg7[%dma_wait3A_571, %dma_wait3A_572] : memref<32x256xf32, #tpu.memory_space<vmem>> -> memref<16x256xf32, #tpu.memory_space<vmem>>
      %dma_wait3A_574 = arith.constant 0 : i32
      %dma_wait3A_575 = tpu.memref_slice %arg2[%add3A_566, %dma_wait3A_574] : memref<16384x256xf32, #tpu.memory_space<hbm>> -> memref<16x256xf32, #tpu.memory_space<hbm>>
      %dma_wait3A_576 = tpu.memref_slice %arg12[%dma_wait3A_569, %dma_wait3A_570] : memref<4x2x!tpu.dma_semaphore, #tpu.memory_space<semaphore_mem>> -> memref<1x1x!tpu.dma_semaphore, #tpu.memory_space<semaphore_mem>>
      %dma_wait3A_577 = tpu.memref_squeeze %dma_wait3A_576 : memref<1x1x!tpu.dma_semaphore, #tpu.memory_space<semaphore_mem>> -> memref<!tpu.dma_semaphore, #tpu.memory_space<semaphore_mem>>
      %dma_wait3A_578 = arith.constant 0 : i32
      %dma_wait3A_579 = arith.constant 0 : i32
      %dma_wait3A_580 = tpu.memref_slice %arg7[%dma_wait3A_578, %dma_wait3A_579] : memref<32x256xf32, #tpu.memory_space<vmem>> -> memref<16x256xf32, #tpu.memory_space<vmem>>
      %dma_wait3A_581 = arith.constant 0 : i32
      %dma_wait3A_582 = tpu.memref_slice %arg2[%add3A_566, %dma_wait3A_581] : memref<16384x256xf32, #tpu.memory_space<hbm>> -> memref<16x256xf32, #tpu.memory_space<hbm>>
      tpu.wait_dma2 semaphore(%dma_wait3A_577 : memref<!tpu.dma_semaphore, #tpu.memory_space<semaphore_mem>>) src(%dma_wait3A_582 : memref<16x256xf32, #tpu.memory_space<hbm>>) dst(%dma_wait3A_580 : memref<16x256xf32, #tpu.memory_space<vmem>>)
      %dma_wait3A_583 = arith.constant 3 : i32
      %dma_wait3A_584 = arith.constant 1 : i32
      %dma_wait3A_585 = arith.constant 16 : i32
      %dma_wait3A_586 = arith.constant 0 : i32
      %dma_wait3A_587 = tpu.memref_slice %arg7[%dma_wait3A_585, %dma_wait3A_586] : memref<32x256xf32, #tpu.memory_space<vmem>> -> memref<16x256xf32, #tpu.memory_space<vmem>>
      %dma_wait3A_588 = arith.constant 0 : i32
      %dma_wait3A_589 = tpu.memref_slice %arg2[%add3A_568, %dma_wait3A_588] : memref<16384x256xf32, #tpu.memory_space<hbm>> -> memref<16x256xf32, #tpu.memory_space<hbm>>
      %dma_wait3A_590 = tpu.memref_slice %arg12[%dma_wait3A_583, %dma_wait3A_584] : memref<4x2x!tpu.dma_semaphore, #tpu.memory_space<semaphore_mem>> -> memref<1x1x!tpu.dma_semaphore, #tpu.memory_space<semaphore_mem>>
      %dma_wait3A_591 = tpu.memref_squeeze %dma_wait3A_590 : memref<1x1x!tpu.dma_semaphore, #tpu.memory_space<semaphore_mem>> -> memref<!tpu.dma_semaphore, #tpu.memory_space<semaphore_mem>>
      %dma_wait3A_592 = arith.constant 16 : i32
      %dma_wait3A_593 = arith.constant 0 : i32
      %dma_wait3A_594 = tpu.memref_slice %arg7[%dma_wait3A_592, %dma_wait3A_593] : memref<32x256xf32, #tpu.memory_space<vmem>> -> memref<16x256xf32, #tpu.memory_space<vmem>>
      %dma_wait3A_595 = arith.constant 0 : i32
      %dma_wait3A_596 = tpu.memref_slice %arg2[%add3A_568, %dma_wait3A_595] : memref<16384x256xf32, #tpu.memory_space<hbm>> -> memref<16x256xf32, #tpu.memory_space<hbm>>
      tpu.wait_dma2 semaphore(%dma_wait3A_591 : memref<!tpu.dma_semaphore, #tpu.memory_space<semaphore_mem>>) src(%dma_wait3A_596 : memref<16x256xf32, #tpu.memory_space<hbm>>) dst(%dma_wait3A_594 : memref<16x256xf32, #tpu.memory_space<vmem>>)
      %ge3A_597 = arith.constant 4 : i32
      %ge3A_598 = arith.cmpi sge, %add3A_563, %ge3A_597 : i32
      %convert_element_type3A_599 = arith.extui %ge3A_598 : i1 to i32
      %cond3A_600 = arith.constant 0 : i32
      %cond3A_601 = arith.cmpi ne, %convert_element_type3A_599, %cond3A_600 : i32
      scf.if %cond3A_601 {
        %sub3A = arith.constant 4 : i32
        %sub3A_645 = arith.subi %add3A_563, %sub3A : i32
        %mul3A_646 = arith.constant 32 : i32
        %mul3A_647 = arith.muli %sub3A_645, %mul3A_646 : i32
        %add3A_648 = arith.addi %mul3A_2, %mul3A_647 : i32
        %add3A_649 = arith.constant 16 : i32
        %add3A_650 = arith.addi %add3A_648, %add3A_649 : i32
        %dma_wait3A_651 = arith.constant 3 : i32
        %dma_wait3A_652 = arith.constant 0 : i32
        %dma_wait3A_653 = arith.constant 0 : i32
        %dma_wait3A_654 = arith.constant 0 : i32
        %dma_wait3A_655 = tpu.memref_slice %arg11[%dma_wait3A_653, %dma_wait3A_654] : memref<32x128xf32, #tpu.memory_space<vmem>> -> memref<16x128xf32, #tpu.memory_space<vmem>>
        %dma_wait3A_656 = arith.constant 0 : i32
        %dma_wait3A_657 = tpu.memref_slice %arg3[%add3A_648, %dma_wait3A_656] : memref<16384x128xf32, #tpu.memory_space<hbm>> -> memref<16x128xf32, #tpu.memory_space<hbm>>
        %dma_wait3A_658 = tpu.memref_slice %arg13[%dma_wait3A_651, %dma_wait3A_652] : memref<4x2x!tpu.dma_semaphore, #tpu.memory_space<semaphore_mem>> -> memref<1x1x!tpu.dma_semaphore, #tpu.memory_space<semaphore_mem>>
        %dma_wait3A_659 = tpu.memref_squeeze %dma_wait3A_658 : memref<1x1x!tpu.dma_semaphore, #tpu.memory_space<semaphore_mem>> -> memref<!tpu.dma_semaphore, #tpu.memory_space<semaphore_mem>>
        %dma_wait3A_660 = arith.constant 0 : i32
        %dma_wait3A_661 = tpu.memref_slice %arg3[%add3A_648, %dma_wait3A_660] : memref<16384x128xf32, #tpu.memory_space<hbm>> -> memref<16x128xf32, #tpu.memory_space<hbm>>
        %dma_wait3A_662 = arith.constant 0 : i32
        %dma_wait3A_663 = arith.constant 0 : i32
        %dma_wait3A_664 = tpu.memref_slice %arg11[%dma_wait3A_662, %dma_wait3A_663] : memref<32x128xf32, #tpu.memory_space<vmem>> -> memref<16x128xf32, #tpu.memory_space<vmem>>
        tpu.wait_dma2 semaphore(%dma_wait3A_659 : memref<!tpu.dma_semaphore, #tpu.memory_space<semaphore_mem>>) src(%dma_wait3A_664 : memref<16x128xf32, #tpu.memory_space<vmem>>) dst(%dma_wait3A_661 : memref<16x128xf32, #tpu.memory_space<hbm>>)
        %dma_wait3A_665 = arith.constant 3 : i32
        %dma_wait3A_666 = arith.constant 1 : i32
        %dma_wait3A_667 = arith.constant 16 : i32
        %dma_wait3A_668 = arith.constant 0 : i32
        %dma_wait3A_669 = tpu.memref_slice %arg11[%dma_wait3A_667, %dma_wait3A_668] : memref<32x128xf32, #tpu.memory_space<vmem>> -> memref<16x128xf32, #tpu.memory_space<vmem>>
        %dma_wait3A_670 = arith.constant 0 : i32
        %dma_wait3A_671 = tpu.memref_slice %arg3[%add3A_650, %dma_wait3A_670] : memref<16384x128xf32, #tpu.memory_space<hbm>> -> memref<16x128xf32, #tpu.memory_space<hbm>>
        %dma_wait3A_672 = tpu.memref_slice %arg13[%dma_wait3A_665, %dma_wait3A_666] : memref<4x2x!tpu.dma_semaphore, #tpu.memory_space<semaphore_mem>> -> memref<1x1x!tpu.dma_semaphore, #tpu.memory_space<semaphore_mem>>
        %dma_wait3A_673 = tpu.memref_squeeze %dma_wait3A_672 : memref<1x1x!tpu.dma_semaphore, #tpu.memory_space<semaphore_mem>> -> memref<!tpu.dma_semaphore, #tpu.memory_space<semaphore_mem>>
        %dma_wait3A_674 = arith.constant 0 : i32
        %dma_wait3A_675 = tpu.memref_slice %arg3[%add3A_650, %dma_wait3A_674] : memref<16384x128xf32, #tpu.memory_space<hbm>> -> memref<16x128xf32, #tpu.memory_space<hbm>>
        %dma_wait3A_676 = arith.constant 16 : i32
        %dma_wait3A_677 = arith.constant 0 : i32
        %dma_wait3A_678 = tpu.memref_slice %arg11[%dma_wait3A_676, %dma_wait3A_677] : memref<32x128xf32, #tpu.memory_space<vmem>> -> memref<16x128xf32, #tpu.memory_space<vmem>>
        tpu.wait_dma2 semaphore(%dma_wait3A_673 : memref<!tpu.dma_semaphore, #tpu.memory_space<semaphore_mem>>) src(%dma_wait3A_678 : memref<16x128xf32, #tpu.memory_space<vmem>>) dst(%dma_wait3A_675 : memref<16x128xf32, #tpu.memory_space<hbm>>)
      } else {
      }
      %parallel_loop3A_602 = arith.constant 0 : i32
      %parallel_loop3A_603 = arith.constant 32 : i32
      %parallel_loop3A_604 = arith.constant 1 : i32
      scf.for %parallel_loop3A_645 = %parallel_loop3A_602 to %parallel_loop3A_603 step %parallel_loop3A_604  : i32 {
        %parallel_loop3A_646 = vector.broadcast %parallel_loop3A_645 : i32 to vector<16xi32>
        %parallel_loop3A_647 = tpu.vector_load_idx %arg7[%parallel_loop3A_646, %add3A_135] : memref<32x256xf32, #tpu.memory_space<vmem>>[vector<16xi32>, vector<16xi32>], vector<16xf32>,
        %parallel_loop3A_648 = arith.index_cast %parallel_loop3A_645 : i32 to index
        %parallel_loop3A_649 = arith.constant 0 : index
        %parallel_loop3A_650 = tpu.vector_load %arg11[%parallel_loop3A_648, %parallel_loop3A_649] {strides = array<i32>} : memref<32x128xf32, #tpu.memory_space<vmem>>, vector<16xf32>,
        tpu.vector_store %arg11[%parallel_loop3A_648, %parallel_loop3A_649], %parallel_loop3A_647 {strides = array<i32>} : memref<32x128xf32, #tpu.memory_space<vmem>>, vector<16xf32>,
        %parallel_loop3A_651 = tpu.vector_load_idx %arg7[%parallel_loop3A_646, %add3A_141] : memref<32x256xf32, #tpu.memory_space<vmem>>[vector<16xi32>, vector<16xi32>], vector<16xf32>,
        %parallel_loop3A_652 = arith.index_cast %parallel_loop3A_645 : i32 to index
        %parallel_loop3A_653 = arith.constant 16 : index
        %parallel_loop3A_654 = tpu.vector_load %arg11[%parallel_loop3A_652, %parallel_loop3A_653] {strides = array<i32>} : memref<32x128xf32, #tpu.memory_space<vmem>>, vector<16xf32>,
        tpu.vector_store %arg11[%parallel_loop3A_652, %parallel_loop3A_653], %parallel_loop3A_651 {strides = array<i32>} : memref<32x128xf32, #tpu.memory_space<vmem>>, vector<16xf32>,
        %parallel_loop3A_655 = tpu.vector_load_idx %arg7[%parallel_loop3A_646, %add3A_147] : memref<32x256xf32, #tpu.memory_space<vmem>>[vector<16xi32>, vector<16xi32>], vector<16xf32>,
        %parallel_loop3A_656 = arith.index_cast %parallel_loop3A_645 : i32 to index
        %parallel_loop3A_657 = arith.constant 32 : index
        %parallel_loop3A_658 = tpu.vector_load %arg11[%parallel_loop3A_656, %parallel_loop3A_657] {strides = array<i32>} : memref<32x128xf32, #tpu.memory_space<vmem>>, vector<16xf32>,
        tpu.vector_store %arg11[%parallel_loop3A_656, %parallel_loop3A_657], %parallel_loop3A_655 {strides = array<i32>} : memref<32x128xf32, #tpu.memory_space<vmem>>, vector<16xf32>,
        %parallel_loop3A_659 = tpu.vector_load_idx %arg7[%parallel_loop3A_646, %add3A_153] : memref<32x256xf32, #tpu.memory_space<vmem>>[vector<16xi32>, vector<16xi32>], vector<16xf32>,
        %parallel_loop3A_660 = arith.index_cast %parallel_loop3A_645 : i32 to index
        %parallel_loop3A_661 = arith.constant 48 : index
        %parallel_loop3A_662 = tpu.vector_load %arg11[%parallel_loop3A_660, %parallel_loop3A_661] {strides = array<i32>} : memref<32x128xf32, #tpu.memory_space<vmem>>, vector<16xf32>,
        tpu.vector_store %arg11[%parallel_loop3A_660, %parallel_loop3A_661], %parallel_loop3A_659 {strides = array<i32>} : memref<32x128xf32, #tpu.memory_space<vmem>>, vector<16xf32>,
        %parallel_loop3A_663 = tpu.vector_load_idx %arg7[%parallel_loop3A_646, %add3A_159] : memref<32x256xf32, #tpu.memory_space<vmem>>[vector<16xi32>, vector<16xi32>], vector<16xf32>,
        %parallel_loop3A_664 = arith.index_cast %parallel_loop3A_645 : i32 to index
        %parallel_loop3A_665 = arith.constant 64 : index
        %parallel_loop3A_666 = tpu.vector_load %arg11[%parallel_loop3A_664, %parallel_loop3A_665] {strides = array<i32>} : memref<32x128xf32, #tpu.memory_space<vmem>>, vector<16xf32>,
        tpu.vector_store %arg11[%parallel_loop3A_664, %parallel_loop3A_665], %parallel_loop3A_663 {strides = array<i32>} : memref<32x128xf32, #tpu.memory_space<vmem>>, vector<16xf32>,
        %parallel_loop3A_667 = tpu.vector_load_idx %arg7[%parallel_loop3A_646, %add3A_165] : memref<32x256xf32, #tpu.memory_space<vmem>>[vector<16xi32>, vector<16xi32>], vector<16xf32>,
        %parallel_loop3A_668 = arith.index_cast %parallel_loop3A_645 : i32 to index
        %parallel_loop3A_669 = arith.constant 80 : index
        %parallel_loop3A_670 = tpu.vector_load %arg11[%parallel_loop3A_668, %parallel_loop3A_669] {strides = array<i32>} : memref<32x128xf32, #tpu.memory_space<vmem>>, vector<16xf32>,
        tpu.vector_store %arg11[%parallel_loop3A_668, %parallel_loop3A_669], %parallel_loop3A_667 {strides = array<i32>} : memref<32x128xf32, #tpu.memory_space<vmem>>, vector<16xf32>,
        %parallel_loop3A_671 = tpu.vector_load_idx %arg7[%parallel_loop3A_646, %add3A_171] : memref<32x256xf32, #tpu.memory_space<vmem>>[vector<16xi32>, vector<16xi32>], vector<16xf32>,
        %parallel_loop3A_672 = arith.index_cast %parallel_loop3A_645 : i32 to index
        %parallel_loop3A_673 = arith.constant 96 : index
        %parallel_loop3A_674 = tpu.vector_load %arg11[%parallel_loop3A_672, %parallel_loop3A_673] {strides = array<i32>} : memref<32x128xf32, #tpu.memory_space<vmem>>, vector<16xf32>,
        tpu.vector_store %arg11[%parallel_loop3A_672, %parallel_loop3A_673], %parallel_loop3A_671 {strides = array<i32>} : memref<32x128xf32, #tpu.memory_space<vmem>>, vector<16xf32>,
        %parallel_loop3A_675 = tpu.vector_load_idx %arg7[%parallel_loop3A_646, %add3A_177] : memref<32x256xf32, #tpu.memory_space<vmem>>[vector<16xi32>, vector<16xi32>], vector<16xf32>,
        %parallel_loop3A_676 = arith.index_cast %parallel_loop3A_645 : i32 to index
        %parallel_loop3A_677 = arith.constant 112 : index
        %parallel_loop3A_678 = tpu.vector_load %arg11[%parallel_loop3A_676, %parallel_loop3A_677] {strides = array<i32>} : memref<32x128xf32, #tpu.memory_space<vmem>>, vector<16xf32>,
        tpu.vector_store %arg11[%parallel_loop3A_676, %parallel_loop3A_677], %parallel_loop3A_675 {strides = array<i32>} : memref<32x128xf32, #tpu.memory_space<vmem>>, vector<16xf32>,
      } {sc.loop_unroll_factor = 4 : i64, sc.parallel_access}
      %mul3A_605 = arith.constant 32 : i32
      %mul3A_606 = arith.muli %add3A_563, %mul3A_605 : i32
      %add3A_607 = arith.addi %mul3A_2, %mul3A_606 : i32
      %add3A_608 = arith.constant 16 : i32
      %add3A_609 = arith.addi %add3A_607, %add3A_608 : i32
      %dma_start3A_610 = arith.constant 3 : i32
      %dma_start3A_611 = arith.constant 0 : i32
      %dma_start3A_612 = arith.constant 0 : i32
      %dma_start3A_613 = arith.constant 0 : i32
      %dma_start3A_614 = tpu.memref_slice %arg11[%dma_start3A_612, %dma_start3A_613] : memref<32x128xf32, #tpu.memory_space<vmem>> -> memref<16x128xf32, #tpu.memory_space<vmem>>
      %dma_start3A_615 = arith.constant 0 : i32
      %dma_start3A_616 = tpu.memref_slice %arg3[%add3A_607, %dma_start3A_615] : memref<16384x128xf32, #tpu.memory_space<hbm>> -> memref<16x128xf32, #tpu.memory_space<hbm>>
      %dma_start3A_617 = tpu.memref_slice %arg13[%dma_start3A_610, %dma_start3A_611] : memref<4x2x!tpu.dma_semaphore, #tpu.memory_space<semaphore_mem>> -> memref<1x1x!tpu.dma_semaphore, #tpu.memory_space<semaphore_mem>>
      %dma_start3A_618 = tpu.memref_squeeze %dma_start3A_617 : memref<1x1x!tpu.dma_semaphore, #tpu.memory_space<semaphore_mem>> -> memref<!tpu.dma_semaphore, #tpu.memory_space<semaphore_mem>>
      %dma_start3A_619 = arith.constant 0 : i32
      %dma_start3A_620 = tpu.memref_slice %arg3[%add3A_607, %dma_start3A_619] : memref<16384x128xf32, #tpu.memory_space<hbm>> -> memref<16x128xf32, #tpu.memory_space<hbm>>
      %dma_start3A_621 = arith.constant 0 : i32
      %dma_start3A_622 = arith.constant 0 : i32
      %dma_start3A_623 = tpu.memref_slice %arg11[%dma_start3A_621, %dma_start3A_622] : memref<32x128xf32, #tpu.memory_space<vmem>> -> memref<16x128xf32, #tpu.memory_space<vmem>>
      tpu.enqueue_dma source(%dma_start3A_623 : memref<16x128xf32, #tpu.memory_space<vmem>>) target(%dma_start3A_620 : memref<16x128xf32, #tpu.memory_space<hbm>>) target_semaphore(%dma_start3A_618 : memref<!tpu.dma_semaphore, #tpu.memory_space<semaphore_mem>>)
      %dma_start3A_624 = arith.constant 3 : i32
      %dma_start3A_625 = arith.constant 1 : i32
      %dma_start3A_626 = arith.constant 16 : i32
      %dma_start3A_627 = arith.constant 0 : i32
      %dma_start3A_628 = tpu.memref_slice %arg11[%dma_start3A_626, %dma_start3A_627] : memref<32x128xf32, #tpu.memory_space<vmem>> -> memref<16x128xf32, #tpu.memory_space<vmem>>
      %dma_start3A_629 = arith.constant 0 : i32
      %dma_start3A_630 = tpu.memref_slice %arg3[%add3A_609, %dma_start3A_629] : memref<16384x128xf32, #tpu.memory_space<hbm>> -> memref<16x128xf32, #tpu.memory_space<hbm>>
      %dma_start3A_631 = tpu.memref_slice %arg13[%dma_start3A_624, %dma_start3A_625] : memref<4x2x!tpu.dma_semaphore, #tpu.memory_space<semaphore_mem>> -> memref<1x1x!tpu.dma_semaphore, #tpu.memory_space<semaphore_mem>>
      %dma_start3A_632 = tpu.memref_squeeze %dma_start3A_631 : memref<1x1x!tpu.dma_semaphore, #tpu.memory_space<semaphore_mem>> -> memref<!tpu.dma_semaphore, #tpu.memory_space<semaphore_mem>>
      %dma_start3A_633 = arith.constant 0 : i32
      %dma_start3A_634 = tpu.memref_slice %arg3[%add3A_609, %dma_start3A_633] : memref<16384x128xf32, #tpu.memory_space<hbm>> -> memref<16x128xf32, #tpu.memory_space<hbm>>
      %dma_start3A_635 = arith.constant 16 : i32
      %dma_start3A_636 = arith.constant 0 : i32
      %dma_start3A_637 = tpu.memref_slice %arg11[%dma_start3A_635, %dma_start3A_636] : memref<32x128xf32, #tpu.memory_space<vmem>> -> memref<16x128xf32, #tpu.memory_space<vmem>>
      tpu.enqueue_dma source(%dma_start3A_637 : memref<16x128xf32, #tpu.memory_space<vmem>>) target(%dma_start3A_634 : memref<16x128xf32, #tpu.memory_space<hbm>>) target_semaphore(%dma_start3A_632 : memref<!tpu.dma_semaphore, #tpu.memory_space<semaphore_mem>>)
      %add3A_638 = arith.constant 4 : i32
      %add3A_639 = arith.addi %add3A_563, %add3A_638 : i32
      %lt3A_640 = arith.constant 16 : i32
      %lt3A_641 = arith.cmpi slt, %add3A_639, %lt3A_640 : i32
      %convert_element_type3A_642 = arith.extui %lt3A_641 : i1 to i32
      %cond3A_643 = arith.constant 0 : i32
      %cond3A_644 = arith.cmpi ne, %convert_element_type3A_642, %cond3A_643 : i32
      scf.if %cond3A_644 {
        %add3A_645 = arith.constant 4 : i32
        %add3A_646 = arith.addi %add3A_563, %add3A_645 : i32
        %mul3A_647 = arith.constant 32 : i32
        %mul3A_648 = arith.muli %add3A_646, %mul3A_647 : i32
        %add3A_649 = arith.addi %mul3A_2, %mul3A_648 : i32
        %add3A_650 = arith.constant 16 : i32
        %add3A_651 = arith.addi %add3A_649, %add3A_650 : i32
        %dma_start3A_652 = arith.constant 3 : i32
        %dma_start3A_653 = arith.constant 0 : i32
        %dma_start3A_654 = arith.constant 0 : i32
        %dma_start3A_655 = arith.constant 0 : i32
        %dma_start3A_656 = tpu.memref_slice %arg7[%dma_start3A_654, %dma_start3A_655] : memref<32x256xf32, #tpu.memory_space<vmem>> -> memref<16x256xf32, #tpu.memory_space<vmem>>
        %dma_start3A_657 = arith.constant 0 : i32
        %dma_start3A_658 = tpu.memref_slice %arg2[%add3A_649, %dma_start3A_657] : memref<16384x256xf32, #tpu.memory_space<hbm>> -> memref<16x256xf32, #tpu.memory_space<hbm>>
        %dma_start3A_659 = tpu.memref_slice %arg12[%dma_start3A_652, %dma_start3A_653] : memref<4x2x!tpu.dma_semaphore, #tpu.memory_space<semaphore_mem>> -> memref<1x1x!tpu.dma_semaphore, #tpu.memory_space<semaphore_mem>>
        %dma_start3A_660 = tpu.memref_squeeze %dma_start3A_659 : memref<1x1x!tpu.dma_semaphore, #tpu.memory_space<semaphore_mem>> -> memref<!tpu.dma_semaphore, #tpu.memory_space<semaphore_mem>>
        %dma_start3A_661 = arith.constant 0 : i32
        %dma_start3A_662 = arith.constant 0 : i32
        %dma_start3A_663 = tpu.memref_slice %arg7[%dma_start3A_661, %dma_start3A_662] : memref<32x256xf32, #tpu.memory_space<vmem>> -> memref<16x256xf32, #tpu.memory_space<vmem>>
        %dma_start3A_664 = arith.constant 0 : i32
        %dma_start3A_665 = tpu.memref_slice %arg2[%add3A_649, %dma_start3A_664] : memref<16384x256xf32, #tpu.memory_space<hbm>> -> memref<16x256xf32, #tpu.memory_space<hbm>>
        tpu.enqueue_dma source(%dma_start3A_665 : memref<16x256xf32, #tpu.memory_space<hbm>>) target(%dma_start3A_663 : memref<16x256xf32, #tpu.memory_space<vmem>>) target_semaphore(%dma_start3A_660 : memref<!tpu.dma_semaphore, #tpu.memory_space<semaphore_mem>>)
        %dma_start3A_666 = arith.constant 3 : i32
        %dma_start3A_667 = arith.constant 1 : i32
        %dma_start3A_668 = arith.constant 16 : i32
        %dma_start3A_669 = arith.constant 0 : i32
        %dma_start3A_670 = tpu.memref_slice %arg7[%dma_start3A_668, %dma_start3A_669] : memref<32x256xf32, #tpu.memory_space<vmem>> -> memref<16x256xf32, #tpu.memory_space<vmem>>
        %dma_start3A_671 = arith.constant 0 : i32
        %dma_start3A_672 = tpu.memref_slice %arg2[%add3A_651, %dma_start3A_671] : memref<16384x256xf32, #tpu.memory_space<hbm>> -> memref<16x256xf32, #tpu.memory_space<hbm>>
        %dma_start3A_673 = tpu.memref_slice %arg12[%dma_start3A_666, %dma_start3A_667] : memref<4x2x!tpu.dma_semaphore, #tpu.memory_space<semaphore_mem>> -> memref<1x1x!tpu.dma_semaphore, #tpu.memory_space<semaphore_mem>>
        %dma_start3A_674 = tpu.memref_squeeze %dma_start3A_673 : memref<1x1x!tpu.dma_semaphore, #tpu.memory_space<semaphore_mem>> -> memref<!tpu.dma_semaphore, #tpu.memory_space<semaphore_mem>>
        %dma_start3A_675 = arith.constant 16 : i32
        %dma_start3A_676 = arith.constant 0 : i32
        %dma_start3A_677 = tpu.memref_slice %arg7[%dma_start3A_675, %dma_start3A_676] : memref<32x256xf32, #tpu.memory_space<vmem>> -> memref<16x256xf32, #tpu.memory_space<vmem>>
        %dma_start3A_678 = arith.constant 0 : i32
        %dma_start3A_679 = tpu.memref_slice %arg2[%add3A_651, %dma_start3A_678] : memref<16384x256xf32, #tpu.memory_space<hbm>> -> memref<16x256xf32, #tpu.memory_space<hbm>>
        tpu.enqueue_dma source(%dma_start3A_679 : memref<16x256xf32, #tpu.memory_space<hbm>>) target(%dma_start3A_677 : memref<16x256xf32, #tpu.memory_space<vmem>>) target_semaphore(%dma_start3A_674 : memref<!tpu.dma_semaphore, #tpu.memory_space<semaphore_mem>>)
      } else {
      }
    }
    %scan3A_181 = arith.constant 4 : i32
    %add3A_182 = arith.constant 384 : i32
    %add3A_183 = arith.addi %mul3A_2, %add3A_182 : i32
    %add3A_184 = arith.constant 16 : i32
    %add3A_185 = arith.addi %add3A_183, %add3A_184 : i32
    %dma_wait3A = arith.constant 0 : i32
    %dma_wait3A_186 = arith.constant 0 : i32
    %dma_wait3A_187 = arith.constant 0 : i32
    %dma_wait3A_188 = arith.constant 0 : i32
    %dma_wait3A_189 = tpu.memref_slice %arg8[%dma_wait3A_187, %dma_wait3A_188] : memref<32x128xf32, #tpu.memory_space<vmem>> -> memref<16x128xf32, #tpu.memory_space<vmem>>
    %dma_wait3A_190 = arith.constant 0 : i32
    %dma_wait3A_191 = tpu.memref_slice %arg3[%add3A_183, %dma_wait3A_190] : memref<16384x128xf32, #tpu.memory_space<hbm>> -> memref<16x128xf32, #tpu.memory_space<hbm>>
    %dma_wait3A_192 = tpu.memref_slice %arg13[%dma_wait3A, %dma_wait3A_186] : memref<4x2x!tpu.dma_semaphore, #tpu.memory_space<semaphore_mem>> -> memref<1x1x!tpu.dma_semaphore, #tpu.memory_space<semaphore_mem>>
    %dma_wait3A_193 = tpu.memref_squeeze %dma_wait3A_192 : memref<1x1x!tpu.dma_semaphore, #tpu.memory_space<semaphore_mem>> -> memref<!tpu.dma_semaphore, #tpu.memory_space<semaphore_mem>>
    %dma_wait3A_194 = arith.constant 0 : i32
    %dma_wait3A_195 = tpu.memref_slice %arg3[%add3A_183, %dma_wait3A_194] : memref<16384x128xf32, #tpu.memory_space<hbm>> -> memref<16x128xf32, #tpu.memory_space<hbm>>
    %dma_wait3A_196 = arith.constant 0 : i32
    %dma_wait3A_197 = arith.constant 0 : i32
    %dma_wait3A_198 = tpu.memref_slice %arg8[%dma_wait3A_196, %dma_wait3A_197] : memref<32x128xf32, #tpu.memory_space<vmem>> -> memref<16x128xf32, #tpu.memory_space<vmem>>
    tpu.wait_dma2 semaphore(%dma_wait3A_193 : memref<!tpu.dma_semaphore, #tpu.memory_space<semaphore_mem>>) src(%dma_wait3A_198 : memref<16x128xf32, #tpu.memory_space<vmem>>) dst(%dma_wait3A_195 : memref<16x128xf32, #tpu.memory_space<hbm>>)
    %dma_wait3A_199 = arith.constant 0 : i32
    %dma_wait3A_200 = arith.constant 1 : i32
    %dma_wait3A_201 = arith.constant 16 : i32
    %dma_wait3A_202 = arith.constant 0 : i32
    %dma_wait3A_203 = tpu.memref_slice %arg8[%dma_wait3A_201, %dma_wait3A_202] : memref<32x128xf32, #tpu.memory_space<vmem>> -> memref<16x128xf32, #tpu.memory_space<vmem>>
    %dma_wait3A_204 = arith.constant 0 : i32
    %dma_wait3A_205 = tpu.memref_slice %arg3[%add3A_185, %dma_wait3A_204] : memref<16384x128xf32, #tpu.memory_space<hbm>> -> memref<16x128xf32, #tpu.memory_space<hbm>>
    %dma_wait3A_206 = tpu.memref_slice %arg13[%dma_wait3A_199, %dma_wait3A_200] : memref<4x2x!tpu.dma_semaphore, #tpu.memory_space<semaphore_mem>> -> memref<1x1x!tpu.dma_semaphore, #tpu.memory_space<semaphore_mem>>
    %dma_wait3A_207 = tpu.memref_squeeze %dma_wait3A_206 : memref<1x1x!tpu.dma_semaphore, #tpu.memory_space<semaphore_mem>> -> memref<!tpu.dma_semaphore, #tpu.memory_space<semaphore_mem>>
    %dma_wait3A_208 = arith.constant 0 : i32
    %dma_wait3A_209 = tpu.memref_slice %arg3[%add3A_185, %dma_wait3A_208] : memref<16384x128xf32, #tpu.memory_space<hbm>> -> memref<16x128xf32, #tpu.memory_space<hbm>>
    %dma_wait3A_210 = arith.constant 16 : i32
    %dma_wait3A_211 = arith.constant 0 : i32
    %dma_wait3A_212 = tpu.memref_slice %arg8[%dma_wait3A_210, %dma_wait3A_211] : memref<32x128xf32, #tpu.memory_space<vmem>> -> memref<16x128xf32, #tpu.memory_space<vmem>>
    tpu.wait_dma2 semaphore(%dma_wait3A_207 : memref<!tpu.dma_semaphore, #tpu.memory_space<semaphore_mem>>) src(%dma_wait3A_212 : memref<16x128xf32, #tpu.memory_space<vmem>>) dst(%dma_wait3A_209 : memref<16x128xf32, #tpu.memory_space<hbm>>)
    %add3A_213 = arith.constant 416 : i32
    %add3A_214 = arith.addi %mul3A_2, %add3A_213 : i32
    %add3A_215 = arith.constant 16 : i32
    %add3A_216 = arith.addi %add3A_214, %add3A_215 : i32
    %dma_wait3A_217 = arith.constant 1 : i32
    %dma_wait3A_218 = arith.constant 0 : i32
    %dma_wait3A_219 = arith.constant 0 : i32
    %dma_wait3A_220 = arith.constant 0 : i32
    %dma_wait3A_221 = tpu.memref_slice %arg9[%dma_wait3A_219, %dma_wait3A_220] : memref<32x128xf32, #tpu.memory_space<vmem>> -> memref<16x128xf32, #tpu.memory_space<vmem>>
    %dma_wait3A_222 = arith.constant 0 : i32
    %dma_wait3A_223 = tpu.memref_slice %arg3[%add3A_214, %dma_wait3A_222] : memref<16384x128xf32, #tpu.memory_space<hbm>> -> memref<16x128xf32, #tpu.memory_space<hbm>>
    %dma_wait3A_224 = tpu.memref_slice %arg13[%dma_wait3A_217, %dma_wait3A_218] : memref<4x2x!tpu.dma_semaphore, #tpu.memory_space<semaphore_mem>> -> memref<1x1x!tpu.dma_semaphore, #tpu.memory_space<semaphore_mem>>
    %dma_wait3A_225 = tpu.memref_squeeze %dma_wait3A_224 : memref<1x1x!tpu.dma_semaphore, #tpu.memory_space<semaphore_mem>> -> memref<!tpu.dma_semaphore, #tpu.memory_space<semaphore_mem>>
    %dma_wait3A_226 = arith.constant 0 : i32
    %dma_wait3A_227 = tpu.memref_slice %arg3[%add3A_214, %dma_wait3A_226] : memref<16384x128xf32, #tpu.memory_space<hbm>> -> memref<16x128xf32, #tpu.memory_space<hbm>>
    %dma_wait3A_228 = arith.constant 0 : i32
    %dma_wait3A_229 = arith.constant 0 : i32
    %dma_wait3A_230 = tpu.memref_slice %arg9[%dma_wait3A_228, %dma_wait3A_229] : memref<32x128xf32, #tpu.memory_space<vmem>> -> memref<16x128xf32, #tpu.memory_space<vmem>>
    tpu.wait_dma2 semaphore(%dma_wait3A_225 : memref<!tpu.dma_semaphore, #tpu.memory_space<semaphore_mem>>) src(%dma_wait3A_230 : memref<16x128xf32, #tpu.memory_space<vmem>>) dst(%dma_wait3A_227 : memref<16x128xf32, #tpu.memory_space<hbm>>)
    %dma_wait3A_231 = arith.constant 1 : i32
    %dma_wait3A_232 = arith.constant 1 : i32
    %dma_wait3A_233 = arith.constant 16 : i32
    %dma_wait3A_234 = arith.constant 0 : i32
    %dma_wait3A_235 = tpu.memref_slice %arg9[%dma_wait3A_233, %dma_wait3A_234] : memref<32x128xf32, #tpu.memory_space<vmem>> -> memref<16x128xf32, #tpu.memory_space<vmem>>
    %dma_wait3A_236 = arith.constant 0 : i32
    %dma_wait3A_237 = tpu.memref_slice %arg3[%add3A_216, %dma_wait3A_236] : memref<16384x128xf32, #tpu.memory_space<hbm>> -> memref<16x128xf32, #tpu.memory_space<hbm>>
    %dma_wait3A_238 = tpu.memref_slice %arg13[%dma_wait3A_231, %dma_wait3A_232] : memref<4x2x!tpu.dma_semaphore, #tpu.memory_space<semaphore_mem>> -> memref<1x1x!tpu.dma_semaphore, #tpu.memory_space<semaphore_mem>>
    %dma_wait3A_239 = tpu.memref_squeeze %dma_wait3A_238 : memref<1x1x!tpu.dma_semaphore, #tpu.memory_space<semaphore_mem>> -> memref<!tpu.dma_semaphore, #tpu.memory_space<semaphore_mem>>
    %dma_wait3A_240 = arith.constant 0 : i32
    %dma_wait3A_241 = tpu.memref_slice %arg3[%add3A_216, %dma_wait3A_240] : memref<16384x128xf32, #tpu.memory_space<hbm>> -> memref<16x128xf32, #tpu.memory_space<hbm>>
    %dma_wait3A_242 = arith.constant 16 : i32
    %dma_wait3A_243 = arith.constant 0 : i32
    %dma_wait3A_244 = tpu.memref_slice %arg9[%dma_wait3A_242, %dma_wait3A_243] : memref<32x128xf32, #tpu.memory_space<vmem>> -> memref<16x128xf32, #tpu.memory_space<vmem>>
    tpu.wait_dma2 semaphore(%dma_wait3A_239 : memref<!tpu.dma_semaphore, #tpu.memory_space<semaphore_mem>>) src(%dma_wait3A_244 : memref<16x128xf32, #tpu.memory_space<vmem>>) dst(%dma_wait3A_241 : memref<16x128xf32, #tpu.memory_space<hbm>>)
    %add3A_245 = arith.constant 448 : i32
    %add3A_246 = arith.addi %mul3A_2, %add3A_245 : i32
    %add3A_247 = arith.constant 16 : i32
    %add3A_248 = arith.addi %add3A_246, %add3A_247 : i32
    %dma_wait3A_249 = arith.constant 2 : i32
    %dma_wait3A_250 = arith.constant 0 : i32
    %dma_wait3A_251 = arith.constant 0 : i32
    %dma_wait3A_252 = arith.constant 0 : i32
    %dma_wait3A_253 = tpu.memref_slice %arg10[%dma_wait3A_251, %dma_wait3A_252] : memref<32x128xf32, #tpu.memory_space<vmem>> -> memref<16x128xf32, #tpu.memory_space<vmem>>
    %dma_wait3A_254 = arith.constant 0 : i32
    %dma_wait3A_255 = tpu.memref_slice %arg3[%add3A_246, %dma_wait3A_254] : memref<16384x128xf32, #tpu.memory_space<hbm>> -> memref<16x128xf32, #tpu.memory_space<hbm>>
    %dma_wait3A_256 = tpu.memref_slice %arg13[%dma_wait3A_249, %dma_wait3A_250] : memref<4x2x!tpu.dma_semaphore, #tpu.memory_space<semaphore_mem>> -> memref<1x1x!tpu.dma_semaphore, #tpu.memory_space<semaphore_mem>>
    %dma_wait3A_257 = tpu.memref_squeeze %dma_wait3A_256 : memref<1x1x!tpu.dma_semaphore, #tpu.memory_space<semaphore_mem>> -> memref<!tpu.dma_semaphore, #tpu.memory_space<semaphore_mem>>
    %dma_wait3A_258 = arith.constant 0 : i32
    %dma_wait3A_259 = tpu.memref_slice %arg3[%add3A_246, %dma_wait3A_258] : memref<16384x128xf32, #tpu.memory_space<hbm>> -> memref<16x128xf32, #tpu.memory_space<hbm>>
    %dma_wait3A_260 = arith.constant 0 : i32
    %dma_wait3A_261 = arith.constant 0 : i32
    %dma_wait3A_262 = tpu.memref_slice %arg10[%dma_wait3A_260, %dma_wait3A_261] : memref<32x128xf32, #tpu.memory_space<vmem>> -> memref<16x128xf32, #tpu.memory_space<vmem>>
    tpu.wait_dma2 semaphore(%dma_wait3A_257 : memref<!tpu.dma_semaphore, #tpu.memory_space<semaphore_mem>>) src(%dma_wait3A_262 : memref<16x128xf32, #tpu.memory_space<vmem>>) dst(%dma_wait3A_259 : memref<16x128xf32, #tpu.memory_space<hbm>>)
    %dma_wait3A_263 = arith.constant 2 : i32
    %dma_wait3A_264 = arith.constant 1 : i32
    %dma_wait3A_265 = arith.constant 16 : i32
    %dma_wait3A_266 = arith.constant 0 : i32
    %dma_wait3A_267 = tpu.memref_slice %arg10[%dma_wait3A_265, %dma_wait3A_266] : memref<32x128xf32, #tpu.memory_space<vmem>> -> memref<16x128xf32, #tpu.memory_space<vmem>>
    %dma_wait3A_268 = arith.constant 0 : i32
    %dma_wait3A_269 = tpu.memref_slice %arg3[%add3A_248, %dma_wait3A_268] : memref<16384x128xf32, #tpu.memory_space<hbm>> -> memref<16x128xf32, #tpu.memory_space<hbm>>
    %dma_wait3A_270 = tpu.memref_slice %arg13[%dma_wait3A_263, %dma_wait3A_264] : memref<4x2x!tpu.dma_semaphore, #tpu.memory_space<semaphore_mem>> -> memref<1x1x!tpu.dma_semaphore, #tpu.memory_space<semaphore_mem>>
    %dma_wait3A_271 = tpu.memref_squeeze %dma_wait3A_270 : memref<1x1x!tpu.dma_semaphore, #tpu.memory_space<semaphore_mem>> -> memref<!tpu.dma_semaphore, #tpu.memory_space<semaphore_mem>>
    %dma_wait3A_272 = arith.constant 0 : i32
    %dma_wait3A_273 = tpu.memref_slice %arg3[%add3A_248, %dma_wait3A_272] : memref<16384x128xf32, #tpu.memory_space<hbm>> -> memref<16x128xf32, #tpu.memory_space<hbm>>
    %dma_wait3A_274 = arith.constant 16 : i32
    %dma_wait3A_275 = arith.constant 0 : i32
    %dma_wait3A_276 = tpu.memref_slice %arg10[%dma_wait3A_274, %dma_wait3A_275] : memref<32x128xf32, #tpu.memory_space<vmem>> -> memref<16x128xf32, #tpu.memory_space<vmem>>
    tpu.wait_dma2 semaphore(%dma_wait3A_271 : memref<!tpu.dma_semaphore, #tpu.memory_space<semaphore_mem>>) src(%dma_wait3A_276 : memref<16x128xf32, #tpu.memory_space<vmem>>) dst(%dma_wait3A_273 : memref<16x128xf32, #tpu.memory_space<hbm>>)
    %add3A_277 = arith.constant 480 : i32
    %add3A_278 = arith.addi %mul3A_2, %add3A_277 : i32
    %add3A_279 = arith.constant 16 : i32
    %add3A_280 = arith.addi %add3A_278, %add3A_279 : i32
    %dma_wait3A_281 = arith.constant 3 : i32
    %dma_wait3A_282 = arith.constant 0 : i32
    %dma_wait3A_283 = arith.constant 0 : i32
    %dma_wait3A_284 = arith.constant 0 : i32
    %dma_wait3A_285 = tpu.memref_slice %arg11[%dma_wait3A_283, %dma_wait3A_284] : memref<32x128xf32, #tpu.memory_space<vmem>> -> memref<16x128xf32, #tpu.memory_space<vmem>>
    %dma_wait3A_286 = arith.constant 0 : i32
    %dma_wait3A_287 = tpu.memref_slice %arg3[%add3A_278, %dma_wait3A_286] : memref<16384x128xf32, #tpu.memory_space<hbm>> -> memref<16x128xf32, #tpu.memory_space<hbm>>
    %dma_wait3A_288 = tpu.memref_slice %arg13[%dma_wait3A_281, %dma_wait3A_282] : memref<4x2x!tpu.dma_semaphore, #tpu.memory_space<semaphore_mem>> -> memref<1x1x!tpu.dma_semaphore, #tpu.memory_space<semaphore_mem>>
    %dma_wait3A_289 = tpu.memref_squeeze %dma_wait3A_288 : memref<1x1x!tpu.dma_semaphore, #tpu.memory_space<semaphore_mem>> -> memref<!tpu.dma_semaphore, #tpu.memory_space<semaphore_mem>>
    %dma_wait3A_290 = arith.constant 0 : i32
    %dma_wait3A_291 = tpu.memref_slice %arg3[%add3A_278, %dma_wait3A_290] : memref<16384x128xf32, #tpu.memory_space<hbm>> -> memref<16x128xf32, #tpu.memory_space<hbm>>
    %dma_wait3A_292 = arith.constant 0 : i32
    %dma_wait3A_293 = arith.constant 0 : i32
    %dma_wait3A_294 = tpu.memref_slice %arg11[%dma_wait3A_292, %dma_wait3A_293] : memref<32x128xf32, #tpu.memory_space<vmem>> -> memref<16x128xf32, #tpu.memory_space<vmem>>
    tpu.wait_dma2 semaphore(%dma_wait3A_289 : memref<!tpu.dma_semaphore, #tpu.memory_space<semaphore_mem>>) src(%dma_wait3A_294 : memref<16x128xf32, #tpu.memory_space<vmem>>) dst(%dma_wait3A_291 : memref<16x128xf32, #tpu.memory_space<hbm>>)
    %dma_wait3A_295 = arith.constant 3 : i32
    %dma_wait3A_296 = arith.constant 1 : i32
    %dma_wait3A_297 = arith.constant 16 : i32
    %dma_wait3A_298 = arith.constant 0 : i32
    %dma_wait3A_299 = tpu.memref_slice %arg11[%dma_wait3A_297, %dma_wait3A_298] : memref<32x128xf32, #tpu.memory_space<vmem>> -> memref<16x128xf32, #tpu.memory_space<vmem>>
    %dma_wait3A_300 = arith.constant 0 : i32
    %dma_wait3A_301 = tpu.memref_slice %arg3[%add3A_280, %dma_wait3A_300] : memref<16384x128xf32, #tpu.memory_space<hbm>> -> memref<16x128xf32, #tpu.memory_space<hbm>>
    %dma_wait3A_302 = tpu.memref_slice %arg13[%dma_wait3A_295, %dma_wait3A_296] : memref<4x2x!tpu.dma_semaphore, #tpu.memory_space<semaphore_mem>> -> memref<1x1x!tpu.dma_semaphore, #tpu.memory_space<semaphore_mem>>
    %dma_wait3A_303 = tpu.memref_squeeze %dma_wait3A_302 : memref<1x1x!tpu.dma_semaphore, #tpu.memory_space<semaphore_mem>> -> memref<!tpu.dma_semaphore, #tpu.memory_space<semaphore_mem>>
    %dma_wait3A_304 = arith.constant 0 : i32
    %dma_wait3A_305 = tpu.memref_slice %arg3[%add3A_280, %dma_wait3A_304] : memref<16384x128xf32, #tpu.memory_space<hbm>> -> memref<16x128xf32, #tpu.memory_space<hbm>>
    %dma_wait3A_306 = arith.constant 16 : i32
    %dma_wait3A_307 = arith.constant 0 : i32
    %dma_wait3A_308 = tpu.memref_slice %arg11[%dma_wait3A_306, %dma_wait3A_307] : memref<32x128xf32, #tpu.memory_space<vmem>> -> memref<16x128xf32, #tpu.memory_space<vmem>>
    tpu.wait_dma2 semaphore(%dma_wait3A_303 : memref<!tpu.dma_semaphore, #tpu.memory_space<semaphore_mem>>) src(%dma_wait3A_308 : memref<16x128xf32, #tpu.memory_space<vmem>>) dst(%dma_wait3A_305 : memref<16x128xf32, #tpu.memory_space<hbm>>)
    return
  }
}

</mosaic_0001>

<sc_bundles>
// kernel: kernel.3.cloned.1.call-start
scs
__scs_entry_jumppad:
0x0: {  	(pc) =	sbr.rel $0x88, $3  }
0x1: {  	(tag) =	ssettag $0x0;
	lr =	simm.s32 $0x1  }
0x2: {  	[smem:$0x3FA0] =	sst lr;
	_ =	strace $0xD0000000  }
0x3: {  	_ = 	snop  }
0x4: {  	_ = 	snop  }
0x5: {  	_ = 	snop  }
0x6: {  	_ = 	snop  }
0x7: {  	_ = 	snop  }
__scs_overlays_trampoline_lowered:
0x8: {  	[smem:$0x3FAF] =	sst s0  }
0x9: {  	[smem:$0x3FB0] =	sst s1  }
0xa: {  	[smem:$0x3FB1] =	sst s2  }
0xb: {  	[smem:$0x3FB2] =	sst s3  }
0xc: {  	[smem:$0x3FB3] =	sst s4  }
0xd: {  	[smem:$0x3FB4] =	sst s5  }
0xe: {  	[smem:$0x3FB5] =	sst s6  }
0xf: {  	[smem:$0x3FB6] =	sst s7  }
0x10: {  	[smem:$0x3FB7] =	sst s8  }
0x11: {  	[smem:$0x3FB8] =	sst s9;
	s0 =	simm.s32 @!p0 $0x0  }
0x12: {  	s1 =	sld [smem:$0x3F9E];
	s0 =	simm.s32 @p0 $0x1  }
0x13: {  	[smem:$0x3FB9] =	sst s0;
	s0 =	simm.s32 @!p1 $0x0  }
0x14: {  	s2 =	sld [smem:$0x3F9D];
	s0 =	simm.s32 @p1 $0x1  }
0x15: {  	[smem:$0x3FBA] =	sst s0;
	s0 =	simm.s32 @!p2 $0x0  }
0x16: {  	s3 =	sld [smem:$0x3FDB];
	s0 =	simm.s32 @p2 $0x1  }
0x17: {  	s4 =	simm.s32 $0x1BF5;
	[smem:$0x3FBC] =	sst s0  }
0x18: {  	s0 =	sld [smem:$0x3F9F];
	_ =	swait.ge [sflag:s4], $0x0  }
0x19: {  	s7 =	sld [smem:$0x3FA0]  }
0x1a: {  	s8 =	sadd.s32 $0xFFFFE003, lr  }
0x1b: {  	s9 =	sadd.s32 $0xFFFFFEF7, lr;
	s5 =	simm.s32 $0xFFFFFFFF;
	p2 =	slt.u32 s8, $0xFFFFF086  }
0x1c: {  	p1 =	slt.u32 s9, $0xF7A;
	s5 =	simm.s32 @!p2 $0x0  }
0x1d: {  	s5 =	simm.s32 @p1 $0x1;
	p0 =	seq.s32 s7, s2  }
0x1e: {  	s7 =	smul.u32 @!p0 $0xF7A, s2;
	p2 =	seq.s32 @!p0 s5, $0x0  }
0x1f: {  	s9 =	smul.u32 $0xF7A, s1;
	s8 =	simm.s32 @!p0 $0x1BF5;
	p2 =	por !p2, p0  }
0x20: {  	[sflag:s8] =	ssyncset.s32 @!p0 $0xFFFFF086;
	s6 =	sadd.s32 @!p0 s3, s7;
	s7 =	simm.s32 @!p0 $0x108  }
0x21: {  	s3 =	sadd.s32 s3, s9;
	s6 =	sadd.s32 @!p0 $0x88, s6;
	s7 =	simm.s32 @p2 $0x1082  }
0x22: {  	[simem:s7], [sflag:s8] =	dma.local @!p0 [hbm:s6], $0xF7A  }
0x23: {  	s9 =	sor.u32 $0xD0000000, s2;
	s6 =	simm.s32 $0x108;
	_ =	swait.ge @!p0 [sflag:s8], $0x0  }
0x24: {  	s3 =	sadd.s32 $0x88, s3;
	s6 =	simm.s32 @!p1 $0x1082;
	[sflag:s4] =	ssyncset.s32 $0xFFFFF086  }
0x25: {  	[simem:s6], [sflag:s4] =	dma.local [hbm:s3], $0xF7A  }
0x26: {  	[smem:$0x3FA0] =	sst s1;
	(tag) =	ssettag s2;
	_ =	strace s9  }
0x27: {  	s1 =	sld [smem:$0x3FB0]  }
0x28: {  	s2 =	sld [smem:$0x3FB1]  }
0x29: {  	s4 =	sld [smem:$0x3FB3]  }
0x2a: {  	p0 =	seq.s32 s5, $0x0;
	s5 =	sld [smem:$0x3FB4]  }
0x2b: {  	s6 =	sld [smem:$0x3FB5]  }
0x2c: {  	s7 =	sld [smem:$0x3FB6]  }
0x2d: {  	s3 =	simm.s32 $0x108;
	s8 =	sld [smem:$0x3FB7]  }
0x2e: {  	s3 =	simm.s32 @!p0 $0x1082;
	s9 =	sld [smem:$0x3FB8]  }
0x2f: {  	lr =	sadd.s32 s0, s3;
	s0 =	sld [smem:$0x3FAF]  }
0x30: {  	s3 =	sld [smem:$0x3FB2]  }
0x31: {  	[smem:$0x3FBB] =	sst s10  }
0x32: {  	s10 =	sld [smem:$0x3FB9];
	_ =	sdelay $0x3  }
0x33: {  	p0 =	seq.s32 s10, $0x1;
	s10 =	sld [smem:$0x3FBB];
	_ =	sdelay $0x3  }
0x34: {  	[smem:$0x3FBB] =	sst s10  }
0x35: {  	s10 =	sld [smem:$0x3FBA];
	_ =	sdelay $0x3  }
0x36: {  	p1 =	seq.s32 s10, $0x1;
	s10 =	sld [smem:$0x3FBB];
	_ =	sdelay $0x3  }
0x37: {  	[smem:$0x3FBB] =	sst s10  }
0x38: {  	s10 =	sld [smem:$0x3FBC]  }
0x39: {  	_ = 	snop;
	(pc) =	sbr.ind lr, $3  }
0x3a: {  	_ = 	snop  }
0x3b: {  	_ = 	snop  }
0x3c: {  	p2 =	seq.s32 s10, $0x1;
	s10 =	sld [smem:$0x3FBB]  }
0x3d: {  	_ =	shalt  }
0x3e: {  	_ =	shalt  }
0x3f: {  	_ =	shalt  }
0x40: {  	_ =	shalt  }
0x41: {  	_ =	shalt  }
0x42: {  	_ =	shalt  }
0x43: {  	_ =	shalt  }
0x44: {  	_ =	shalt  }
0x45: {  	_ =	shalt  }
0x46: {  	_ =	shalt  }
0x47: {  	_ =	shalt  }
0x48: {  	_ =	shalt  }
0x49: {  	_ =	shalt  }
0x4a: {  	_ =	shalt  }
0x4b: {  	_ =	shalt  }
0x4c: {  	_ =	shalt  }
0x4d: {  	_ =	shalt  }
0x4e: {  	_ =	shalt  }
0x4f: {  	_ =	shalt  }
0x50: {  	_ =	shalt  }
0x51: {  	_ =	shalt  }
0x52: {  	_ =	shalt  }
0x53: {  	_ =	shalt  }
0x54: {  	_ =	shalt  }
0x55: {  	_ =	shalt  }
0x56: {  	_ =	shalt  }
0x57: {  	_ =	shalt  }
0x58: {  	_ =	shalt  }
0x59: {  	_ =	shalt  }
0x5a: {  	_ =	shalt  }
0x5b: {  	_ =	shalt  }
0x5c: {  	_ =	shalt  }
0x5d: {  	_ =	shalt  }
0x5e: {  	_ =	shalt  }
0x5f: {  	_ =	shalt  }
0x60: {  	_ =	shalt  }
0x61: {  	_ =	shalt  }
0x62: {  	_ =	shalt  }
0x63: {  	_ =	shalt  }
0x64: {  	_ =	shalt  }
0x65: {  	_ =	shalt  }
0x66: {  	_ =	shalt  }
0x67: {  	_ =	shalt  }
0x68: {  	_ =	shalt  }
0x69: {  	_ =	shalt  }
0x6a: {  	_ =	shalt  }
0x6b: {  	_ =	shalt  }
0x6c: {  	_ =	shalt  }
0x6d: {  	_ =	shalt  }
0x6e: {  	_ =	shalt  }
0x6f: {  	_ =	shalt  }
0x70: {  	_ =	shalt  }
0x71: {  	_ =	shalt  }
0x72: {  	_ =	shalt  }
0x73: {  	_ =	shalt  }
0x74: {  	_ =	shalt  }
0x75: {  	_ =	shalt  }
0x76: {  	_ =	shalt  }
0x77: {  	_ =	shalt  }
0x78: {  	_ =	shalt  }
0x79: {  	_ =	shalt  }
0x7a: {  	_ =	shalt  }
0x7b: {  	_ =	shalt  }
0x7c: {  	_ =	shalt  }
0x7d: {  	_ =	shalt  }
0x7e: {  	_ =	shalt  }
0x7f: {  	_ =	shalt  }
0x80: {  	_ =	shalt  }
0x81: {  	_ =	shalt  }
0x82: {  	_ =	shalt  }
0x83: {  	_ =	shalt  }
0x84: {  	_ =	shalt  }
0x85: {  	_ =	shalt  }
0x86: {  	_ =	shalt  }
0x87: {  	_ =	shalt  }
.Lfunc_end0:
.L_simem_size_0:
called_computation_lowered:
.L_overlay_start_0:
0x88: {  	s2 =	sld [smem:$0x3FD9]  }
0x89: {  	s3 =	sld [smem:$0x3FFE];
	_ =	sdelay $0x1  }
0x8a: {  	s1 =	srdreg.scid  }
0x8b: {  	s0 =	sand.u32 $0x1, s1  }
0x8c: {  	s18 =	sshll.u32 s0, $0xA;
	s2 =	sadd.s32 s3, s2  }
0x8d: {  	s2 =	sadd.s32 s2, s18  }
0x8e: {  	[smem:$0x3FC7] =	sst s2  }
0x8f: {  	_ = 	snop  }
0x90: {  	s2 =	sld [smem:$0x3FC9]  }
0x91: {  	s19 =	sld [smem:$0x3FD0];
	(tm) =	ssettm $0x1  }
0x92: {  	s4 =	sld [smem:$0x3FFB];
	_ =	sdelay $0x3  }
0x93: {  	_ =	strace s4  }
0x94: {  	s4 =	sld [smem:$0x3FFC];
	_ =	sdelay $0x3  }
0x95: {  	_ =	strace s4  }
0x96: {  	s4 =	sld [smem:$0x3FFD];
	_ =	sdelay $0x3  }
0x97: {  	_ =	strace s4  }
0x98: {  	_ =	strace $0x8FFFFFFF  }
0x99: {  	s20 =	sld [smem:$0x3FDB];
	_ =	sdelay $0x1  }
0x9a: {  	s5 =	simm.s32 $_scs_section_size  }
0x9b: {  	s6 =	simm.s32 $_size__tile_overlayer_lowered;
	s7 =	simm.s32 $_tile_overlayer_lowered  }
0x9c: {  	s23 =	simm.s32 $0x1BFF;
	s22 =	sshll.u32 s7, $0x1;
	s4 =	sadd.s32 s5, s20  }
0x9d: {  	s8 =	simm.s32 $0x0;
	s21 =	sshll.u32 s6, $0x1;
	s6 =	sadd.s32 s22, s4  }
0x9e: {  	[timem:s8], [sflag:s23] =	dma.local [hbm:s6], s21  }
0x9f: {  	_ =	swait.ge [sflag:s23], s21  }
0xa0: {  	s5 =	ssub.s32 $0x0, s21;
	[sflag:s23] =	ssyncset.done $0x0  }
0xa1: {  	[sflag:s23] =	ssyncadd.s32 s5;
	_ =	sdelay $0x1  }
0xa2: {  	s24 =	simm.s32 $0x1B8B  }
0xa3: {  	_ =	swait.ge [sflag:s24], $0x1  }
0xa4: {  	[sflag:s24] =	ssyncset.done $0x0  }
0xa5: {  	s25 =	simm.s32 $0x1B8E;
	[sflag:s24] =	ssyncadd.s32 $0xFFFFFFFF  }
0xa6: {  	s26 =	simm.s32 $execute0_lowered;
	[smem:$0x3FD2] =	sst s25  }
0xa7: {  	s5 =	sshll.u32 s26, $0x1;
	_ =	strace $0x80000046;
	[dreg:$0x1] =	wrdreg $0xFFFFFFFF  }
0xa8: {  	s28 =	simm.s32 $_size_execute0_lowered;
	s4 =	sadd.s32 s4, s5;
	[dreg:$0x0] =	wrdreg $0x0  }
0xa9: {  	s5 =	sshll.u32 s28, $0x1;
	[dreg:$0x2] =	wrdreg s4  }
0xaa: {  	[dreg:$0x3] =	wrdreg s5  }
0xab: {  	[dreg:$0x4] =	wrdreg $0xC0  }
0xac: {  	_ =	task [dreg:s8], $0x5FFFF  }
0xad: {  	[dreg:$0x1] =	wrdreg $0xFFFFFFFF  }
0xae: {  	[dreg:$0x0] =	wrdreg $0x60  }
0xaf: {  	[dreg:$0x2] =	wrdreg s2  }
0xb0: {  	[dreg:$0x3] =	wrdreg s19  }
0xb1: {  	[dreg:$0x4] =	wrdreg $0x9  }
0xb2: {  	_ =	task.clear_ibuf [dreg:s8], $0x5FFFF;
	_ =	strace $0x90000046  }
0xb3: {  	s29 =	simm.s32 $0x9;
	_ =	strace $0x80000048  }
0xb4: {  	_ =	swait.ge [sflag:s29], $0x1  }
0xb5: {  	[sflag:s29] =	ssyncadd.s32 $0xFFFFFFFF  }
0xb6: {  	_ =	strace $0x90000048  }
0xb7: {  	_ =	sfence  }
0xb8: {  	s30 =	sld [smem:$0x0];
	_ =	sdelay $0x2  }
0xb9: {  	s31 =	sshll.u32 s1, $0xD;
	s1 =	sshrl.u32 s1, $0x2  }
0xba: {  	s3 =	sand.u32 $0x4000, s31;
	s1 =	sadd.s32 s1, s30  }
0xbb: {  	s0 =	sor.u32 s3, s0;
	s1 =	sshll.u32 s1, $0x11  }
0xbc: {  	s0 =	sor.u32 s1, s0  }
0xbd: {  	s0 =	sadd.s32 $0x8F2B, s0  }
0xbe: {  	[sflag:s0] =	ssyncadd.remote.s32 $0x1  }
0xbf: {  	_ =	sfence.sel $0xFFFF  }
0xc0: {  	[dreg:$0x0] =	wrdreg $0xFFFFFFFF;
	(pc) =	sbr.abs _section_cstart, $3  }
0xc1: {  	[dreg:$0x1] =	wrdreg $0xFFFFFFFF  }
0xc2: {  	_ =	task.clear_ibuf [dreg:s8], $0x2FFFF;
	_ =	strace $0x9FFFFFFF  }
0xc3: {  	(tm) =	ssettm $0x7FFFFFFF  }
tec
execute0_lowered:
.L_overlay_start_1:
0x0: {  	(tag) =	ssettag $0x1  }
0x1: {  	s2 =	rddreg [dreg:$0x0]  }
0x2: {  	s3 =	rddreg [dreg:$0x1]  }
0x3: {  	s0 =	srdreg.scid;
	s1 =	stileid.u32  }
0x4: {  	s4 =	simm.s32 $0x0;
	s29 =	simm.s32 $0x1;
	s30 =	simm.s32 $0x2  }
0x5: {  	s21 =	simm.s32 $0x4;
	s8 =	simm.s32 $0x5;
	s9 =	simm.s32 $0x6  }
0x6: {  	s11 =	simm.s32 $0xA800;
	s12 =	simm.s32 $0x7;
	s0 =	sand.u32 $0x1, s0  }
0x7: {  	s13 =	simm.s32 $0x8;
	s1 =	sshll.u32 s1, $0xA;
	s5 =	sshll.u32 s0, $0x9  }
0x8: {  	s14 =	simm.s32 $0xB000;
	[smem:$0x7FF] =	sst s4;
	s5 =	sor.u32 s5, s1  }
0x9: {  	s7 =	sadd.s32 $0x200, s2;
	s0 =	ssub.s32 $0x2, s0;
	s6 =	sshll.u32 s5, $0x5  }
0xa: {  	s22 =	sshrl.u32 s0, $0x1;
	s23 =	sadd.s32 s2, s6;
	s6 =	sadd.s32 s6, s7  }
0xb: {  	_ =	strace $0x80000047;
	s0 =	ssub.s32 s0, s22;
	[dreg:$0x4] =	wrdreg s6  }
0xc: {  	s20 =	simm.s32 $0xB800;
	s0 =	smax.u32 s0, $0x1;
	[dreg:$0x3] =	wrdreg s23  }
0xd: {  	s10 =	simm.s32 $0x0;
	s24 =	sadd.s32 $0x400, s23;
	[dreg:$0xb] =	wrdreg s0  }
0xe: {  	s15 =	sadd.s32 $0x100, s3;
	s25 =	sadd.s32 $0x600, s23;
	[dreg:$0x5] =	wrdreg s24  }
0xf: {  	v0 =	vlaneseq.u32;
	s16 =	sor.u32 $0x80, s5;
	s26 =	sadd.s32 $0x800, s23;
	[dreg:$0x6] =	wrdreg s25  }
.Ltmp0:
0x10: {  	v0 =	vmul.u32 $0x2, v0;
	s28 =	sadd.s32 $0xA00, s23;
	[dreg:$0x7] =	wrdreg s26;
	(pc) =	sbr.rel .LBB2_1-.Ltmp0, $4  }
0x11: {  	s17 =	sor.u32 $0xA0, s5;
	s31 =	sadd.s32 $0xC00, s23;
	[dreg:$0x8] =	wrdreg s28  }
0x12: {  	v1 =	vor.u32 $0x20, v0;
	s18 =	sor.u32 $0xC0, s5;
	s1 =	sadd.s32 $0xE00, s23;
	[dreg:$0x9] =	wrdreg s31  }
0x13: {  	v2 =	vor.u32 $0x40, v0;
	v3 =	vor.u32 $0x60, v0;
	v4 =	vor.u32 $0x400, v0;
	s19 =	sor.u32 $0xE0, s5;
	s22 =	simm.s32 $0x2000;
	[dreg:$0xa] =	wrdreg s1  }
0x14: {  	v5 =	vor.u32 $0x420, v0;
	v6 =	vor.u32 $0x440, v0;
	v7 =	vor.u32 $0x460, v0;
	s24 =	simm.s32 $0x4000;
	s26 =	simm.s32 $0x6000;
	s1 =	simm.s32 $0x3  }
.LBB2_12:
0x15: {  	s0 =	simm.s32 $0x9  }
0x16: {  	_ =	swait.ge [sflag:s0], $0x800  }
0x17: {  	[sflag:s0] =	ssyncset.done $0x0  }
0x18: {  	s31 =	simm.s32 $0xA;
	[sflag:s0] =	ssyncadd.s32 $0xFFFFF800  }
0x19: {  	_ =	swait.ge [sflag:s31], $0x800  }
0x1a: {  	[sflag:s31] =	ssyncset.done $0x0  }
0x1b: {  	s6 =	simm.s32 $0xB;
	[sflag:s31] =	ssyncadd.s32 $0xFFFFF800  }
0x1c: {  	_ =	swait.ge [sflag:s6], $0x800  }
0x1d: {  	[sflag:s6] =	ssyncset.done $0x0  }
0x1e: {  	s10 =	simm.s32 $0xC;
	[sflag:s6] =	ssyncadd.s32 $0xFFFFF800  }
0x1f: {  	_ =	swait.ge [sflag:s10], $0x800  }
0x20: {  	[sflag:s10] =	ssyncset.done $0x0  }
0x21: {  	s23 =	simm.s32 $0xD;
	[sflag:s10] =	ssyncadd.s32 $0xFFFFF800  }
0x22: {  	_ =	swait.ge [sflag:s23], $0x800  }
0x23: {  	[sflag:s23] =	ssyncset.done $0x0  }
0x24: {  	s25 =	simm.s32 $0xE;
	[sflag:s23] =	ssyncadd.s32 $0xFFFFF800  }
0x25: {  	_ =	swait.ge [sflag:s25], $0x800  }
0x26: {  	[sflag:s25] =	ssyncset.done $0x0  }
0x27: {  	s28 =	simm.s32 $0xF;
	[sflag:s25] =	ssyncadd.s32 $0xFFFFF800  }
0x28: {  	_ =	swait.ge [sflag:s28], $0x800  }
0x29: {  	[sflag:s28] =	ssyncset.done $0x0  }
0x2a: {  	s6 =	simm.s32 $0x10;
	[sflag:s28] =	ssyncadd.s32 $0xFFFFF800  }
0x2b: {  	_ =	swait.ge [sflag:s6], $0x800  }
0x2c: {  	s10 =	rddreg [dreg:$0xc]  }
0x2d: {  	s31 =	rddreg [dreg:$0xb];
	s10 =	sadd.s32 $0x1, s10  }
0x2e: {  	p0 =	sne.s32 s10, s31  }
.Ltmp1:
0x2f: {  	_ = 	snop;
	(pc) =	sbr.rel @!p0 .LBB2_13-.Ltmp1, $3  }
0x30: {  	_ =	sdelay $0x1  }
0x31: {  	[sflag:s6] =	ssyncset.done $0x0  }
0x32: {  	[sflag:s6] =	ssyncadd.s32 $0xFFFFF800  }
.LBB2_1:
0x33: {  	[dreg:$0xc] =	wrdreg s10  }
0x34: {  	s0 =	rddreg [dreg:$0x3]  }
0x35: {  	[tilespmem:s4], [sflag:$0x1] =	stream.linear.gather [hbm4b:s0+s4], $0x1000, $0x38;
	[tilespmem:$0xC000] =	vst v63  }
0x36: {  	s23 =	rddreg [dreg:$0x4];
	s6 =	simm.s32 $0x1000  }
0x37: {  	[tilespmem:s6], [sflag:$0x2] =	stream.linear.gather [hbm4b:s23+s4], $0x1000, $0x38;
	[tilespmem:$0xC000] =	vst v63  }
0x38: {  	s25 =	rddreg [dreg:$0x5]  }
0x39: {  	[tilespmem:s22], [sflag:$0x3] =	stream.linear.gather [hbm4b:s25+s4], $0x1000, $0x38;
	[tilespmem:$0xC000] =	vst v63  }
0x3a: {  	s28 =	rddreg [dreg:$0x6];
	s31 =	simm.s32 $0x3000  }
0x3b: {  	[tilespmem:s31], [sflag:$0x4] =	stream.linear.gather [hbm4b:s28+s4], $0x1000, $0x38;
	[tilespmem:$0xC000] =	vst v63  }
0x3c: {  	s6 =	rddreg [dreg:$0x7]  }
0x3d: {  	[tilespmem:s24], [sflag:$0x5] =	stream.linear.gather [hbm4b:s6+s4], $0x1000, $0x38;
	[tilespmem:$0xC000] =	vst v63  }
0x3e: {  	s10 =	rddreg [dreg:$0x8];
	s23 =	simm.s32 $0x5000  }
0x3f: {  	[tilespmem:s23], [sflag:$0x6] =	stream.linear.gather [hbm4b:s10+s4], $0x1000, $0x38;
	[tilespmem:$0xC000] =	vst v63  }
0x40: {  	s25 =	rddreg [dreg:$0x9]  }
0x41: {  	[tilespmem:s26], [sflag:$0x7] =	stream.linear.gather [hbm4b:s25+s4], $0x1000, $0x38;
	[tilespmem:$0xC000] =	vst v63  }
0x42: {  	s28 =	rddreg [dreg:$0xa];
	s31 =	simm.s32 $0x7000;
	s6 =	simm.s32 $0x0  }
0x43: {  	[tilespmem:s31], [sflag:$0x8] =	stream.linear.gather [hbm4b:s28+s4], $0x1000, $0x38;
	[tilespmem:$0xC000] =	vst v63  }
.LBB2_2:
0x44: {  	_ =	swait.ge [sflag:s29], $0x1000;
	s0 =	simm.s32 $0x0;
	s10 =	simm.s32 $0x1  }
0x45: {  	[sflag:s29] =	ssyncset.done $0x0;
	v8 =	vmov s0;
	v9 =	vmov s10  }
0x46: {  	s10 =	simm.s32 $0x3;
	[sflag:s29] =	ssyncadd.s32 $0xFFFFF000;
	v11 =	vshll.u32 v8, $0x8;
	v10 =	vshll.u32 v9, $0x8;
	v9 =	vshll.u32 v9, $0x7  }
0x47: {  	v12 =	vmov s10;
	_ =	swait.ge [sflag:s30], $0x1000;
	v10 =	vand.u32 $0x1800, v10;
	v9 =	vand.u32 $0x280, v9  }
0x48: {  	p0 =	seq.s32 s6, $0x0;
	s23 =	simm.s32 $0x2;
	[sflag:s30] =	ssyncset.done $0x0;
	v19 =	vor.u32 v9, v10;
	v9 =	vshll.u32 v12, $0x8;
	v10 =	vshll.u32 v12, $0x7  }
0x49: {  	s10 =	simm.s32 @!p0 $0x9;
	v12 =	vmov s23;
	[sflag:s30] =	ssyncadd.s32 $0xFFFFF000;
	v9 =	vand.u32 $0x1800, v9;
	v10 =	vand.u32 $0x380, v10  }
0x4a: {  	v14 =	vshll.u32 v12, $0x8;
	v12 =	vshll.u32 v12, $0x7;
	_ =	swait.ge @!p0 [sflag:s10], $0x800;
	v13 =	vor.u32 v10, v9  }
0x4b: {  	v9 =	vand.u32 $0x1800, v14;
	v10 =	vand.u32 $0x300, v12;
	[sflag:s10] =	ssyncset.done @!p0 $0x0;
	v12 =	vor.u32 v0, v13  }
0x4c: {  	s0 =	simm.s32 @!p0 $0xA;
	v8 =	vshll.u32 v8, $0x7;
	v14 =	vor.u32 v0, v19;
	v20 =	vor.u32 v10, v9;
	[sflag:s10] =	ssyncadd.s32 @!p0 $0xFFFFF800  }
0x4d: {  	v15 =	vand.u32 $0x200, v8;
	v9 =	vand.u32 $0x1800, v11;
	v8 =	vor.u32 v0, v20;
	_ =	swait.ge @!p0 [sflag:s0], $0x800  }
0x4e: {  	v9 =	vor.u32 v15, v9;
	[sflag:s0] =	ssyncset.done @!p0 $0x0  }
0x4f: {  	v10 =	vor.u32 v0, v9;
	[sflag:s0] =	ssyncadd.s32 @!p0 $0xFFFFF800  }
0x50: {  	v12 =	vld.idx.msk [tilespmem:v12+s4+$0x0], $0xffff  }
0x51: {  	v16 =	vor.u32 v1, v13;
	v14 =	vld.idx.msk [tilespmem:v14+s4+$0x0], $0xffff  }
0x52: {  	v17 =	vor.u32 v1, v19;
	v8 =	vld.idx.msk [tilespmem:v8+s4+$0x0], $0xffff  }
0x53: {  	v18 =	vor.u32 v1, v20  }
0x54: {  	s0 =	simm.s32 $0x8100;
	v10 =	vld.idx.msk [tilespmem:v10+s4+$0x0], $0xffff  }
0x55: {  	v21 =	vor.u32 v1, v9;
	[tilespmem:s0+$0x80] =	vst v12  }
0x56: {  	[tilespmem:s0+$0xFFFFFF80] =	vst v14;
	v12 =	vld.idx.msk [tilespmem:v16+s4+$0x0], $0xffff  }
0x57: {  	v14 =	vld.idx.msk [tilespmem:v17+s4+$0x0], $0xffff;
	[tilespmem:s0+$0x0] =	vst v8;
	v8 =	vor.u32 v2, v13  }
0x58: {  	v17 =	vor.u32 v2, v19;
	v16 =	vld.idx.msk [tilespmem:v18+s4+$0x0], $0xffff  }
0x59: {  	s25 =	simm.s32 $0x4;
	[tilespmem:s0+$0xFFFFFF00] =	vst v10;
	v18 =	vor.u32 v2, v20  }
0x5a: {  	v22 =	vmov s25;
	v23 =	vld.idx.msk [tilespmem:v21+s4+$0x0], $0xffff  }
0x5b: {  	v10 =	vshll.u32 v22, $0x8;
	v21 =	vshll.u32 v22, $0x7;
	v22 =	vor.u32 v2, v9;
	[tilespmem:s0+$0x90] =	vst v12  }
0x5c: {  	s23 =	simm.s32 $0x5;
	v25 =	vor.u32 v3, v19;
	v24 =	vand.u32 $0x1800, v10;
	[tilespmem:s0+$0xFFFFFF90] =	vst v14;
	v14 =	vld.idx.msk [tilespmem:v8+s4+$0x0], $0xffff  }
0x5d: {  	v12 =	vand.u32 $0x200, v21;
	v8 =	vmov s23;
	v17 =	vld.idx.msk [tilespmem:v17+s4+$0x0], $0xffff;
	[tilespmem:s0+$0x10] =	vst v16;
	v16 =	vor.u32 v3, v13  }
0x5e: {  	v21 =	vor.u32 v12, v24;
	v24 =	vshll.u32 v8, $0x8;
	v8 =	vshll.u32 v8, $0x7;
	v18 =	vld.idx.msk [tilespmem:v18+s4+$0x0], $0xffff  }
0x5f: {  	[tilespmem:s0+$0xFFFFFF10] =	vst v23;
	v23 =	vor.u32 v3, v20;
	v24 =	vand.u32 $0x1800, v24;
	v8 =	vand.u32 $0x280, v8  }
0x60: {  	s23 =	simm.s32 $0x7;
	v26 =	vor.u32 v0, v21;
	v22 =	vld.idx.msk [tilespmem:v22+s4+$0x0], $0xffff;
	v8 =	vor.u32 v8, v24  }
0x61: {  	s25 =	simm.s32 $0x6;
	v9 =	vor.u32 v3, v9;
	v28 =	vmov s23;
	v24 =	vor.u32 v0, v8;
	[tilespmem:s0+$0xA0] =	vst v14  }
0x62: {  	v14 =	vmov s25;
	[tilespmem:s0+$0xFFFFFFA0] =	vst v17;
	v17 =	vor.u32 v15, v11;
	v11 =	vshll.u32 v28, $0x8;
	v16 =	vld.idx.msk [tilespmem:v16+s4+$0x0], $0xffff  }
0x63: {  	v27 =	vshll.u32 v14, $0x8;
	v15 =	vld.idx.msk [tilespmem:v25+s4+$0x0], $0xffff;
	[tilespmem:s0+$0x20] =	vst v18;
	v18 =	vor.u32 v4, v13;
	v25 =	vshll.u32 v28, $0x7  }
0x64: {  	v28 =	vor.u32 v4, v19;
	v11 =	vand.u32 $0x1800, v11;
	v23 =	vld.idx.msk [tilespmem:v23+s4+$0x0], $0xffff;
	v25 =	vand.u32 $0x380, v25  }
0x65: {  	v26 =	vld.idx.msk [tilespmem:v26+s4+$0x0], $0xffff;
	v14 =	vshll.u32 v14, $0x7;
	[tilespmem:s0+$0xFFFFFF20] =	vst v22;
	v22 =	vor.u32 v4, v20;
	v11 =	vor.u32 v25, v11  }
0x66: {  	v14 =	vand.u32 $0x300, v14;
	v25 =	vld.idx.msk [tilespmem:v9+s4+$0x0], $0xffff;
	v9 =	vand.u32 $0x1800, v27;
	v27 =	vor.u32 v0, v11  }
0x67: {  	s25 =	simm.s32 $0x8;
	v29 =	vor.u32 v4, v17;
	v24 =	vld.idx.msk [tilespmem:v24+s4+$0x0], $0xffff;
	v9 =	vor.u32 v14, v9;
	[tilespmem:s0+$0xB0] =	vst v16  }
0x68: {  	v14 =	vmov s25;
	v30 =	vor.u32 v0, v9;
	[tilespmem:s0+$0xFFFFFFB0] =	vst v15;
	v18 =	vld.idx.msk [tilespmem:v18+s4+$0x0], $0xffff  }
0x69: {  	v34 =	vor.u32 v1, v8;
	v15 =	vshll.u32 v14, $0x8;
	v14 =	vshll.u32 v14, $0x7;
	v28 =	vld.idx.msk [tilespmem:v28+s4+$0x0], $0xffff;
	[tilespmem:s0+$0x30] =	vst v23  }
0x6a: {  	v23 =	vor.u32 v5, v13;
	v31 =	vand.u32 $0x1800, v15;
	v16 =	vand.u32 $0x200, v14;
	v22 =	vld.idx.msk [tilespmem:v22+s4+$0x0], $0xffff  }
0x6b: {  	v32 =	vor.u32 v5, v19;
	[tilespmem:s0+$0xFFFFFF30] =	vst v25;
	v14 =	vor.u32 v16, v31;
	v25 =	vld.idx.msk [tilespmem:v27+s4+$0x0], $0xffff  }
0x6c: {  	s31 =	simm.s32 $0x8300;
	v31 =	vor.u32 v0, v14;
	v29 =	vld.idx.msk [tilespmem:v29+s4+$0x0], $0xffff  }
0x6d: {  	v27 =	vor.u32 v5, v20;
	[tilespmem:s31+$0xFFFFFF80] =	vst v24;
	v30 =	vld.idx.msk [tilespmem:v30+s4+$0x0], $0xffff  }
0x6e: {  	v33 =	vor.u32 v1, v11;
	v59 =	vld.idx.msk [tilespmem:v34+s4+$0x0], $0xffff;
	[tilespmem:s0+$0xC0] =	vst v18  }
0x6f: {  	[tilespmem:s0+$0xFFFFFFC0] =	vst v28;
	v28 =	vor.u32 v1, v9;
	v23 =	vld.idx.msk [tilespmem:v23+s4+$0x0], $0xffff  }
0x70: {  	v32 =	vld.idx.msk [tilespmem:v32+s4+$0x0], $0xffff;
	[tilespmem:s0+$0x40] =	vst v22;
	v22 =	vor.u32 v6, v13  }
0x71: {  	[tilespmem:s31+$0xFFFFFF00] =	vst v26;
	v18 =	vld.idx.msk [tilespmem:v31+s4+$0x0], $0xffff;
	v31 =	vor.u32 v1, v21  }
0x72: {  	v27 =	vld.idx.msk [tilespmem:v27+s4+$0x0], $0xffff;
	[tilespmem:s31+$0x80] =	vst v25;
	v25 =	vor.u32 v5, v17  }
0x73: {  	v24 =	vld.idx.msk [tilespmem:v33+s4+$0x0], $0xffff;
	[tilespmem:s31+$0x0] =	vst v30;
	v30 =	vor.u32 v6, v19  }
0x74: {  	v60 =	vor.u32 v2, v11;
	v28 =	vld.idx.msk [tilespmem:v28+s4+$0x0], $0xffff;
	[tilespmem:s0+$0xD0] =	vst v23  }
0x75: {  	[tilespmem:s0+$0xFFFFFF40] =	vst v29;
	v23 =	vor.u32 v2, v8;
	v26 =	vld.idx.msk [tilespmem:v22+s4+$0x0], $0xffff  }
0x76: {  	v13 =	vor.u32 v7, v13;
	[tilespmem:s31+$0xFFFFFF90] =	vst v59;
	v31 =	vld.idx.msk [tilespmem:v31+s4+$0x0], $0xffff  }
0x77: {  	v35 =	vor.u32 v2, v9;
	[tilespmem:s0+$0xFFFFFFD0] =	vst v32;
	v25 =	vld.idx.msk [tilespmem:v25+s4+$0x0], $0xffff  }
0x78: {  	v29 =	vor.u32 v2, v21;
	[tilespmem:s31+$0x90] =	vst v24;
	v22 =	vld.idx.msk [tilespmem:v30+s4+$0x0], $0xffff  }
0x79: {  	s23 =	simm.s32 $0x9;
	v24 =	vor.u32 v6, v20;
	v30 =	vld.idx.msk [tilespmem:v60+s4+$0x0], $0xffff;
	[tilespmem:s31+$0x10] =	vst v28  }
0x7a: {  	v63 =	vor.u32 v3, v11;
	v61 =	vld.idx.msk [tilespmem:v23+s4+$0x0], $0xffff;
	[tilespmem:s0+$0xE0] =	vst v26;
	v26 =	vmov s23  }
0x7b: {  	v23 =	vor.u32 v6, v17;
	[tilespmem:s31+$0xFFFFFF10] =	vst v31;
	v28 =	vld.idx.msk [tilespmem:v13+s4+$0x0], $0xffff;
	v13 =	vshll.u32 v26, $0x8;
	v31 =	vshll.u32 v26, $0x7  }
0x7c: {  	v36 =	vor.u32 v3, v8;
	[tilespmem:s0+$0x50] =	vst v27;
	v62 =	vld.idx.msk [tilespmem:v35+s4+$0x0], $0xffff;
	v13 =	vand.u32 $0x1800, v13;
	v27 =	vand.u32 $0x280, v31  }
0x7d: {  	v33 =	vor.u32 v3, v9;
	[tilespmem:s0+$0xFFFFFF50] =	vst v25;
	v26 =	vld.idx.msk [tilespmem:v29+s4+$0x0], $0xffff;
	v13 =	vor.u32 v27, v13  }
0x7e: {  	v24 =	vld.idx.msk [tilespmem:v24+s4+$0x0], $0xffff;
	[tilespmem:s31+$0xA0] =	vst v30;
	v25 =	vor.u32 v0, v13  }
0x7f: {  	s25 =	simm.s32 $0xA;
	v29 =	vor.u32 v3, v21;
	v21 =	vld.idx.msk [tilespmem:v63+s4+$0x0], $0xffff  }
0x80: {  	s28 =	sshll.u32 s6, $0x7;
	v30 =	vmov s25;
	v31 =	vor.u32 v7, v19;
	v23 =	vld.idx.msk [tilespmem:v23+s4+$0x0], $0xffff;
	[tilespmem:s31+$0xFFFFFFA0] =	vst v61  }
0x81: {  	s10 =	simm.s32 $0xB;
	v20 =	vor.u32 v7, v20;
	s23 =	sor.u32 s5, s28;
	s25 =	simm.s32 $0xC;
	v32 =	vshll.u32 v30, $0x8;
	[tilespmem:s31+$0x20] =	vst v62;
	v27 =	vld.idx.msk [tilespmem:v36+s4+$0x0], $0xffff  }
.LBB2_3:
0x82: {  	p1 =	slt.u32 s25, $0x1C;
	v19 =	vmov s10;
	v34 =	vor.u32 v12, v10;
	v33 =	vld.idx.msk [tilespmem:v33+s4+$0x0], $0xffff;
	v35 =	vor.u32 v4, v11;
	[tilespmem:s0+$0xF0] =	vst v28;
	v10 =	vmovc v15  }
0x83: {  	v12 =	vmovc v16;
	v25 =	vld.idx.msk [tilespmem:v25+s4+$0x0], $0xffff;
	v15 =	vshll.u32 v19, $0x8;
	v19 =	vshll.u32 v19, $0x7;
	[tilespmem:s31+$0xFFFFFF20] =	vst v26;
	v26 =	vor.u32 v4, v8  }
0x84: {  	v15 =	vand.u32 $0x1800, v15;
	v16 =	vand.u32 $0x380, v19;
	v28 =	vld.idx.msk [tilespmem:v29+s4+$0x0], $0xffff;
	v29 =	vor.u32 v4, v9;
	[tilespmem:s0+$0xFFFFFFE0] =	vst v22  }
0x85: {  	v19 =	vshll.u32 v30, $0x7;
	v30 =	vor.u32 v7, v17;
	v22 =	vor.u32 v16, v15;
	v31 =	vld.idx.msk [tilespmem:v31+s4+$0x0], $0xffff;
	[tilespmem:s0+$0x60] =	vst v24  }
0x86: {  	v17 =	vmovc v34;
	v15 =	vand.u32 $0x1800, v32;
	v16 =	vand.u32 $0x300, v19;
	v24 =	vor.u32 v0, v22;
	[tilespmem:s31+$0xB0] =	vst v21;
	v20 =	vld.idx.msk [tilespmem:v20+s4+$0x0], $0xffff  }
0x87: {  	v19 =	vor.u32 v16, v15;
	v21 =	vor.u32 v4, v17;
	[tilespmem:s31+$0xFFFFFFB0] =	vst v27;
	v27 =	vld.idx.msk [tilespmem:v35+s4+$0x0], $0xffff  }
0x88: {  	v16 =	vmov s25;
	v32 =	vor.u32 v0, v19;
	v26 =	vld.idx.msk [tilespmem:v26+s4+$0x0], $0xffff;
	[tilespmem:s31+$0x30] =	vst v33  }
0x89: {  	v15 =	vshll.u32 v16, $0x8;
	v16 =	vshll.u32 v16, $0x7;
	v33 =	vor.u32 v5, v11;
	v29 =	vld.idx.msk [tilespmem:v29+s4+$0x0], $0xffff;
	[tilespmem:s0+$0xFFFFFF60] =	vst v23  }
0x8a: {  	v16 =	vand.u32 $0x200, v16;
	v23 =	vand.u32 $0x1800, v15;
	[tilespmem:s31+$0xFFFFFF30] =	vst v28;
	v28 =	vor.u32 v5, v8;
	v30 =	vld.idx.msk [tilespmem:v30+s4+$0x0], $0xffff  }
0x8b: {  	v34 =	vor.u32 v16, v23;
	v23 =	vld.idx.msk [tilespmem:v24+s4+$0x0], $0xffff;
	v24 =	vor.u32 v5, v9;
	[tilespmem:s0+$0xFFFFFFF0] =	vst v31  }
0x8c: {  	v31 =	vor.u32 v0, v34;
	v21 =	vld.idx.msk [tilespmem:v21+s4+$0x0], $0xffff;
	[tilespmem:s0+$0x70] =	vst v20  }
0x8d: {  	v20 =	vld.idx.msk [tilespmem:v32+s4+$0x0], $0xffff;
	v32 =	vor.u32 v1, v22;
	[tilespmem:s31+$0xC0] =	vst v27  }
0x8e: {  	v27 =	vor.u32 v1, v13;
	[tilespmem:s31+$0xFFFFFFC0] =	vst v26;
	v26 =	vld.idx.msk [tilespmem:v33+s4+$0x0], $0xffff  }
0x8f: {  	v33 =	vor.u32 v1, v19;
	v28 =	vld.idx.msk [tilespmem:v28+s4+$0x0], $0xffff;
	[tilespmem:s31+$0x40] =	vst v29  }
0x90: {  	v29 =	vor.u32 v6, v11;
	v24 =	vld.idx.msk [tilespmem:v24+s4+$0x0], $0xffff;
	[tilespmem:s0+$0xFFFFFF70] =	vst v30;
	s0 =	smov.u32 s31;
	s31 =	sadd.s32 $0x200, s31  }
0x91: {  	v30 =	vld.idx.msk [tilespmem:v31+s4+$0x0], $0xffff;
	v31 =	vor.u32 v1, v14;
	[tilespmem:s31+$0x80] =	vst v23  }
0x92: {  	[tilespmem:s31+$0xFFFFFF80] =	vst v25;
	v23 =	vld.idx.msk [tilespmem:v32+s4+$0x0], $0xffff;
	v25 =	vor.u32 v5, v17  }
0x93: {  	v27 =	vld.idx.msk [tilespmem:v27+s4+$0x0], $0xffff;
	[tilespmem:s31+$0x0] =	vst v20;
	v20 =	vor.u32 v6, v8  }
0x94: {  	v32 =	vld.idx.msk [tilespmem:v33+s4+$0x0], $0xffff;
	v33 =	vor.u32 v2, v22;
	[tilespmem:s0+$0xD0] =	vst v26  }
0x95: {  	v26 =	vor.u32 v2, v13;
	[tilespmem:s31+$0xFFFFFF00] =	vst v18;
	v29 =	vld.idx.msk [tilespmem:v29+s4+$0x0], $0xffff  }
0x96: {  	v35 =	vor.u32 v2, v19;
	v31 =	vld.idx.msk [tilespmem:v31+s4+$0x0], $0xffff;
	[tilespmem:s0+$0xFFFFFF40] =	vst v21  }
0x97: {  	v18 =	vmov v30;
	v21 =	vld.idx.msk [tilespmem:v25+s4+$0x0], $0xffff;
	[tilespmem:s0+$0xFFFFFFD0] =	vst v28;
	v25 =	vor.u32 v7, v11;
	v11 =	vmov v22  }
0x98: {  	v30 =	vor.u32 v2, v14;
	[tilespmem:s31+$0x90] =	vst v23;
	v22 =	vld.idx.msk [tilespmem:v20+s4+$0x0], $0xffff  }
0x99: {  	s10 =	sadd.s32 $0x1, s25;
	v23 =	vor.u32 v6, v9;
	[tilespmem:s31+$0xFFFFFF90] =	vst v27;
	v20 =	vld.idx.msk [tilespmem:v33+s4+$0x0], $0xffff  }
0x9a: {  	v27 =	vmov s10;
	v36 =	vld.idx.msk [tilespmem:v26+s4+$0x0], $0xffff;
	[tilespmem:s31+$0x10] =	vst v32;
	v32 =	vor.u32 v6, v17  }
0x9b: {  	v37 =	vor.u32 v3, v11;
	v26 =	vshll.u32 v27, $0x8;
	v27 =	vshll.u32 v27, $0x7;
	v35 =	vld.idx.msk [tilespmem:v35+s4+$0x0], $0xffff;
	[tilespmem:s0+$0xE0] =	vst v29  }
0x9c: {  	v38 =	vor.u32 v3, v13;
	v26 =	vand.u32 $0x1800, v26;
	v27 =	vand.u32 $0x280, v27;
	[tilespmem:s31+$0xFFFFFF10] =	vst v31;
	v28 =	vld.idx.msk [tilespmem:v25+s4+$0x0], $0xffff  }
.Ltmp2:
0x9d: {  	v33 =	vor.u32 v3, v19;
	v27 =	vor.u32 v27, v26;
	v26 =	vld.idx.msk [tilespmem:v30+s4+$0x0], $0xffff;
	[tilespmem:s0+$0x50] =	vst v24;
	(pc) =	sbr.rel @p1 .LBB2_3-.Ltmp2, $4  }
0x9e: {  	v25 =	vor.u32 v0, v27;
	[tilespmem:s0+$0xFFFFFF50] =	vst v21;
	v24 =	vld.idx.msk [tilespmem:v23+s4+$0x0], $0xffff  }
0x9f: {  	s10 =	sadd.s32 $0x2, s25;
	v29 =	vor.u32 v3, v14;
	v14 =	vmov v34;
	[tilespmem:s31+$0xA0] =	vst v20;
	v23 =	vld.idx.msk [tilespmem:v32+s4+$0x0], $0xffff  }
0xa0: {  	v31 =	vor.u32 v7, v8;
	v8 =	vmovc v13;
	v30 =	vmov s10;
	v13 =	vmov v27;
	[tilespmem:s31+$0xFFFFFFA0] =	vst v36;
	v21 =	vld.idx.msk [tilespmem:v37+s4+$0x0], $0xffff  }
0xa1: {  	s10 =	sadd.s32 $0x3, s25;
	s25 =	sadd.s32 $0x4, s25;
	v32 =	vshll.u32 v30, $0x8;
	v20 =	vor.u32 v7, v9;
	v9 =	vmov v19;
	v27 =	vld.idx.msk [tilespmem:v38+s4+$0x0], $0xffff;
	[tilespmem:s31+$0x20] =	vst v35  }
0xa2: {  	_ =	sdelay $0x1  }
0xa3: {  	v19 =	vmov s10;
	[tilespmem:s0+$0xF0] =	vst v28  }
0xa4: {  	v54 =	vor.u32 v4, v11;
	[tilespmem:s31+$0xFFFFFF20] =	vst v26;
	v34 =	vshll.u32 v19, $0x8;
	v19 =	vshll.u32 v19, $0x7  }
0xa5: {  	v28 =	vld.idx.msk [tilespmem:v33+s4+$0x0], $0xffff;
	v26 =	vor.u32 v4, v8;
	[tilespmem:s0+$0xFFFFFFE0] =	vst v22;
	v34 =	vand.u32 $0x1800, v34;
	v19 =	vand.u32 $0x380, v19  }
0xa6: {  	v30 =	vshll.u32 v30, $0x7;
	v22 =	vld.idx.msk [tilespmem:v29+s4+$0x0], $0xffff;
	v29 =	vor.u32 v4, v9;
	[tilespmem:s0+$0x60] =	vst v24;
	v19 =	vor.u32 v19, v34  }
0xa7: {  	v24 =	vld.idx.msk [tilespmem:v31+s4+$0x0], $0xffff;
	v31 =	vand.u32 $0x1800, v32;
	v30 =	vand.u32 $0x300, v30;
	[tilespmem:s0+$0xFFFFFF60] =	vst v23;
	v55 =	vor.u32 v0, v19  }
0xa8: {  	[tilespmem:s31+$0xB0] =	vst v21;
	v21 =	vld.idx.msk [tilespmem:v20+s4+$0x0], $0xffff;
	v20 =	vor.u32 v30, v31  }
0xa9: {  	[tilespmem:s31+$0xFFFFFFB0] =	vst v27;
	v30 =	vor.u32 v0, v20;
	v27 =	vld.idx.msk [tilespmem:v54+s4+$0x0], $0xffff  }
0xaa: {  	[tilespmem:s31+$0x30] =	vst v28;
	v26 =	vld.idx.msk [tilespmem:v26+s4+$0x0], $0xffff  }
0xab: {  	v17 =	vor.u32 v7, v17;
	v23 =	vld.idx.msk [tilespmem:v29+s4+$0x0], $0xffff;
	[tilespmem:s31+$0xFFFFFF30] =	vst v22  }
0xac: {  	v22 =	vor.u32 v5, v11;
	[tilespmem:s0+$0xFFFFFFF0] =	vst v24;
	v28 =	vld.idx.msk [tilespmem:v55+s4+$0x0], $0xffff  }
0xad: {  	v24 =	vld.idx.msk [tilespmem:v25+s4+$0x0], $0xffff;
	[tilespmem:s0+$0x70] =	vst v21;
	v21 =	vor.u32 v1, v19  }
0xae: {  	v25 =	vld.idx.msk [tilespmem:v30+s4+$0x0], $0xffff;
	[tilespmem:s31+$0xC0] =	vst v27;
	v27 =	vor.u32 v1, v13  }
0xaf: {  	[tilespmem:s31+$0xFFFFFFC0] =	vst v26;
	v26 =	vor.u32 v1, v20  }
0xb0: {  	v10 =	vor.u32 v12, v10;
	s25 =	sadd.s32 $0x200, s31;
	v12 =	vld.idx.msk [tilespmem:v17+s4+$0x0], $0xffff;
	v17 =	vor.u32 v1, v14;
	[tilespmem:s31+$0x40] =	vst v23  }
0xb1: {  	v23 =	vor.u32 v4, v10;
	v22 =	vld.idx.msk [tilespmem:v22+s4+$0x0], $0xffff;
	[tilespmem:s25+$0x80] =	vst v28  }
0xb2: {  	[tilespmem:s25+$0xFFFFFF80] =	vst v24;
	v28 =	vor.u32 v5, v8;
	v21 =	vld.idx.msk [tilespmem:v21+s4+$0x0], $0xffff  }
0xb3: {  	[tilespmem:s25+$0x0] =	vst v25;
	v25 =	vor.u32 v2, v19;
	v24 =	vld.idx.msk [tilespmem:v27+s4+$0x0], $0xffff  }
0xb4: {  	[tilespmem:s25+$0xFFFFFF00] =	vst v18;
	v18 =	vor.u32 v2, v13;
	v26 =	vld.idx.msk [tilespmem:v26+s4+$0x0], $0xffff  }
0xb5: {  	[tilespmem:s0+$0xFFFFFF70] =	vst v12;
	v12 =	vld.idx.msk [tilespmem:v17+s4+$0x0], $0xffff;
	v17 =	vor.u32 v2, v20  }
0xb6: {  	v23 =	vld.idx.msk [tilespmem:v23+s4+$0x0], $0xffff;
	[tilespmem:s31+$0xD0] =	vst v22;
	v22 =	vor.u32 v2, v14  }
0xb7: {  	v27 =	vld.idx.msk [tilespmem:v28+s4+$0x0], $0xffff;
	v28 =	vor.u32 v6, v11;
	[tilespmem:s25+$0x90] =	vst v21  }
0xb8: {  	v21 =	vor.u32 v5, v9;
	[tilespmem:s25+$0xFFFFFF90] =	vst v24;
	v24 =	vld.idx.msk [tilespmem:v25+s4+$0x0], $0xffff  }
0xb9: {  	[tilespmem:s25+$0x10] =	vst v26;
	v18 =	vld.idx.msk [tilespmem:v18+s4+$0x0], $0xffff;
	v25 =	vor.u32 v3, v19  }
0xba: {  	[tilespmem:s25+$0xFFFFFF10] =	vst v12;
	v12 =	vor.u32 v3, v13;
	v17 =	vld.idx.msk [tilespmem:v17+s4+$0x0], $0xffff  }
0xbb: {  	[tilespmem:s31+$0xFFFFFF40] =	vst v23;
	v22 =	vld.idx.msk [tilespmem:v22+s4+$0x0], $0xffff;
	v23 =	vor.u32 v3, v20  }
0xbc: {  	v14 =	vor.u32 v3, v14;
	v26 =	vld.idx.msk [tilespmem:v28+s4+$0x0], $0xffff;
	[tilespmem:s31+$0xFFFFFFD0] =	vst v27  }
0xbd: {  	v27 =	vor.u32 v5, v10;
	v21 =	vld.idx.msk [tilespmem:v21+s4+$0x0], $0xffff;
	[tilespmem:s25+$0xA0] =	vst v24  }
0xbe: {  	v11 =	vor.u32 v7, v11;
	[tilespmem:s25+$0xFFFFFFA0] =	vst v18;
	v18 =	vld.idx.msk [tilespmem:v25+s4+$0x0], $0xffff  }
0xbf: {  	[tilespmem:s25+$0x20] =	vst v17;
	v17 =	vor.u32 v4, v19;
	v12 =	vld.idx.msk [tilespmem:v12+s4+$0x0], $0xffff  }
0xc0: {  	[tilespmem:s25+$0xFFFFFF20] =	vst v22;
	v22 =	vor.u32 v4, v13;
	v23 =	vld.idx.msk [tilespmem:v23+s4+$0x0], $0xffff  }
0xc1: {  	v15 =	vor.u32 v16, v15;
	v16 =	vor.u32 v4, v20;
	v14 =	vld.idx.msk [tilespmem:v14+s4+$0x0], $0xffff;
	[tilespmem:s31+$0xE0] =	vst v26  }
0xc2: {  	v24 =	vld.idx.msk [tilespmem:v27+s4+$0x0], $0xffff;
	[tilespmem:s31+$0x50] =	vst v21;
	v21 =	vor.u32 v4, v15  }
0xc3: {  	v25 =	vor.u32 v6, v8;
	v11 =	vld.idx.msk [tilespmem:v11+s4+$0x0], $0xffff;
	[tilespmem:s25+$0xB0] =	vst v18  }
0xc4: {  	v18 =	vor.u32 v6, v9;
	[tilespmem:s25+$0xFFFFFFB0] =	vst v12;
	v12 =	vld.idx.msk [tilespmem:v17+s4+$0x0], $0xffff  }
0xc5: {  	[tilespmem:s25+$0x30] =	vst v23;
	v17 =	vld.idx.msk [tilespmem:v22+s4+$0x0], $0xffff;
	v22 =	vor.u32 v5, v19  }
0xc6: {  	[tilespmem:s25+$0xFFFFFF30] =	vst v14;
	v14 =	vor.u32 v5, v13;
	v16 =	vld.idx.msk [tilespmem:v16+s4+$0x0], $0xffff  }
0xc7: {  	v23 =	vor.u32 v5, v20;
	[tilespmem:s31+$0xFFFFFF50] =	vst v24;
	v21 =	vld.idx.msk [tilespmem:v21+s4+$0x0], $0xffff  }
0xc8: {  	v24 =	vld.idx.msk [tilespmem:v25+s4+$0x0], $0xffff;
	[tilespmem:s31+$0xF0] =	vst v11;
	v11 =	vor.u32 v5, v15  }
0xc9: {  	v25 =	vor.u32 v6, v10;
	v18 =	vld.idx.msk [tilespmem:v18+s4+$0x0], $0xffff;
	[tilespmem:s25+$0xC0] =	vst v12  }
0xca: {  	v8 =	vor.u32 v7, v8;
	[tilespmem:s25+$0xFFFFFFC0] =	vst v17;
	v12 =	vld.idx.msk [tilespmem:v22+s4+$0x0], $0xffff  }
0xcb: {  	[tilespmem:s25+$0x40] =	vst v16;
	v16 =	vor.u32 v6, v19;
	v14 =	vld.idx.msk [tilespmem:v14+s4+$0x0], $0xffff  }
0xcc: {  	v17 =	vld.idx.msk [tilespmem:v23+s4+$0x0], $0xffff;
	v22 =	vor.u32 v6, v13;
	[tilespmem:s25+$0xFFFFFF40] =	vst v21  }
0xcd: {  	[tilespmem:s31+$0xFFFFFFE0] =	vst v24;
	v21 =	vor.u32 v6, v20;
	v11 =	vld.idx.msk [tilespmem:v11+s4+$0x0], $0xffff  }
0xce: {  	v23 =	vld.idx.msk [tilespmem:v25+s4+$0x0], $0xffff;
	[tilespmem:s31+$0x60] =	vst v18;
	v18 =	vor.u32 v6, v15  }
0xcf: {  	v9 =	vor.u32 v7, v9;
	v8 =	vld.idx.msk [tilespmem:v8+s4+$0x0], $0xffff;
	[tilespmem:s25+$0xD0] =	vst v12  }
0xd0: {  	v10 =	vor.u32 v7, v10;
	[tilespmem:s25+$0xFFFFFFD0] =	vst v14;
	v12 =	vld.idx.msk [tilespmem:v16+s4+$0x0], $0xffff  }
0xd1: {  	v14 =	vor.u32 v7, v19;
	[tilespmem:s25+$0x50] =	vst v17;
	v16 =	vld.idx.msk [tilespmem:v22+s4+$0x0], $0xffff  }
0xd2: {  	v13 =	vor.u32 v7, v13;
	[tilespmem:s25+$0xFFFFFF50] =	vst v11;
	v11 =	vld.idx.msk [tilespmem:v21+s4+$0x0], $0xffff  }
0xd3: {  	[tilespmem:s31+$0xFFFFFF60] =	vst v23;
	v17 =	vld.idx.msk [tilespmem:v18+s4+$0x0], $0xffff;
	v18 =	vor.u32 v7, v20  }
0xd4: {  	v9 =	vld.idx.msk [tilespmem:v9+s4+$0x0], $0xffff;
	[tilespmem:s31+$0xFFFFFFF0] =	vst v8;
	v8 =	vor.u32 v7, v15  }
0xd5: {  	v10 =	vld.idx.msk [tilespmem:v10+s4+$0x0], $0xffff;
	[tilespmem:s25+$0xE0] =	vst v12  }
0xd6: {  	[tilespmem:s25+$0xFFFFFFE0] =	vst v16;
	v12 =	vld.idx.msk [tilespmem:v14+s4+$0x0], $0xffff  }
0xd7: {  	v13 =	vld.idx.msk [tilespmem:v13+s4+$0x0], $0xffff;
	[tilespmem:s25+$0x60] =	vst v11  }
0xd8: {  	v11 =	vld.idx.msk [tilespmem:v18+s4+$0x0], $0xffff;
	[tilespmem:s25+$0xFFFFFF60] =	vst v17  }
0xd9: {  	[tilespmem:s31+$0x70] =	vst v9;
	v8 =	vld.idx.msk [tilespmem:v8+s4+$0x0], $0xffff  }
0xda: {  	[tilespmem:s31+$0xFFFFFF70] =	vst v10  }
0xdb: {  	[tilespmem:s25+$0xF0] =	vst v12  }
0xdc: {  	[tilespmem:s25+$0xFFFFFFF0] =	vst v13  }
0xdd: {  	p1 =	seq.s32 s6, $0x3;
	s31 =	sshll.u32 s23, $0x4;
	[tilespmem:s25+$0x70] =	vst v11  }
0xde: {  	s0 =	sadd.s32 @!p1 s28, s16;
	s23 =	sadd.s32 s3, s31;
	[tilespmem:s25+$0xFFFFFF70] =	vst v8;
	s25 =	simm.s32 $0x8000  }
0xdf: {  	[hbm4b:s23+s4] =	stream.linear.scatter [tilespmem:s25], [sflag:$0x9], $0x800, $0x38;
	[tilespmem:$0xC000] =	vst v63  }
0xe0: {  	s0 =	sshll.u32 @!p1 s0, $0x5;
	s23 =	sadd.s32 s31, s15;
	s25 =	simm.s32 $0x8800  }
0xe1: {  	[hbm4b:s23+s4] =	stream.linear.scatter [tilespmem:s25], [sflag:$0xA], $0x800, $0x38;
	[tilespmem:$0xC000] =	vst v63  }
0xe2: {  	s10 =	sadd.s32 @!p1 s2, s0;
	s23 =	simm.s32 @!p1 $0x0  }
0xe3: {  	[tilespmem:s23], [sflag:$0x1] =	stream.linear.gather @!p1 [hbm4b:s10+s23], $0x1000, $0x38;
	[tilespmem:$0xC000] =	vst v63  }
0xe4: {  	s0 =	sadd.s32 @!p1 s0, s7;
	s25 =	simm.s32 $0x1;
	s10 =	simm.s32 @!p1 $0x1000  }
0xe5: {  	v9 =	vmov s25;
	[tilespmem:s10], [sflag:$0x2] =	stream.linear.gather @!p1 [hbm4b:s0+s23], $0x1000, $0x38;
	[tilespmem:$0xC000] =	vst v63  }
0xe6: {  	v10 =	vshll.u32 v9, $0x8;
	v9 =	vshll.u32 v9, $0x7;
	_ =	swait.ge [sflag:s1], $0x1000  }
0xe7: {  	v10 =	vand.u32 $0x1800, v10;
	v9 =	vand.u32 $0x280, v9;
	s23 =	simm.s32 $0x0;
	[sflag:s1] =	ssyncset.done $0x0  }
0xe8: {  	v19 =	vor.u32 v9, v10;
	v8 =	vmov s23;
	s23 =	simm.s32 $0x3;
	[sflag:s1] =	ssyncadd.s32 $0xFFFFF000  }
0xe9: {  	s25 =	simm.s32 $0x2;
	v11 =	vshll.u32 v8, $0x8;
	v12 =	vmov s23;
	v8 =	vshll.u32 v8, $0x7;
	_ =	swait.ge [sflag:s21], $0x1000  }
0xea: {  	v9 =	vshll.u32 v12, $0x8;
	v10 =	vshll.u32 v12, $0x7;
	v12 =	vmov s25;
	[sflag:s21] =	ssyncset.done $0x0  }
0xeb: {  	s10 =	simm.s32 @!p0 $0xB;
	v15 =	vand.u32 $0x200, v8;
	v9 =	vand.u32 $0x1800, v9;
	v10 =	vand.u32 $0x380, v10;
	[sflag:s21] =	ssyncadd.s32 $0xFFFFF000  }
0xec: {  	v14 =	vshll.u32 v12, $0x8;
	v12 =	vshll.u32 v12, $0x7;
	v13 =	vor.u32 v10, v9;
	_ =	swait.ge @!p0 [sflag:s10], $0x800  }
0xed: {  	v9 =	vand.u32 $0x1800, v14;
	v10 =	vand.u32 $0x300, v12;
	v12 =	vor.u32 v0, v13;
	[sflag:s10] =	ssyncset.done @!p0 $0x0  }
0xee: {  	s0 =	simm.s32 @!p0 $0xC;
	v14 =	vor.u32 v0, v19;
	v20 =	vor.u32 v10, v9;
	v9 =	vand.u32 $0x1800, v11;
	[sflag:s10] =	ssyncadd.s32 @!p0 $0xFFFFF800  }
0xef: {  	v8 =	vor.u32 v0, v20;
	v9 =	vor.u32 v15, v9;
	_ =	swait.ge @!p0 [sflag:s0], $0x800  }
0xf0: {  	v10 =	vor.u32 v0, v9;
	[sflag:s0] =	ssyncset.done @!p0 $0x0  }
0xf1: {  	[sflag:s0] =	ssyncadd.s32 @!p0 $0xFFFFF800  }
0xf2: {  	v12 =	vld.idx.msk [tilespmem:v12+s22+$0x0], $0xffff  }
0xf3: {  	v16 =	vor.u32 v1, v13;
	v14 =	vld.idx.msk [tilespmem:v14+s22+$0x0], $0xffff  }
0xf4: {  	v17 =	vor.u32 v1, v19;
	v8 =	vld.idx.msk [tilespmem:v8+s22+$0x0], $0xffff  }
0xf5: {  	v18 =	vor.u32 v1, v20;
	v10 =	vld.idx.msk [tilespmem:v10+s22+$0x0], $0xffff  }
0xf6: {  	s23 =	simm.s32 $0x9100;
	v21 =	vor.u32 v1, v9  }
0xf7: {  	[tilespmem:s23+$0x80] =	vst v12  }
0xf8: {  	[tilespmem:s23+$0xFFFFFF80] =	vst v14;
	v12 =	vld.idx.msk [tilespmem:v16+s22+$0x0], $0xffff  }
0xf9: {  	[tilespmem:s23+$0x0] =	vst v8;
	v8 =	vor.u32 v2, v13;
	v14 =	vld.idx.msk [tilespmem:v17+s22+$0x0], $0xffff  }
0xfa: {  	s10 =	simm.s32 $0x4;
	[tilespmem:s23+$0xFFFFFF00] =	vst v10;
	v16 =	vld.idx.msk [tilespmem:v18+s22+$0x0], $0xffff;
	v17 =	vor.u32 v2, v19  }
0xfb: {  	v22 =	vmov s10;
	v18 =	vor.u32 v2, v20;
	v23 =	vld.idx.msk [tilespmem:v21+s22+$0x0], $0xffff  }
0xfc: {  	v10 =	vshll.u32 v22, $0x8;
	v21 =	vshll.u32 v22, $0x7;
	v22 =	vor.u32 v2, v9  }
0xfd: {  	[tilespmem:s23+$0x90] =	vst v12  }
0xfe: {  	[tilespmem:s23+$0xFFFFFF90] =	vst v14;
	v14 =	vld.idx.msk [tilespmem:v8+s22+$0x0], $0xffff  }
0xff: {  	v25 =	vor.u32 v3, v19;
	s25 =	simm.s32 $0x5;
	v24 =	vand.u32 $0x1800, v10;
	[tilespmem:s23+$0x10] =	vst v16;
	v17 =	vld.idx.msk [tilespmem:v17+s22+$0x0], $0xffff  }
0x100: {  	v12 =	vand.u32 $0x200, v21;
	v16 =	vor.u32 v3, v13;
	[tilespmem:s23+$0xFFFFFF10] =	vst v23;
	v8 =	vmov s25;
	v18 =	vld.idx.msk [tilespmem:v18+s22+$0x0], $0xffff  }
0x101: {  	v21 =	vor.u32 v12, v24;
	v22 =	vld.idx.msk [tilespmem:v22+s22+$0x0], $0xffff;
	v24 =	vshll.u32 v8, $0x8;
	v8 =	vshll.u32 v8, $0x7  }
0x102: {  	v23 =	vor.u32 v3, v20;
	v24 =	vand.u32 $0x1800, v24;
	v8 =	vand.u32 $0x280, v8  }
0x103: {  	s25 =	simm.s32 $0x7;
	v26 =	vor.u32 v0, v21;
	v8 =	vor.u32 v8, v24;
	[tilespmem:s23+$0xA0] =	vst v14  }
0x104: {  	s10 =	simm.s32 $0x6;
	v9 =	vor.u32 v3, v9;
	v28 =	vmov s25;
	v24 =	vor.u32 v0, v8;
	[tilespmem:s23+$0xFFFFFFA0] =	vst v17  }
0x105: {  	v14 =	vmov s10;
	v17 =	vor.u32 v15, v11;
	[tilespmem:s23+$0x20] =	vst v18;
	v18 =	vor.u32 v4, v13;
	v16 =	vld.idx.msk [tilespmem:v16+s22+$0x0], $0xffff  }
0x106: {  	v11 =	vshll.u32 v28, $0x8;
	[tilespmem:s23+$0xFFFFFF20] =	vst v22;
	v22 =	vor.u32 v4, v20;
	v15 =	vld.idx.msk [tilespmem:v25+s22+$0x0], $0xffff;
	v25 =	vshll.u32 v28, $0x7  }
0x107: {  	v23 =	vld.idx.msk [tilespmem:v23+s22+$0x0], $0xffff;
	v28 =	vor.u32 v4, v19;
	v11 =	vand.u32 $0x1800, v11;
	v25 =	vand.u32 $0x380, v25  }
0x108: {  	v27 =	vshll.u32 v14, $0x8;
	v26 =	vld.idx.msk [tilespmem:v26+s22+$0x0], $0xffff;
	v14 =	vshll.u32 v14, $0x7;
	v11 =	vor.u32 v25, v11  }
0x109: {  	v14 =	vand.u32 $0x300, v14;
	v25 =	vld.idx.msk [tilespmem:v9+s22+$0x0], $0xffff;
	v9 =	vand.u32 $0x1800, v27;
	v27 =	vor.u32 v0, v11  }
0x10a: {  	s10 =	simm.s32 $0x8;
	v29 =	vor.u32 v4, v17;
	v24 =	vld.idx.msk [tilespmem:v24+s22+$0x0], $0xffff;
	v9 =	vor.u32 v14, v9;
	[tilespmem:s23+$0xB0] =	vst v16  }
0x10b: {  	v14 =	vmov s10;
	v30 =	vor.u32 v0, v9;
	[tilespmem:s23+$0xFFFFFFB0] =	vst v15;
	v18 =	vld.idx.msk [tilespmem:v18+s22+$0x0], $0xffff  }
0x10c: {  	v58 =	vor.u32 v1, v8;
	[tilespmem:s23+$0x30] =	vst v23;
	v15 =	vshll.u32 v14, $0x8;
	v14 =	vshll.u32 v14, $0x7;
	v28 =	vld.idx.msk [tilespmem:v28+s22+$0x0], $0xffff  }
0x10d: {  	v23 =	vor.u32 v5, v13;
	v22 =	vld.idx.msk [tilespmem:v22+s22+$0x0], $0xffff;
	v31 =	vand.u32 $0x1800, v15;
	v16 =	vand.u32 $0x200, v14  }
0x10e: {  	v56 =	vor.u32 v5, v19;
	[tilespmem:s23+$0xFFFFFF30] =	vst v25;
	v14 =	vor.u32 v16, v31;
	v25 =	vld.idx.msk [tilespmem:v27+s22+$0x0], $0xffff  }
0x10f: {  	s0 =	simm.s32 $0x9300;
	v31 =	vor.u32 v0, v14;
	v29 =	vld.idx.msk [tilespmem:v29+s22+$0x0], $0xffff  }
0x110: {  	v27 =	vor.u32 v5, v20;
	[tilespmem:s0+$0xFFFFFF80] =	vst v24;
	v30 =	vld.idx.msk [tilespmem:v30+s22+$0x0], $0xffff  }
0x111: {  	v57 =	vor.u32 v1, v11;
	v59 =	vld.idx.msk [tilespmem:v58+s22+$0x0], $0xffff;
	[tilespmem:s23+$0xC0] =	vst v18  }
0x112: {  	[tilespmem:s23+$0xFFFFFFC0] =	vst v28;
	v28 =	vor.u32 v1, v9;
	v23 =	vld.idx.msk [tilespmem:v23+s22+$0x0], $0xffff  }
0x113: {  	[tilespmem:s23+$0x40] =	vst v22;
	v22 =	vor.u32 v6, v13;
	v32 =	vld.idx.msk [tilespmem:v56+s22+$0x0], $0xffff  }
0x114: {  	[tilespmem:s0+$0xFFFFFF00] =	vst v26;
	v18 =	vld.idx.msk [tilespmem:v31+s22+$0x0], $0xffff;
	v31 =	vor.u32 v1, v21  }
0x115: {  	v27 =	vld.idx.msk [tilespmem:v27+s22+$0x0], $0xffff;
	[tilespmem:s0+$0x80] =	vst v25;
	v25 =	vor.u32 v5, v17  }
0x116: {  	v24 =	vld.idx.msk [tilespmem:v57+s22+$0x0], $0xffff;
	[tilespmem:s0+$0x0] =	vst v30;
	v30 =	vor.u32 v6, v19  }
0x117: {  	v60 =	vor.u32 v2, v11;
	v28 =	vld.idx.msk [tilespmem:v28+s22+$0x0], $0xffff;
	[tilespmem:s23+$0xD0] =	vst v23  }
0x118: {  	[tilespmem:s23+$0xFFFFFF40] =	vst v29;
	v23 =	vor.u32 v2, v8;
	v26 =	vld.idx.msk [tilespmem:v22+s22+$0x0], $0xffff  }
0x119: {  	v13 =	vor.u32 v7, v13;
	[tilespmem:s0+$0xFFFFFF90] =	vst v59;
	v31 =	vld.idx.msk [tilespmem:v31+s22+$0x0], $0xffff  }
0x11a: {  	v35 =	vor.u32 v2, v9;
	[tilespmem:s23+$0xFFFFFFD0] =	vst v32;
	v25 =	vld.idx.msk [tilespmem:v25+s22+$0x0], $0xffff  }
0x11b: {  	v29 =	vor.u32 v2, v21;
	[tilespmem:s0+$0x90] =	vst v24;
	v22 =	vld.idx.msk [tilespmem:v30+s22+$0x0], $0xffff  }
0x11c: {  	s25 =	simm.s32 $0x9;
	v24 =	vor.u32 v6, v20;
	v30 =	vld.idx.msk [tilespmem:v60+s22+$0x0], $0xffff;
	[tilespmem:s0+$0x10] =	vst v28  }
0x11d: {  	v63 =	vor.u32 v3, v11;
	v61 =	vld.idx.msk [tilespmem:v23+s22+$0x0], $0xffff;
	[tilespmem:s23+$0xE0] =	vst v26;
	v26 =	vmov s25  }
0x11e: {  	v23 =	vor.u32 v6, v17;
	[tilespmem:s0+$0xFFFFFF10] =	vst v31;
	v28 =	vld.idx.msk [tilespmem:v13+s22+$0x0], $0xffff;
	v13 =	vshll.u32 v26, $0x8;
	v31 =	vshll.u32 v26, $0x7  }
0x11f: {  	v36 =	vor.u32 v3, v8;
	[tilespmem:s23+$0x50] =	vst v27;
	v62 =	vld.idx.msk [tilespmem:v35+s22+$0x0], $0xffff;
	v13 =	vand.u32 $0x1800, v13;
	v27 =	vand.u32 $0x280, v31  }
0x120: {  	v33 =	vor.u32 v3, v9;
	[tilespmem:s23+$0xFFFFFF50] =	vst v25;
	v26 =	vld.idx.msk [tilespmem:v29+s22+$0x0], $0xffff;
	v13 =	vor.u32 v27, v13  }
0x121: {  	v24 =	vld.idx.msk [tilespmem:v24+s22+$0x0], $0xffff;
	[tilespmem:s0+$0xA0] =	vst v30;
	v25 =	vor.u32 v0, v13  }
0x122: {  	s25 =	simm.s32 $0xA;
	v29 =	vor.u32 v3, v21;
	v21 =	vld.idx.msk [tilespmem:v63+s22+$0x0], $0xffff  }
0x123: {  	v30 =	vmov s25;
	v31 =	vor.u32 v7, v19;
	v23 =	vld.idx.msk [tilespmem:v23+s22+$0x0], $0xffff;
	[tilespmem:s0+$0xFFFFFFA0] =	vst v61  }
0x124: {  	s10 =	simm.s32 $0xB;
	v20 =	vor.u32 v7, v20;
	s25 =	simm.s32 $0xC;
	v32 =	vshll.u32 v30, $0x8;
	[tilespmem:s0+$0x20] =	vst v62;
	v27 =	vld.idx.msk [tilespmem:v36+s22+$0x0], $0xffff  }
.LBB2_5:
0x125: {  	p2 =	slt.u32 s25, $0x1C;
	v19 =	vmov s10;
	v34 =	vor.u32 v12, v10;
	v33 =	vld.idx.msk [tilespmem:v33+s22+$0x0], $0xffff;
	v35 =	vor.u32 v4, v11;
	[tilespmem:s23+$0xF0] =	vst v28;
	v10 =	vmovc v15  }
0x126: {  	v12 =	vmovc v16;
	v25 =	vld.idx.msk [tilespmem:v25+s22+$0x0], $0xffff;
	v15 =	vshll.u32 v19, $0x8;
	v19 =	vshll.u32 v19, $0x7;
	[tilespmem:s0+$0xFFFFFF20] =	vst v26;
	v26 =	vor.u32 v4, v8  }
0x127: {  	v15 =	vand.u32 $0x1800, v15;
	v16 =	vand.u32 $0x380, v19;
	v28 =	vld.idx.msk [tilespmem:v29+s22+$0x0], $0xffff;
	v29 =	vor.u32 v4, v9;
	[tilespmem:s23+$0xFFFFFFE0] =	vst v22  }
0x128: {  	v19 =	vshll.u32 v30, $0x7;
	v30 =	vor.u32 v7, v17;
	v22 =	vor.u32 v16, v15;
	v31 =	vld.idx.msk [tilespmem:v31+s22+$0x0], $0xffff;
	[tilespmem:s23+$0x60] =	vst v24  }
0x129: {  	v17 =	vmovc v34;
	v15 =	vand.u32 $0x1800, v32;
	v16 =	vand.u32 $0x300, v19;
	v24 =	vor.u32 v0, v22;
	[tilespmem:s0+$0xB0] =	vst v21;
	v20 =	vld.idx.msk [tilespmem:v20+s22+$0x0], $0xffff  }
0x12a: {  	v19 =	vor.u32 v16, v15;
	v21 =	vor.u32 v4, v17;
	[tilespmem:s0+$0xFFFFFFB0] =	vst v27;
	v27 =	vld.idx.msk [tilespmem:v35+s22+$0x0], $0xffff  }
0x12b: {  	v16 =	vmov s25;
	v32 =	vor.u32 v0, v19;
	v26 =	vld.idx.msk [tilespmem:v26+s22+$0x0], $0xffff;
	[tilespmem:s0+$0x30] =	vst v33  }
0x12c: {  	v15 =	vshll.u32 v16, $0x8;
	v16 =	vshll.u32 v16, $0x7;
	v33 =	vor.u32 v5, v11;
	v29 =	vld.idx.msk [tilespmem:v29+s22+$0x0], $0xffff;
	[tilespmem:s23+$0xFFFFFF60] =	vst v23  }
0x12d: {  	v16 =	vand.u32 $0x200, v16;
	v23 =	vand.u32 $0x1800, v15;
	[tilespmem:s0+$0xFFFFFF30] =	vst v28;
	v28 =	vor.u32 v5, v8;
	v30 =	vld.idx.msk [tilespmem:v30+s22+$0x0], $0xffff  }
0x12e: {  	v34 =	vor.u32 v16, v23;
	v23 =	vld.idx.msk [tilespmem:v24+s22+$0x0], $0xffff;
	v24 =	vor.u32 v5, v9;
	[tilespmem:s23+$0xFFFFFFF0] =	vst v31  }
0x12f: {  	v31 =	vor.u32 v0, v34;
	v21 =	vld.idx.msk [tilespmem:v21+s22+$0x0], $0xffff;
	[tilespmem:s23+$0x70] =	vst v20  }
0x130: {  	v20 =	vld.idx.msk [tilespmem:v32+s22+$0x0], $0xffff;
	v32 =	vor.u32 v1, v22;
	[tilespmem:s0+$0xC0] =	vst v27  }
0x131: {  	v27 =	vor.u32 v1, v13;
	[tilespmem:s0+$0xFFFFFFC0] =	vst v26;
	v26 =	vld.idx.msk [tilespmem:v33+s22+$0x0], $0xffff  }
0x132: {  	v33 =	vor.u32 v1, v19;
	v28 =	vld.idx.msk [tilespmem:v28+s22+$0x0], $0xffff;
	[tilespmem:s0+$0x40] =	vst v29  }
0x133: {  	v29 =	vor.u32 v6, v11;
	v24 =	vld.idx.msk [tilespmem:v24+s22+$0x0], $0xffff;
	[tilespmem:s23+$0xFFFFFF70] =	vst v30;
	s23 =	smov.u32 s0;
	s0 =	sadd.s32 $0x200, s0  }
0x134: {  	v30 =	vld.idx.msk [tilespmem:v31+s22+$0x0], $0xffff;
	v31 =	vor.u32 v1, v14;
	[tilespmem:s0+$0x80] =	vst v23  }
0x135: {  	[tilespmem:s0+$0xFFFFFF80] =	vst v25;
	v23 =	vld.idx.msk [tilespmem:v32+s22+$0x0], $0xffff;
	v25 =	vor.u32 v5, v17  }
0x136: {  	v27 =	vld.idx.msk [tilespmem:v27+s22+$0x0], $0xffff;
	[tilespmem:s0+$0x0] =	vst v20;
	v20 =	vor.u32 v6, v8  }
0x137: {  	v32 =	vld.idx.msk [tilespmem:v33+s22+$0x0], $0xffff;
	v33 =	vor.u32 v2, v22;
	[tilespmem:s23+$0xD0] =	vst v26  }
0x138: {  	v26 =	vor.u32 v2, v13;
	[tilespmem:s0+$0xFFFFFF00] =	vst v18;
	v29 =	vld.idx.msk [tilespmem:v29+s22+$0x0], $0xffff  }
0x139: {  	v35 =	vor.u32 v2, v19;
	v31 =	vld.idx.msk [tilespmem:v31+s22+$0x0], $0xffff;
	[tilespmem:s23+$0xFFFFFF40] =	vst v21  }
0x13a: {  	v18 =	vmov v30;
	v21 =	vld.idx.msk [tilespmem:v25+s22+$0x0], $0xffff;
	[tilespmem:s23+$0xFFFFFFD0] =	vst v28;
	v25 =	vor.u32 v7, v11;
	v11 =	vmov v22  }
0x13b: {  	v30 =	vor.u32 v2, v14;
	[tilespmem:s0+$0x90] =	vst v23;
	v22 =	vld.idx.msk [tilespmem:v20+s22+$0x0], $0xffff  }
0x13c: {  	s10 =	sadd.s32 $0x1, s25;
	v23 =	vor.u32 v6, v9;
	[tilespmem:s0+$0xFFFFFF90] =	vst v27;
	v20 =	vld.idx.msk [tilespmem:v33+s22+$0x0], $0xffff  }
0x13d: {  	v27 =	vmov s10;
	v36 =	vld.idx.msk [tilespmem:v26+s22+$0x0], $0xffff;
	[tilespmem:s0+$0x10] =	vst v32;
	v32 =	vor.u32 v6, v17  }
0x13e: {  	v37 =	vor.u32 v3, v11;
	v26 =	vshll.u32 v27, $0x8;
	v27 =	vshll.u32 v27, $0x7;
	v35 =	vld.idx.msk [tilespmem:v35+s22+$0x0], $0xffff;
	[tilespmem:s23+$0xE0] =	vst v29  }
0x13f: {  	v38 =	vor.u32 v3, v13;
	v26 =	vand.u32 $0x1800, v26;
	v27 =	vand.u32 $0x280, v27;
	[tilespmem:s0+$0xFFFFFF10] =	vst v31;
	v28 =	vld.idx.msk [tilespmem:v25+s22+$0x0], $0xffff  }
.Ltmp3:
0x140: {  	v33 =	vor.u32 v3, v19;
	v27 =	vor.u32 v27, v26;
	v26 =	vld.idx.msk [tilespmem:v30+s22+$0x0], $0xffff;
	[tilespmem:s23+$0x50] =	vst v24;
	(pc) =	sbr.rel @p2 .LBB2_5-.Ltmp3, $4  }
0x141: {  	v25 =	vor.u32 v0, v27;
	[tilespmem:s23+$0xFFFFFF50] =	vst v21;
	v24 =	vld.idx.msk [tilespmem:v23+s22+$0x0], $0xffff  }
0x142: {  	s10 =	sadd.s32 $0x2, s25;
	v29 =	vor.u32 v3, v14;
	v14 =	vmov v34;
	[tilespmem:s0+$0xA0] =	vst v20;
	v23 =	vld.idx.msk [tilespmem:v32+s22+$0x0], $0xffff  }
0x143: {  	v31 =	vor.u32 v7, v8;
	v8 =	vmovc v13;
	v30 =	vmov s10;
	v13 =	vmov v27;
	[tilespmem:s0+$0xFFFFFFA0] =	vst v36;
	v21 =	vld.idx.msk [tilespmem:v37+s22+$0x0], $0xffff  }
0x144: {  	s10 =	sadd.s32 $0x3, s25;
	s25 =	sadd.s32 $0x4, s25;
	v32 =	vshll.u32 v30, $0x8;
	v20 =	vor.u32 v7, v9;
	v9 =	vmov v19;
	v27 =	vld.idx.msk [tilespmem:v38+s22+$0x0], $0xffff;
	[tilespmem:s0+$0x20] =	vst v35  }
0x145: {  	_ =	sdelay $0x1  }
0x146: {  	v19 =	vmov s10;
	[tilespmem:s23+$0xF0] =	vst v28  }
0x147: {  	v54 =	vor.u32 v4, v11;
	[tilespmem:s0+$0xFFFFFF20] =	vst v26;
	v34 =	vshll.u32 v19, $0x8;
	v19 =	vshll.u32 v19, $0x7  }
0x148: {  	v28 =	vld.idx.msk [tilespmem:v33+s22+$0x0], $0xffff;
	v26 =	vor.u32 v4, v8;
	[tilespmem:s23+$0xFFFFFFE0] =	vst v22;
	v34 =	vand.u32 $0x1800, v34;
	v19 =	vand.u32 $0x380, v19  }
0x149: {  	v30 =	vshll.u32 v30, $0x7;
	v22 =	vld.idx.msk [tilespmem:v29+s22+$0x0], $0xffff;
	v29 =	vor.u32 v4, v9;
	[tilespmem:s23+$0x60] =	vst v24;
	v19 =	vor.u32 v19, v34  }
0x14a: {  	v24 =	vld.idx.msk [tilespmem:v31+s22+$0x0], $0xffff;
	v31 =	vand.u32 $0x1800, v32;
	v30 =	vand.u32 $0x300, v30;
	[tilespmem:s23+$0xFFFFFF60] =	vst v23;
	v55 =	vor.u32 v0, v19  }
0x14b: {  	[tilespmem:s0+$0xB0] =	vst v21;
	v21 =	vld.idx.msk [tilespmem:v20+s22+$0x0], $0xffff;
	v20 =	vor.u32 v30, v31  }
0x14c: {  	[tilespmem:s0+$0xFFFFFFB0] =	vst v27;
	v30 =	vor.u32 v0, v20;
	v27 =	vld.idx.msk [tilespmem:v54+s22+$0x0], $0xffff  }
0x14d: {  	[tilespmem:s0+$0x30] =	vst v28;
	v26 =	vld.idx.msk [tilespmem:v26+s22+$0x0], $0xffff  }
0x14e: {  	v17 =	vor.u32 v7, v17;
	v23 =	vld.idx.msk [tilespmem:v29+s22+$0x0], $0xffff;
	[tilespmem:s0+$0xFFFFFF30] =	vst v22  }
0x14f: {  	v22 =	vor.u32 v5, v11;
	[tilespmem:s23+$0xFFFFFFF0] =	vst v24;
	v28 =	vld.idx.msk [tilespmem:v55+s22+$0x0], $0xffff  }
0x150: {  	v24 =	vld.idx.msk [tilespmem:v25+s22+$0x0], $0xffff;
	[tilespmem:s23+$0x70] =	vst v21;
	v21 =	vor.u32 v1, v19  }
0x151: {  	v25 =	vld.idx.msk [tilespmem:v30+s22+$0x0], $0xffff;
	[tilespmem:s0+$0xC0] =	vst v27;
	v27 =	vor.u32 v1, v13  }
0x152: {  	[tilespmem:s0+$0xFFFFFFC0] =	vst v26;
	v26 =	vor.u32 v1, v20  }
0x153: {  	v10 =	vor.u32 v12, v10;
	s25 =	sadd.s32 $0x200, s0;
	v12 =	vld.idx.msk [tilespmem:v17+s22+$0x0], $0xffff;
	v17 =	vor.u32 v1, v14;
	[tilespmem:s0+$0x40] =	vst v23  }
0x154: {  	v23 =	vor.u32 v4, v10;
	v22 =	vld.idx.msk [tilespmem:v22+s22+$0x0], $0xffff;
	[tilespmem:s25+$0x80] =	vst v28  }
0x155: {  	[tilespmem:s25+$0xFFFFFF80] =	vst v24;
	v28 =	vor.u32 v5, v8;
	v21 =	vld.idx.msk [tilespmem:v21+s22+$0x0], $0xffff  }
0x156: {  	[tilespmem:s25+$0x0] =	vst v25;
	v25 =	vor.u32 v2, v19;
	v24 =	vld.idx.msk [tilespmem:v27+s22+$0x0], $0xffff  }
0x157: {  	[tilespmem:s25+$0xFFFFFF00] =	vst v18;
	v18 =	vor.u32 v2, v13;
	v26 =	vld.idx.msk [tilespmem:v26+s22+$0x0], $0xffff  }
0x158: {  	[tilespmem:s23+$0xFFFFFF70] =	vst v12;
	v12 =	vld.idx.msk [tilespmem:v17+s22+$0x0], $0xffff;
	v17 =	vor.u32 v2, v20  }
0x159: {  	v23 =	vld.idx.msk [tilespmem:v23+s22+$0x0], $0xffff;
	[tilespmem:s0+$0xD0] =	vst v22;
	v22 =	vor.u32 v2, v14  }
0x15a: {  	v27 =	vld.idx.msk [tilespmem:v28+s22+$0x0], $0xffff;
	v28 =	vor.u32 v6, v11;
	[tilespmem:s25+$0x90] =	vst v21  }
0x15b: {  	v21 =	vor.u32 v5, v9;
	[tilespmem:s25+$0xFFFFFF90] =	vst v24;
	v24 =	vld.idx.msk [tilespmem:v25+s22+$0x0], $0xffff  }
0x15c: {  	[tilespmem:s25+$0x10] =	vst v26;
	v18 =	vld.idx.msk [tilespmem:v18+s22+$0x0], $0xffff;
	v25 =	vor.u32 v3, v19  }
0x15d: {  	[tilespmem:s25+$0xFFFFFF10] =	vst v12;
	v12 =	vor.u32 v3, v13;
	v17 =	vld.idx.msk [tilespmem:v17+s22+$0x0], $0xffff  }
0x15e: {  	[tilespmem:s0+$0xFFFFFF40] =	vst v23;
	v22 =	vld.idx.msk [tilespmem:v22+s22+$0x0], $0xffff;
	v23 =	vor.u32 v3, v20  }
0x15f: {  	v14 =	vor.u32 v3, v14;
	v26 =	vld.idx.msk [tilespmem:v28+s22+$0x0], $0xffff;
	[tilespmem:s0+$0xFFFFFFD0] =	vst v27  }
0x160: {  	v27 =	vor.u32 v5, v10;
	v21 =	vld.idx.msk [tilespmem:v21+s22+$0x0], $0xffff;
	[tilespmem:s25+$0xA0] =	vst v24  }
0x161: {  	v11 =	vor.u32 v7, v11;
	[tilespmem:s25+$0xFFFFFFA0] =	vst v18;
	v18 =	vld.idx.msk [tilespmem:v25+s22+$0x0], $0xffff  }
0x162: {  	[tilespmem:s25+$0x20] =	vst v17;
	v17 =	vor.u32 v4, v19;
	v12 =	vld.idx.msk [tilespmem:v12+s22+$0x0], $0xffff  }
0x163: {  	[tilespmem:s25+$0xFFFFFF20] =	vst v22;
	v22 =	vor.u32 v4, v13;
	v23 =	vld.idx.msk [tilespmem:v23+s22+$0x0], $0xffff  }
0x164: {  	v15 =	vor.u32 v16, v15;
	v16 =	vor.u32 v4, v20;
	v14 =	vld.idx.msk [tilespmem:v14+s22+$0x0], $0xffff;
	[tilespmem:s0+$0xE0] =	vst v26  }
0x165: {  	v24 =	vld.idx.msk [tilespmem:v27+s22+$0x0], $0xffff;
	[tilespmem:s0+$0x50] =	vst v21;
	v21 =	vor.u32 v4, v15  }
0x166: {  	v25 =	vor.u32 v6, v8;
	v11 =	vld.idx.msk [tilespmem:v11+s22+$0x0], $0xffff;
	[tilespmem:s25+$0xB0] =	vst v18  }
0x167: {  	v18 =	vor.u32 v6, v9;
	[tilespmem:s25+$0xFFFFFFB0] =	vst v12;
	v12 =	vld.idx.msk [tilespmem:v17+s22+$0x0], $0xffff  }
0x168: {  	[tilespmem:s25+$0x30] =	vst v23;
	v17 =	vld.idx.msk [tilespmem:v22+s22+$0x0], $0xffff;
	v22 =	vor.u32 v5, v19  }
0x169: {  	[tilespmem:s25+$0xFFFFFF30] =	vst v14;
	v14 =	vor.u32 v5, v13;
	v16 =	vld.idx.msk [tilespmem:v16+s22+$0x0], $0xffff  }
0x16a: {  	v23 =	vor.u32 v5, v20;
	[tilespmem:s0+$0xFFFFFF50] =	vst v24;
	v21 =	vld.idx.msk [tilespmem:v21+s22+$0x0], $0xffff  }
0x16b: {  	v24 =	vld.idx.msk [tilespmem:v25+s22+$0x0], $0xffff;
	[tilespmem:s0+$0xF0] =	vst v11;
	v11 =	vor.u32 v5, v15  }
0x16c: {  	v25 =	vor.u32 v6, v10;
	v18 =	vld.idx.msk [tilespmem:v18+s22+$0x0], $0xffff;
	[tilespmem:s25+$0xC0] =	vst v12  }
0x16d: {  	v8 =	vor.u32 v7, v8;
	[tilespmem:s25+$0xFFFFFFC0] =	vst v17;
	v12 =	vld.idx.msk [tilespmem:v22+s22+$0x0], $0xffff  }
0x16e: {  	[tilespmem:s25+$0x40] =	vst v16;
	v16 =	vor.u32 v6, v19;
	v14 =	vld.idx.msk [tilespmem:v14+s22+$0x0], $0xffff  }
0x16f: {  	v17 =	vld.idx.msk [tilespmem:v23+s22+$0x0], $0xffff;
	v22 =	vor.u32 v6, v13;
	[tilespmem:s25+$0xFFFFFF40] =	vst v21  }
0x170: {  	[tilespmem:s0+$0xFFFFFFE0] =	vst v24;
	v21 =	vor.u32 v6, v20;
	v11 =	vld.idx.msk [tilespmem:v11+s22+$0x0], $0xffff  }
0x171: {  	v23 =	vld.idx.msk [tilespmem:v25+s22+$0x0], $0xffff;
	[tilespmem:s0+$0x60] =	vst v18;
	v18 =	vor.u32 v6, v15  }
0x172: {  	v9 =	vor.u32 v7, v9;
	v8 =	vld.idx.msk [tilespmem:v8+s22+$0x0], $0xffff;
	[tilespmem:s25+$0xD0] =	vst v12  }
0x173: {  	v10 =	vor.u32 v7, v10;
	[tilespmem:s25+$0xFFFFFFD0] =	vst v14;
	v12 =	vld.idx.msk [tilespmem:v16+s22+$0x0], $0xffff  }
0x174: {  	v14 =	vor.u32 v7, v19;
	[tilespmem:s25+$0x50] =	vst v17;
	v16 =	vld.idx.msk [tilespmem:v22+s22+$0x0], $0xffff  }
0x175: {  	v13 =	vor.u32 v7, v13;
	[tilespmem:s25+$0xFFFFFF50] =	vst v11;
	v11 =	vld.idx.msk [tilespmem:v21+s22+$0x0], $0xffff  }
0x176: {  	[tilespmem:s0+$0xFFFFFF60] =	vst v23;
	v17 =	vld.idx.msk [tilespmem:v18+s22+$0x0], $0xffff;
	v18 =	vor.u32 v7, v20  }
0x177: {  	v9 =	vld.idx.msk [tilespmem:v9+s22+$0x0], $0xffff;
	[tilespmem:s0+$0xFFFFFFF0] =	vst v8;
	v8 =	vor.u32 v7, v15  }
0x178: {  	v10 =	vld.idx.msk [tilespmem:v10+s22+$0x0], $0xffff;
	[tilespmem:s25+$0xE0] =	vst v12  }
0x179: {  	[tilespmem:s25+$0xFFFFFFE0] =	vst v16;
	v12 =	vld.idx.msk [tilespmem:v14+s22+$0x0], $0xffff  }
0x17a: {  	v13 =	vld.idx.msk [tilespmem:v13+s22+$0x0], $0xffff;
	[tilespmem:s25+$0x60] =	vst v11  }
0x17b: {  	v11 =	vld.idx.msk [tilespmem:v18+s22+$0x0], $0xffff;
	[tilespmem:s25+$0xFFFFFF60] =	vst v17  }
0x17c: {  	[tilespmem:s0+$0x70] =	vst v9;
	v8 =	vld.idx.msk [tilespmem:v8+s22+$0x0], $0xffff  }
0x17d: {  	[tilespmem:s0+$0xFFFFFF70] =	vst v10  }
0x17e: {  	[tilespmem:s25+$0xF0] =	vst v12  }
0x17f: {  	[tilespmem:s25+$0xFFFFFFF0] =	vst v13  }
0x180: {  	s0 =	sor.u32 $0x200, s31;
	[tilespmem:s25+$0x70] =	vst v11  }
0x181: {  	s23 =	sadd.s32 s3, s0;
	[tilespmem:s25+$0xFFFFFF70] =	vst v8;
	s25 =	simm.s32 $0x9000  }
0x182: {  	[hbm4b:s23+s4] =	stream.linear.scatter [tilespmem:s25], [sflag:$0xB], $0x800, $0x38;
	[tilespmem:$0xC000] =	vst v63  }
0x183: {  	s0 =	sadd.s32 s0, s15;
	s25 =	simm.s32 $0x9800  }
0x184: {  	[hbm4b:s0+s4] =	stream.linear.scatter [tilespmem:s25], [sflag:$0xC], $0x800, $0x38;
	[tilespmem:$0xC000] =	vst v63  }
0x185: {  	s0 =	sadd.s32 @!p1 s28, s17  }
0x186: {  	s0 =	sshll.u32 @!p1 s0, $0x5  }
0x187: {  	s23 =	simm.s32 @!p1 $0x0;
	s25 =	simm.s32 @!p1 $0x2000;
	s10 =	sadd.s32 @!p1 s2, s0  }
0x188: {  	[tilespmem:s25], [sflag:$0x3] =	stream.linear.gather @!p1 [hbm4b:s10+s23], $0x1000, $0x38;
	[tilespmem:$0xC000] =	vst v63  }
0x189: {  	s0 =	sadd.s32 @!p1 s0, s7;
	s10 =	simm.s32 @!p1 $0x3000;
	s25 =	simm.s32 $0x1  }
0x18a: {  	[tilespmem:s10], [sflag:$0x4] =	stream.linear.gather @!p1 [hbm4b:s0+s23], $0x1000, $0x38;
	[tilespmem:$0xC000] =	vst v63  }
0x18b: {  	v9 =	vmov s25;
	s23 =	simm.s32 $0x0;
	_ =	swait.ge [sflag:s8], $0x1000  }
0x18c: {  	v10 =	vshll.u32 v9, $0x8;
	v9 =	vshll.u32 v9, $0x7;
	v8 =	vmov s23;
	[sflag:s8] =	ssyncset.done $0x0  }
0x18d: {  	s23 =	simm.s32 $0x3;
	v10 =	vand.u32 $0x1800, v10;
	v9 =	vand.u32 $0x280, v9;
	v11 =	vshll.u32 v8, $0x8;
	[sflag:s8] =	ssyncadd.s32 $0xFFFFF000  }
0x18e: {  	s25 =	simm.s32 $0x2;
	v12 =	vmov s23;
	v19 =	vor.u32 v9, v10;
	v8 =	vshll.u32 v8, $0x7;
	_ =	swait.ge [sflag:s9], $0x1000  }
0x18f: {  	v9 =	vshll.u32 v12, $0x8;
	v10 =	vshll.u32 v12, $0x7;
	v12 =	vmov s25;
	[sflag:s9] =	ssyncset.done $0x0  }
0x190: {  	s10 =	simm.s32 @!p0 $0xD;
	v15 =	vand.u32 $0x200, v8;
	v9 =	vand.u32 $0x1800, v9;
	v10 =	vand.u32 $0x380, v10;
	[sflag:s9] =	ssyncadd.s32 $0xFFFFF000  }
0x191: {  	v14 =	vshll.u32 v12, $0x8;
	v12 =	vshll.u32 v12, $0x7;
	v13 =	vor.u32 v10, v9;
	_ =	swait.ge @!p0 [sflag:s10], $0x800  }
0x192: {  	v9 =	vand.u32 $0x1800, v14;
	v10 =	vand.u32 $0x300, v12;
	v12 =	vor.u32 v0, v13;
	[sflag:s10] =	ssyncset.done @!p0 $0x0  }
0x193: {  	s0 =	simm.s32 @!p0 $0xE;
	v14 =	vor.u32 v0, v19;
	v20 =	vor.u32 v10, v9;
	v9 =	vand.u32 $0x1800, v11;
	[sflag:s10] =	ssyncadd.s32 @!p0 $0xFFFFF800  }
0x194: {  	v8 =	vor.u32 v0, v20;
	v9 =	vor.u32 v15, v9;
	_ =	swait.ge @!p0 [sflag:s0], $0x800  }
0x195: {  	v10 =	vor.u32 v0, v9;
	[sflag:s0] =	ssyncset.done @!p0 $0x0  }
0x196: {  	[sflag:s0] =	ssyncadd.s32 @!p0 $0xFFFFF800  }
0x197: {  	v12 =	vld.idx.msk [tilespmem:v12+s24+$0x0], $0xffff  }
0x198: {  	v16 =	vor.u32 v1, v13;
	v14 =	vld.idx.msk [tilespmem:v14+s24+$0x0], $0xffff  }
0x199: {  	v17 =	vor.u32 v1, v19;
	v8 =	vld.idx.msk [tilespmem:v8+s24+$0x0], $0xffff  }
0x19a: {  	v18 =	vor.u32 v1, v20;
	v10 =	vld.idx.msk [tilespmem:v10+s24+$0x0], $0xffff  }
0x19b: {  	s23 =	simm.s32 $0xA100;
	v21 =	vor.u32 v1, v9  }
0x19c: {  	[tilespmem:s23+$0x80] =	vst v12  }
0x19d: {  	[tilespmem:s23+$0xFFFFFF80] =	vst v14;
	v12 =	vld.idx.msk [tilespmem:v16+s24+$0x0], $0xffff  }
0x19e: {  	[tilespmem:s23+$0x0] =	vst v8;
	v8 =	vor.u32 v2, v13;
	v14 =	vld.idx.msk [tilespmem:v17+s24+$0x0], $0xffff  }
0x19f: {  	s10 =	simm.s32 $0x4;
	[tilespmem:s23+$0xFFFFFF00] =	vst v10;
	v16 =	vld.idx.msk [tilespmem:v18+s24+$0x0], $0xffff;
	v17 =	vor.u32 v2, v19  }
0x1a0: {  	v22 =	vmov s10;
	v18 =	vor.u32 v2, v20;
	v23 =	vld.idx.msk [tilespmem:v21+s24+$0x0], $0xffff  }
0x1a1: {  	v10 =	vshll.u32 v22, $0x8;
	v21 =	vshll.u32 v22, $0x7;
	v22 =	vor.u32 v2, v9  }
0x1a2: {  	[tilespmem:s23+$0x90] =	vst v12  }
0x1a3: {  	[tilespmem:s23+$0xFFFFFF90] =	vst v14;
	v14 =	vld.idx.msk [tilespmem:v8+s24+$0x0], $0xffff  }
0x1a4: {  	s25 =	simm.s32 $0x5;
	v25 =	vor.u32 v3, v19;
	v24 =	vand.u32 $0x1800, v10;
	[tilespmem:s23+$0x10] =	vst v16;
	v17 =	vld.idx.msk [tilespmem:v17+s24+$0x0], $0xffff  }
0x1a5: {  	v12 =	vand.u32 $0x200, v21;
	v16 =	vor.u32 v3, v13;
	[tilespmem:s23+$0xFFFFFF10] =	vst v23;
	v8 =	vmov s25;
	v18 =	vld.idx.msk [tilespmem:v18+s24+$0x0], $0xffff  }
0x1a6: {  	v21 =	vor.u32 v12, v24;
	v22 =	vld.idx.msk [tilespmem:v22+s24+$0x0], $0xffff;
	v24 =	vshll.u32 v8, $0x8;
	v8 =	vshll.u32 v8, $0x7  }
0x1a7: {  	v23 =	vor.u32 v3, v20;
	v24 =	vand.u32 $0x1800, v24;
	v8 =	vand.u32 $0x280, v8  }
0x1a8: {  	s25 =	simm.s32 $0x7;
	v26 =	vor.u32 v0, v21;
	v8 =	vor.u32 v8, v24;
	[tilespmem:s23+$0xA0] =	vst v14  }
0x1a9: {  	s10 =	simm.s32 $0x6;
	v9 =	vor.u32 v3, v9;
	v28 =	vmov s25;
	v24 =	vor.u32 v0, v8;
	[tilespmem:s23+$0xFFFFFFA0] =	vst v17  }
0x1aa: {  	v14 =	vmov s10;
	v17 =	vor.u32 v15, v11;
	[tilespmem:s23+$0x20] =	vst v18;
	v18 =	vor.u32 v4, v13;
	v16 =	vld.idx.msk [tilespmem:v16+s24+$0x0], $0xffff  }
0x1ab: {  	v11 =	vshll.u32 v28, $0x8;
	[tilespmem:s23+$0xFFFFFF20] =	vst v22;
	v22 =	vor.u32 v4, v20;
	v15 =	vld.idx.msk [tilespmem:v25+s24+$0x0], $0xffff;
	v25 =	vshll.u32 v28, $0x7  }
0x1ac: {  	v23 =	vld.idx.msk [tilespmem:v23+s24+$0x0], $0xffff;
	v28 =	vor.u32 v4, v19;
	v11 =	vand.u32 $0x1800, v11;
	v25 =	vand.u32 $0x380, v25  }
0x1ad: {  	v27 =	vshll.u32 v14, $0x8;
	v26 =	vld.idx.msk [tilespmem:v26+s24+$0x0], $0xffff;
	v14 =	vshll.u32 v14, $0x7;
	v11 =	vor.u32 v25, v11  }
0x1ae: {  	v14 =	vand.u32 $0x300, v14;
	v25 =	vld.idx.msk [tilespmem:v9+s24+$0x0], $0xffff;
	v9 =	vand.u32 $0x1800, v27;
	v27 =	vor.u32 v0, v11  }
0x1af: {  	s10 =	simm.s32 $0x8;
	v29 =	vor.u32 v4, v17;
	v24 =	vld.idx.msk [tilespmem:v24+s24+$0x0], $0xffff;
	v9 =	vor.u32 v14, v9;
	[tilespmem:s23+$0xB0] =	vst v16  }
0x1b0: {  	v14 =	vmov s10;
	v30 =	vor.u32 v0, v9;
	[tilespmem:s23+$0xFFFFFFB0] =	vst v15;
	v18 =	vld.idx.msk [tilespmem:v18+s24+$0x0], $0xffff  }
0x1b1: {  	v58 =	vor.u32 v1, v8;
	[tilespmem:s23+$0x30] =	vst v23;
	v15 =	vshll.u32 v14, $0x8;
	v14 =	vshll.u32 v14, $0x7;
	v28 =	vld.idx.msk [tilespmem:v28+s24+$0x0], $0xffff  }
0x1b2: {  	v23 =	vor.u32 v5, v13;
	v22 =	vld.idx.msk [tilespmem:v22+s24+$0x0], $0xffff;
	v31 =	vand.u32 $0x1800, v15;
	v16 =	vand.u32 $0x200, v14  }
0x1b3: {  	v56 =	vor.u32 v5, v19;
	[tilespmem:s23+$0xFFFFFF30] =	vst v25;
	v14 =	vor.u32 v16, v31;
	v25 =	vld.idx.msk [tilespmem:v27+s24+$0x0], $0xffff  }
0x1b4: {  	s0 =	simm.s32 $0xA300;
	v31 =	vor.u32 v0, v14;
	v29 =	vld.idx.msk [tilespmem:v29+s24+$0x0], $0xffff  }
0x1b5: {  	v27 =	vor.u32 v5, v20;
	[tilespmem:s0+$0xFFFFFF80] =	vst v24;
	v30 =	vld.idx.msk [tilespmem:v30+s24+$0x0], $0xffff  }
0x1b6: {  	v57 =	vor.u32 v1, v11;
	v59 =	vld.idx.msk [tilespmem:v58+s24+$0x0], $0xffff;
	[tilespmem:s23+$0xC0] =	vst v18  }
0x1b7: {  	[tilespmem:s23+$0xFFFFFFC0] =	vst v28;
	v28 =	vor.u32 v1, v9;
	v23 =	vld.idx.msk [tilespmem:v23+s24+$0x0], $0xffff  }
0x1b8: {  	[tilespmem:s23+$0x40] =	vst v22;
	v22 =	vor.u32 v6, v13;
	v32 =	vld.idx.msk [tilespmem:v56+s24+$0x0], $0xffff  }
0x1b9: {  	[tilespmem:s0+$0xFFFFFF00] =	vst v26;
	v18 =	vld.idx.msk [tilespmem:v31+s24+$0x0], $0xffff;
	v31 =	vor.u32 v1, v21  }
0x1ba: {  	v27 =	vld.idx.msk [tilespmem:v27+s24+$0x0], $0xffff;
	[tilespmem:s0+$0x80] =	vst v25;
	v25 =	vor.u32 v5, v17  }
0x1bb: {  	v24 =	vld.idx.msk [tilespmem:v57+s24+$0x0], $0xffff;
	[tilespmem:s0+$0x0] =	vst v30;
	v30 =	vor.u32 v6, v19  }
0x1bc: {  	v60 =	vor.u32 v2, v11;
	v28 =	vld.idx.msk [tilespmem:v28+s24+$0x0], $0xffff;
	[tilespmem:s23+$0xD0] =	vst v23  }
0x1bd: {  	[tilespmem:s23+$0xFFFFFF40] =	vst v29;
	v23 =	vor.u32 v2, v8;
	v26 =	vld.idx.msk [tilespmem:v22+s24+$0x0], $0xffff  }
0x1be: {  	v13 =	vor.u32 v7, v13;
	[tilespmem:s0+$0xFFFFFF90] =	vst v59;
	v31 =	vld.idx.msk [tilespmem:v31+s24+$0x0], $0xffff  }
0x1bf: {  	v35 =	vor.u32 v2, v9;
	[tilespmem:s23+$0xFFFFFFD0] =	vst v32;
	v25 =	vld.idx.msk [tilespmem:v25+s24+$0x0], $0xffff  }
0x1c0: {  	v29 =	vor.u32 v2, v21;
	[tilespmem:s0+$0x90] =	vst v24;
	v22 =	vld.idx.msk [tilespmem:v30+s24+$0x0], $0xffff  }
0x1c1: {  	s25 =	simm.s32 $0x9;
	v24 =	vor.u32 v6, v20;
	v30 =	vld.idx.msk [tilespmem:v60+s24+$0x0], $0xffff;
	[tilespmem:s0+$0x10] =	vst v28  }
0x1c2: {  	v63 =	vor.u32 v3, v11;
	v61 =	vld.idx.msk [tilespmem:v23+s24+$0x0], $0xffff;
	[tilespmem:s23+$0xE0] =	vst v26;
	v26 =	vmov s25  }
0x1c3: {  	v23 =	vor.u32 v6, v17;
	[tilespmem:s0+$0xFFFFFF10] =	vst v31;
	v28 =	vld.idx.msk [tilespmem:v13+s24+$0x0], $0xffff;
	v13 =	vshll.u32 v26, $0x8;
	v31 =	vshll.u32 v26, $0x7  }
0x1c4: {  	v36 =	vor.u32 v3, v8;
	[tilespmem:s23+$0x50] =	vst v27;
	v62 =	vld.idx.msk [tilespmem:v35+s24+$0x0], $0xffff;
	v13 =	vand.u32 $0x1800, v13;
	v27 =	vand.u32 $0x280, v31  }
0x1c5: {  	v33 =	vor.u32 v3, v9;
	[tilespmem:s23+$0xFFFFFF50] =	vst v25;
	v26 =	vld.idx.msk [tilespmem:v29+s24+$0x0], $0xffff;
	v13 =	vor.u32 v27, v13  }
0x1c6: {  	v24 =	vld.idx.msk [tilespmem:v24+s24+$0x0], $0xffff;
	[tilespmem:s0+$0xA0] =	vst v30;
	v25 =	vor.u32 v0, v13  }
0x1c7: {  	s25 =	simm.s32 $0xA;
	v29 =	vor.u32 v3, v21;
	v21 =	vld.idx.msk [tilespmem:v63+s24+$0x0], $0xffff  }
0x1c8: {  	v30 =	vmov s25;
	v31 =	vor.u32 v7, v19;
	v23 =	vld.idx.msk [tilespmem:v23+s24+$0x0], $0xffff;
	[tilespmem:s0+$0xFFFFFFA0] =	vst v61  }
0x1c9: {  	s10 =	simm.s32 $0xB;
	v20 =	vor.u32 v7, v20;
	s25 =	simm.s32 $0xC;
	v32 =	vshll.u32 v30, $0x8;
	[tilespmem:s0+$0x20] =	vst v62;
	v27 =	vld.idx.msk [tilespmem:v36+s24+$0x0], $0xffff  }
.LBB2_7:
0x1ca: {  	p2 =	slt.u32 s25, $0x1C;
	v19 =	vmov s10;
	v34 =	vor.u32 v12, v10;
	v33 =	vld.idx.msk [tilespmem:v33+s24+$0x0], $0xffff;
	v35 =	vor.u32 v4, v11;
	[tilespmem:s23+$0xF0] =	vst v28;
	v10 =	vmovc v15  }
0x1cb: {  	v12 =	vmovc v16;
	v25 =	vld.idx.msk [tilespmem:v25+s24+$0x0], $0xffff;
	v15 =	vshll.u32 v19, $0x8;
	v19 =	vshll.u32 v19, $0x7;
	[tilespmem:s0+$0xFFFFFF20] =	vst v26;
	v26 =	vor.u32 v4, v8  }
0x1cc: {  	v15 =	vand.u32 $0x1800, v15;
	v16 =	vand.u32 $0x380, v19;
	v28 =	vld.idx.msk [tilespmem:v29+s24+$0x0], $0xffff;
	v29 =	vor.u32 v4, v9;
	[tilespmem:s23+$0xFFFFFFE0] =	vst v22  }
0x1cd: {  	v19 =	vshll.u32 v30, $0x7;
	v30 =	vor.u32 v7, v17;
	v22 =	vor.u32 v16, v15;
	v31 =	vld.idx.msk [tilespmem:v31+s24+$0x0], $0xffff;
	[tilespmem:s23+$0x60] =	vst v24  }
0x1ce: {  	v17 =	vmovc v34;
	v15 =	vand.u32 $0x1800, v32;
	v16 =	vand.u32 $0x300, v19;
	v24 =	vor.u32 v0, v22;
	[tilespmem:s0+$0xB0] =	vst v21;
	v20 =	vld.idx.msk [tilespmem:v20+s24+$0x0], $0xffff  }
0x1cf: {  	v19 =	vor.u32 v16, v15;
	v21 =	vor.u32 v4, v17;
	[tilespmem:s0+$0xFFFFFFB0] =	vst v27;
	v27 =	vld.idx.msk [tilespmem:v35+s24+$0x0], $0xffff  }
0x1d0: {  	v16 =	vmov s25;
	v32 =	vor.u32 v0, v19;
	v26 =	vld.idx.msk [tilespmem:v26+s24+$0x0], $0xffff;
	[tilespmem:s0+$0x30] =	vst v33  }
0x1d1: {  	v15 =	vshll.u32 v16, $0x8;
	v16 =	vshll.u32 v16, $0x7;
	v33 =	vor.u32 v5, v11;
	v29 =	vld.idx.msk [tilespmem:v29+s24+$0x0], $0xffff;
	[tilespmem:s23+$0xFFFFFF60] =	vst v23  }
0x1d2: {  	v16 =	vand.u32 $0x200, v16;
	v23 =	vand.u32 $0x1800, v15;
	[tilespmem:s0+$0xFFFFFF30] =	vst v28;
	v28 =	vor.u32 v5, v8;
	v30 =	vld.idx.msk [tilespmem:v30+s24+$0x0], $0xffff  }
0x1d3: {  	v34 =	vor.u32 v16, v23;
	v23 =	vld.idx.msk [tilespmem:v24+s24+$0x0], $0xffff;
	v24 =	vor.u32 v5, v9;
	[tilespmem:s23+$0xFFFFFFF0] =	vst v31  }
0x1d4: {  	v31 =	vor.u32 v0, v34;
	v21 =	vld.idx.msk [tilespmem:v21+s24+$0x0], $0xffff;
	[tilespmem:s23+$0x70] =	vst v20  }
0x1d5: {  	v20 =	vld.idx.msk [tilespmem:v32+s24+$0x0], $0xffff;
	v32 =	vor.u32 v1, v22;
	[tilespmem:s0+$0xC0] =	vst v27  }
0x1d6: {  	v27 =	vor.u32 v1, v13;
	[tilespmem:s0+$0xFFFFFFC0] =	vst v26;
	v26 =	vld.idx.msk [tilespmem:v33+s24+$0x0], $0xffff  }
0x1d7: {  	v33 =	vor.u32 v1, v19;
	v28 =	vld.idx.msk [tilespmem:v28+s24+$0x0], $0xffff;
	[tilespmem:s0+$0x40] =	vst v29  }
0x1d8: {  	v29 =	vor.u32 v6, v11;
	v24 =	vld.idx.msk [tilespmem:v24+s24+$0x0], $0xffff;
	[tilespmem:s23+$0xFFFFFF70] =	vst v30;
	s23 =	smov.u32 s0;
	s0 =	sadd.s32 $0x200, s0  }
0x1d9: {  	v30 =	vld.idx.msk [tilespmem:v31+s24+$0x0], $0xffff;
	v31 =	vor.u32 v1, v14;
	[tilespmem:s0+$0x80] =	vst v23  }
0x1da: {  	[tilespmem:s0+$0xFFFFFF80] =	vst v25;
	v23 =	vld.idx.msk [tilespmem:v32+s24+$0x0], $0xffff;
	v25 =	vor.u32 v5, v17  }
0x1db: {  	v27 =	vld.idx.msk [tilespmem:v27+s24+$0x0], $0xffff;
	[tilespmem:s0+$0x0] =	vst v20;
	v20 =	vor.u32 v6, v8  }
0x1dc: {  	v32 =	vld.idx.msk [tilespmem:v33+s24+$0x0], $0xffff;
	v33 =	vor.u32 v2, v22;
	[tilespmem:s23+$0xD0] =	vst v26  }
0x1dd: {  	v26 =	vor.u32 v2, v13;
	[tilespmem:s0+$0xFFFFFF00] =	vst v18;
	v29 =	vld.idx.msk [tilespmem:v29+s24+$0x0], $0xffff  }
0x1de: {  	v35 =	vor.u32 v2, v19;
	v31 =	vld.idx.msk [tilespmem:v31+s24+$0x0], $0xffff;
	[tilespmem:s23+$0xFFFFFF40] =	vst v21  }
0x1df: {  	v18 =	vmov v30;
	v21 =	vld.idx.msk [tilespmem:v25+s24+$0x0], $0xffff;
	[tilespmem:s23+$0xFFFFFFD0] =	vst v28;
	v25 =	vor.u32 v7, v11;
	v11 =	vmov v22  }
0x1e0: {  	v30 =	vor.u32 v2, v14;
	[tilespmem:s0+$0x90] =	vst v23;
	v22 =	vld.idx.msk [tilespmem:v20+s24+$0x0], $0xffff  }
0x1e1: {  	s10 =	sadd.s32 $0x1, s25;
	v23 =	vor.u32 v6, v9;
	[tilespmem:s0+$0xFFFFFF90] =	vst v27;
	v20 =	vld.idx.msk [tilespmem:v33+s24+$0x0], $0xffff  }
0x1e2: {  	v27 =	vmov s10;
	v36 =	vld.idx.msk [tilespmem:v26+s24+$0x0], $0xffff;
	[tilespmem:s0+$0x10] =	vst v32;
	v32 =	vor.u32 v6, v17  }
0x1e3: {  	v37 =	vor.u32 v3, v11;
	v26 =	vshll.u32 v27, $0x8;
	v27 =	vshll.u32 v27, $0x7;
	v35 =	vld.idx.msk [tilespmem:v35+s24+$0x0], $0xffff;
	[tilespmem:s23+$0xE0] =	vst v29  }
0x1e4: {  	v38 =	vor.u32 v3, v13;
	v26 =	vand.u32 $0x1800, v26;
	v27 =	vand.u32 $0x280, v27;
	[tilespmem:s0+$0xFFFFFF10] =	vst v31;
	v28 =	vld.idx.msk [tilespmem:v25+s24+$0x0], $0xffff  }
.Ltmp4:
0x1e5: {  	v33 =	vor.u32 v3, v19;
	v27 =	vor.u32 v27, v26;
	v26 =	vld.idx.msk [tilespmem:v30+s24+$0x0], $0xffff;
	[tilespmem:s23+$0x50] =	vst v24;
	(pc) =	sbr.rel @p2 .LBB2_7-.Ltmp4, $4  }
0x1e6: {  	v25 =	vor.u32 v0, v27;
	[tilespmem:s23+$0xFFFFFF50] =	vst v21;
	v24 =	vld.idx.msk [tilespmem:v23+s24+$0x0], $0xffff  }
0x1e7: {  	s10 =	sadd.s32 $0x2, s25;
	v29 =	vor.u32 v3, v14;
	v14 =	vmov v34;
	[tilespmem:s0+$0xA0] =	vst v20;
	v23 =	vld.idx.msk [tilespmem:v32+s24+$0x0], $0xffff  }
0x1e8: {  	v31 =	vor.u32 v7, v8;
	v8 =	vmovc v13;
	v30 =	vmov s10;
	v13 =	vmov v27;
	[tilespmem:s0+$0xFFFFFFA0] =	vst v36;
	v21 =	vld.idx.msk [tilespmem:v37+s24+$0x0], $0xffff  }
0x1e9: {  	s10 =	sadd.s32 $0x3, s25;
	s25 =	sadd.s32 $0x4, s25;
	v32 =	vshll.u32 v30, $0x8;
	v20 =	vor.u32 v7, v9;
	v9 =	vmov v19;
	v27 =	vld.idx.msk [tilespmem:v38+s24+$0x0], $0xffff;
	[tilespmem:s0+$0x20] =	vst v35  }
0x1ea: {  	_ =	sdelay $0x1  }
0x1eb: {  	v19 =	vmov s10;
	[tilespmem:s23+$0xF0] =	vst v28  }
0x1ec: {  	v54 =	vor.u32 v4, v11;
	[tilespmem:s0+$0xFFFFFF20] =	vst v26;
	v34 =	vshll.u32 v19, $0x8;
	v19 =	vshll.u32 v19, $0x7  }
0x1ed: {  	v28 =	vld.idx.msk [tilespmem:v33+s24+$0x0], $0xffff;
	v26 =	vor.u32 v4, v8;
	[tilespmem:s23+$0xFFFFFFE0] =	vst v22;
	v34 =	vand.u32 $0x1800, v34;
	v19 =	vand.u32 $0x380, v19  }
0x1ee: {  	v30 =	vshll.u32 v30, $0x7;
	v22 =	vld.idx.msk [tilespmem:v29+s24+$0x0], $0xffff;
	v29 =	vor.u32 v4, v9;
	[tilespmem:s23+$0x60] =	vst v24;
	v19 =	vor.u32 v19, v34  }
0x1ef: {  	v24 =	vld.idx.msk [tilespmem:v31+s24+$0x0], $0xffff;
	v31 =	vand.u32 $0x1800, v32;
	v30 =	vand.u32 $0x300, v30;
	[tilespmem:s23+$0xFFFFFF60] =	vst v23;
	v55 =	vor.u32 v0, v19  }
0x1f0: {  	[tilespmem:s0+$0xB0] =	vst v21;
	v21 =	vld.idx.msk [tilespmem:v20+s24+$0x0], $0xffff;
	v20 =	vor.u32 v30, v31  }
0x1f1: {  	[tilespmem:s0+$0xFFFFFFB0] =	vst v27;
	v30 =	vor.u32 v0, v20;
	v27 =	vld.idx.msk [tilespmem:v54+s24+$0x0], $0xffff  }
0x1f2: {  	[tilespmem:s0+$0x30] =	vst v28;
	v26 =	vld.idx.msk [tilespmem:v26+s24+$0x0], $0xffff  }
0x1f3: {  	v17 =	vor.u32 v7, v17;
	v23 =	vld.idx.msk [tilespmem:v29+s24+$0x0], $0xffff;
	[tilespmem:s0+$0xFFFFFF30] =	vst v22  }
0x1f4: {  	v22 =	vor.u32 v5, v11;
	[tilespmem:s23+$0xFFFFFFF0] =	vst v24;
	v28 =	vld.idx.msk [tilespmem:v55+s24+$0x0], $0xffff  }
0x1f5: {  	v24 =	vld.idx.msk [tilespmem:v25+s24+$0x0], $0xffff;
	[tilespmem:s23+$0x70] =	vst v21;
	v21 =	vor.u32 v1, v19  }
0x1f6: {  	v25 =	vld.idx.msk [tilespmem:v30+s24+$0x0], $0xffff;
	[tilespmem:s0+$0xC0] =	vst v27;
	v27 =	vor.u32 v1, v13  }
0x1f7: {  	[tilespmem:s0+$0xFFFFFFC0] =	vst v26;
	v26 =	vor.u32 v1, v20  }
0x1f8: {  	v10 =	vor.u32 v12, v10;
	s25 =	sadd.s32 $0x200, s0;
	v12 =	vld.idx.msk [tilespmem:v17+s24+$0x0], $0xffff;
	v17 =	vor.u32 v1, v14;
	[tilespmem:s0+$0x40] =	vst v23  }
0x1f9: {  	v23 =	vor.u32 v4, v10;
	v22 =	vld.idx.msk [tilespmem:v22+s24+$0x0], $0xffff;
	[tilespmem:s25+$0x80] =	vst v28  }
0x1fa: {  	[tilespmem:s25+$0xFFFFFF80] =	vst v24;
	v28 =	vor.u32 v5, v8;
	v21 =	vld.idx.msk [tilespmem:v21+s24+$0x0], $0xffff  }
0x1fb: {  	[tilespmem:s25+$0x0] =	vst v25;
	v25 =	vor.u32 v2, v19;
	v24 =	vld.idx.msk [tilespmem:v27+s24+$0x0], $0xffff  }
0x1fc: {  	[tilespmem:s25+$0xFFFFFF00] =	vst v18;
	v18 =	vor.u32 v2, v13;
	v26 =	vld.idx.msk [tilespmem:v26+s24+$0x0], $0xffff  }
0x1fd: {  	[tilespmem:s23+$0xFFFFFF70] =	vst v12;
	v12 =	vld.idx.msk [tilespmem:v17+s24+$0x0], $0xffff;
	v17 =	vor.u32 v2, v20  }
0x1fe: {  	v23 =	vld.idx.msk [tilespmem:v23+s24+$0x0], $0xffff;
	[tilespmem:s0+$0xD0] =	vst v22;
	v22 =	vor.u32 v2, v14  }
0x1ff: {  	v27 =	vld.idx.msk [tilespmem:v28+s24+$0x0], $0xffff;
	v28 =	vor.u32 v6, v11;
	[tilespmem:s25+$0x90] =	vst v21  }
0x200: {  	v21 =	vor.u32 v5, v9;
	[tilespmem:s25+$0xFFFFFF90] =	vst v24;
	v24 =	vld.idx.msk [tilespmem:v25+s24+$0x0], $0xffff  }
0x201: {  	[tilespmem:s25+$0x10] =	vst v26;
	v18 =	vld.idx.msk [tilespmem:v18+s24+$0x0], $0xffff;
	v25 =	vor.u32 v3, v19  }
0x202: {  	[tilespmem:s25+$0xFFFFFF10] =	vst v12;
	v12 =	vor.u32 v3, v13;
	v17 =	vld.idx.msk [tilespmem:v17+s24+$0x0], $0xffff  }
0x203: {  	[tilespmem:s0+$0xFFFFFF40] =	vst v23;
	v22 =	vld.idx.msk [tilespmem:v22+s24+$0x0], $0xffff;
	v23 =	vor.u32 v3, v20  }
0x204: {  	v14 =	vor.u32 v3, v14;
	v26 =	vld.idx.msk [tilespmem:v28+s24+$0x0], $0xffff;
	[tilespmem:s0+$0xFFFFFFD0] =	vst v27  }
0x205: {  	v27 =	vor.u32 v5, v10;
	v21 =	vld.idx.msk [tilespmem:v21+s24+$0x0], $0xffff;
	[tilespmem:s25+$0xA0] =	vst v24  }
0x206: {  	v11 =	vor.u32 v7, v11;
	[tilespmem:s25+$0xFFFFFFA0] =	vst v18;
	v18 =	vld.idx.msk [tilespmem:v25+s24+$0x0], $0xffff  }
0x207: {  	[tilespmem:s25+$0x20] =	vst v17;
	v17 =	vor.u32 v4, v19;
	v12 =	vld.idx.msk [tilespmem:v12+s24+$0x0], $0xffff  }
0x208: {  	[tilespmem:s25+$0xFFFFFF20] =	vst v22;
	v22 =	vor.u32 v4, v13;
	v23 =	vld.idx.msk [tilespmem:v23+s24+$0x0], $0xffff  }
0x209: {  	v15 =	vor.u32 v16, v15;
	v16 =	vor.u32 v4, v20;
	v14 =	vld.idx.msk [tilespmem:v14+s24+$0x0], $0xffff;
	[tilespmem:s0+$0xE0] =	vst v26  }
0x20a: {  	v24 =	vld.idx.msk [tilespmem:v27+s24+$0x0], $0xffff;
	[tilespmem:s0+$0x50] =	vst v21;
	v21 =	vor.u32 v4, v15  }
0x20b: {  	v25 =	vor.u32 v6, v8;
	v11 =	vld.idx.msk [tilespmem:v11+s24+$0x0], $0xffff;
	[tilespmem:s25+$0xB0] =	vst v18  }
0x20c: {  	v18 =	vor.u32 v6, v9;
	[tilespmem:s25+$0xFFFFFFB0] =	vst v12;
	v12 =	vld.idx.msk [tilespmem:v17+s24+$0x0], $0xffff  }
0x20d: {  	[tilespmem:s25+$0x30] =	vst v23;
	v17 =	vld.idx.msk [tilespmem:v22+s24+$0x0], $0xffff;
	v22 =	vor.u32 v5, v19  }
0x20e: {  	[tilespmem:s25+$0xFFFFFF30] =	vst v14;
	v14 =	vor.u32 v5, v13;
	v16 =	vld.idx.msk [tilespmem:v16+s24+$0x0], $0xffff  }
0x20f: {  	v23 =	vor.u32 v5, v20;
	[tilespmem:s0+$0xFFFFFF50] =	vst v24;
	v21 =	vld.idx.msk [tilespmem:v21+s24+$0x0], $0xffff  }
0x210: {  	v24 =	vld.idx.msk [tilespmem:v25+s24+$0x0], $0xffff;
	[tilespmem:s0+$0xF0] =	vst v11;
	v11 =	vor.u32 v5, v15  }
0x211: {  	v25 =	vor.u32 v6, v10;
	v18 =	vld.idx.msk [tilespmem:v18+s24+$0x0], $0xffff;
	[tilespmem:s25+$0xC0] =	vst v12  }
0x212: {  	v8 =	vor.u32 v7, v8;
	[tilespmem:s25+$0xFFFFFFC0] =	vst v17;
	v12 =	vld.idx.msk [tilespmem:v22+s24+$0x0], $0xffff  }
0x213: {  	[tilespmem:s25+$0x40] =	vst v16;
	v16 =	vor.u32 v6, v19;
	v14 =	vld.idx.msk [tilespmem:v14+s24+$0x0], $0xffff  }
0x214: {  	v17 =	vld.idx.msk [tilespmem:v23+s24+$0x0], $0xffff;
	v22 =	vor.u32 v6, v13;
	[tilespmem:s25+$0xFFFFFF40] =	vst v21  }
0x215: {  	[tilespmem:s0+$0xFFFFFFE0] =	vst v24;
	v21 =	vor.u32 v6, v20;
	v11 =	vld.idx.msk [tilespmem:v11+s24+$0x0], $0xffff  }
0x216: {  	v23 =	vld.idx.msk [tilespmem:v25+s24+$0x0], $0xffff;
	[tilespmem:s0+$0x60] =	vst v18;
	v18 =	vor.u32 v6, v15  }
0x217: {  	v9 =	vor.u32 v7, v9;
	v8 =	vld.idx.msk [tilespmem:v8+s24+$0x0], $0xffff;
	[tilespmem:s25+$0xD0] =	vst v12  }
0x218: {  	v10 =	vor.u32 v7, v10;
	[tilespmem:s25+$0xFFFFFFD0] =	vst v14;
	v12 =	vld.idx.msk [tilespmem:v16+s24+$0x0], $0xffff  }
0x219: {  	v14 =	vor.u32 v7, v19;
	[tilespmem:s25+$0x50] =	vst v17;
	v16 =	vld.idx.msk [tilespmem:v22+s24+$0x0], $0xffff  }
0x21a: {  	v13 =	vor.u32 v7, v13;
	[tilespmem:s25+$0xFFFFFF50] =	vst v11;
	v11 =	vld.idx.msk [tilespmem:v21+s24+$0x0], $0xffff  }
0x21b: {  	[tilespmem:s0+$0xFFFFFF60] =	vst v23;
	v17 =	vld.idx.msk [tilespmem:v18+s24+$0x0], $0xffff;
	v18 =	vor.u32 v7, v20  }
0x21c: {  	v9 =	vld.idx.msk [tilespmem:v9+s24+$0x0], $0xffff;
	[tilespmem:s0+$0xFFFFFFF0] =	vst v8;
	v8 =	vor.u32 v7, v15  }
0x21d: {  	v10 =	vld.idx.msk [tilespmem:v10+s24+$0x0], $0xffff;
	[tilespmem:s25+$0xE0] =	vst v12  }
0x21e: {  	[tilespmem:s25+$0xFFFFFFE0] =	vst v16;
	v12 =	vld.idx.msk [tilespmem:v14+s24+$0x0], $0xffff  }
0x21f: {  	v13 =	vld.idx.msk [tilespmem:v13+s24+$0x0], $0xffff;
	[tilespmem:s25+$0x60] =	vst v11  }
0x220: {  	v11 =	vld.idx.msk [tilespmem:v18+s24+$0x0], $0xffff;
	[tilespmem:s25+$0xFFFFFF60] =	vst v17  }
0x221: {  	[tilespmem:s0+$0x70] =	vst v9;
	v8 =	vld.idx.msk [tilespmem:v8+s24+$0x0], $0xffff  }
0x222: {  	[tilespmem:s0+$0xFFFFFF70] =	vst v10  }
0x223: {  	[tilespmem:s25+$0xF0] =	vst v12  }
0x224: {  	[tilespmem:s25+$0xFFFFFFF0] =	vst v13  }
0x225: {  	s0 =	sor.u32 $0x400, s31;
	[tilespmem:s25+$0x70] =	vst v11  }
0x226: {  	s23 =	sadd.s32 s3, s0;
	[tilespmem:s25+$0xFFFFFF70] =	vst v8;
	s25 =	simm.s32 $0xA000  }
0x227: {  	[hbm4b:s23+s4] =	stream.linear.scatter [tilespmem:s25], [sflag:$0xD], $0x800, $0x38;
	[tilespmem:$0xC000] =	vst v63  }
0x228: {  	s0 =	sadd.s32 s0, s15  }
0x229: {  	[hbm4b:s0+s4] =	stream.linear.scatter [tilespmem:s11], [sflag:$0xE], $0x800, $0x38;
	[tilespmem:$0xC000] =	vst v63  }
0x22a: {  	s0 =	sadd.s32 @!p1 s28, s18  }
0x22b: {  	s0 =	sshll.u32 @!p1 s0, $0x5  }
0x22c: {  	s23 =	simm.s32 @!p1 $0x0;
	s25 =	simm.s32 @!p1 $0x4000;
	s10 =	sadd.s32 @!p1 s2, s0  }
0x22d: {  	[tilespmem:s25], [sflag:$0x5] =	stream.linear.gather @!p1 [hbm4b:s10+s23], $0x1000, $0x38;
	[tilespmem:$0xC000] =	vst v63  }
0x22e: {  	s0 =	sadd.s32 @!p1 s0, s7;
	s10 =	simm.s32 @!p1 $0x5000;
	s25 =	simm.s32 $0x1  }
0x22f: {  	[tilespmem:s10], [sflag:$0x6] =	stream.linear.gather @!p1 [hbm4b:s0+s23], $0x1000, $0x38;
	[tilespmem:$0xC000] =	vst v63  }
0x230: {  	v9 =	vmov s25;
	s23 =	simm.s32 $0x0;
	_ =	swait.ge [sflag:s12], $0x1000  }
0x231: {  	v10 =	vshll.u32 v9, $0x8;
	v9 =	vshll.u32 v9, $0x7;
	v8 =	vmov s23;
	[sflag:s12] =	ssyncset.done $0x0  }
0x232: {  	s23 =	simm.s32 $0x3;
	v10 =	vand.u32 $0x1800, v10;
	v9 =	vand.u32 $0x280, v9;
	v11 =	vshll.u32 v8, $0x8;
	[sflag:s12] =	ssyncadd.s32 $0xFFFFF000  }
0x233: {  	s25 =	simm.s32 $0x2;
	v12 =	vmov s23;
	v19 =	vor.u32 v9, v10;
	v8 =	vshll.u32 v8, $0x7;
	_ =	swait.ge [sflag:s13], $0x1000  }
0x234: {  	v9 =	vshll.u32 v12, $0x8;
	v10 =	vshll.u32 v12, $0x7;
	v12 =	vmov s25;
	[sflag:s13] =	ssyncset.done $0x0  }
0x235: {  	s10 =	simm.s32 @!p0 $0xF;
	v15 =	vand.u32 $0x200, v8;
	v9 =	vand.u32 $0x1800, v9;
	v10 =	vand.u32 $0x380, v10;
	[sflag:s13] =	ssyncadd.s32 $0xFFFFF000  }
0x236: {  	v14 =	vshll.u32 v12, $0x8;
	v12 =	vshll.u32 v12, $0x7;
	v13 =	vor.u32 v10, v9;
	_ =	swait.ge @!p0 [sflag:s10], $0x800  }
0x237: {  	v9 =	vand.u32 $0x1800, v14;
	v10 =	vand.u32 $0x300, v12;
	v12 =	vor.u32 v0, v13;
	[sflag:s10] =	ssyncset.done @!p0 $0x0  }
0x238: {  	s0 =	simm.s32 @!p0 $0x10;
	v14 =	vor.u32 v0, v19;
	v20 =	vor.u32 v10, v9;
	v9 =	vand.u32 $0x1800, v11;
	[sflag:s10] =	ssyncadd.s32 @!p0 $0xFFFFF800  }
0x239: {  	v8 =	vor.u32 v0, v20;
	v9 =	vor.u32 v15, v9;
	_ =	swait.ge @!p0 [sflag:s0], $0x800  }
0x23a: {  	v10 =	vor.u32 v0, v9;
	[sflag:s0] =	ssyncset.done @!p0 $0x0  }
0x23b: {  	[sflag:s0] =	ssyncadd.s32 @!p0 $0xFFFFF800  }
0x23c: {  	v12 =	vld.idx.msk [tilespmem:v12+s26+$0x0], $0xffff  }
0x23d: {  	v16 =	vor.u32 v1, v13;
	v14 =	vld.idx.msk [tilespmem:v14+s26+$0x0], $0xffff  }
0x23e: {  	v17 =	vor.u32 v1, v19;
	v8 =	vld.idx.msk [tilespmem:v8+s26+$0x0], $0xffff  }
0x23f: {  	v18 =	vor.u32 v1, v20;
	v10 =	vld.idx.msk [tilespmem:v10+s26+$0x0], $0xffff  }
0x240: {  	s23 =	simm.s32 $0xB100;
	v21 =	vor.u32 v1, v9  }
0x241: {  	[tilespmem:s23+$0x80] =	vst v12  }
0x242: {  	[tilespmem:s23+$0xFFFFFF80] =	vst v14;
	v12 =	vld.idx.msk [tilespmem:v16+s26+$0x0], $0xffff  }
0x243: {  	[tilespmem:s23+$0x0] =	vst v8;
	v8 =	vor.u32 v2, v13;
	v14 =	vld.idx.msk [tilespmem:v17+s26+$0x0], $0xffff  }
0x244: {  	s10 =	simm.s32 $0x4;
	[tilespmem:s23+$0xFFFFFF00] =	vst v10;
	v16 =	vld.idx.msk [tilespmem:v18+s26+$0x0], $0xffff;
	v17 =	vor.u32 v2, v19  }
0x245: {  	v22 =	vmov s10;
	v18 =	vor.u32 v2, v20;
	v23 =	vld.idx.msk [tilespmem:v21+s26+$0x0], $0xffff  }
0x246: {  	v10 =	vshll.u32 v22, $0x8;
	v21 =	vshll.u32 v22, $0x7;
	v22 =	vor.u32 v2, v9  }
0x247: {  	[tilespmem:s23+$0x90] =	vst v12  }
0x248: {  	[tilespmem:s23+$0xFFFFFF90] =	vst v14;
	v14 =	vld.idx.msk [tilespmem:v8+s26+$0x0], $0xffff  }
0x249: {  	s25 =	simm.s32 $0x5;
	v25 =	vor.u32 v3, v19;
	v24 =	vand.u32 $0x1800, v10;
	[tilespmem:s23+$0x10] =	vst v16;
	v17 =	vld.idx.msk [tilespmem:v17+s26+$0x0], $0xffff  }
0x24a: {  	v12 =	vand.u32 $0x200, v21;
	v16 =	vor.u32 v3, v13;
	[tilespmem:s23+$0xFFFFFF10] =	vst v23;
	v8 =	vmov s25;
	v18 =	vld.idx.msk [tilespmem:v18+s26+$0x0], $0xffff  }
0x24b: {  	v21 =	vor.u32 v12, v24;
	v22 =	vld.idx.msk [tilespmem:v22+s26+$0x0], $0xffff;
	v24 =	vshll.u32 v8, $0x8;
	v8 =	vshll.u32 v8, $0x7  }
0x24c: {  	v23 =	vor.u32 v3, v20;
	v24 =	vand.u32 $0x1800, v24;
	v8 =	vand.u32 $0x280, v8  }
0x24d: {  	s25 =	simm.s32 $0x7;
	v26 =	vor.u32 v0, v21;
	v8 =	vor.u32 v8, v24;
	[tilespmem:s23+$0xA0] =	vst v14  }
0x24e: {  	s10 =	simm.s32 $0x6;
	v9 =	vor.u32 v3, v9;
	v28 =	vmov s25;
	v24 =	vor.u32 v0, v8;
	[tilespmem:s23+$0xFFFFFFA0] =	vst v17  }
0x24f: {  	v14 =	vmov s10;
	v17 =	vor.u32 v15, v11;
	[tilespmem:s23+$0x20] =	vst v18;
	v18 =	vor.u32 v4, v13;
	v16 =	vld.idx.msk [tilespmem:v16+s26+$0x0], $0xffff  }
0x250: {  	v11 =	vshll.u32 v28, $0x8;
	[tilespmem:s23+$0xFFFFFF20] =	vst v22;
	v22 =	vor.u32 v4, v20;
	v15 =	vld.idx.msk [tilespmem:v25+s26+$0x0], $0xffff;
	v25 =	vshll.u32 v28, $0x7  }
0x251: {  	v23 =	vld.idx.msk [tilespmem:v23+s26+$0x0], $0xffff;
	v28 =	vor.u32 v4, v19;
	v11 =	vand.u32 $0x1800, v11;
	v25 =	vand.u32 $0x380, v25  }
0x252: {  	v27 =	vshll.u32 v14, $0x8;
	v26 =	vld.idx.msk [tilespmem:v26+s26+$0x0], $0xffff;
	v14 =	vshll.u32 v14, $0x7;
	v11 =	vor.u32 v25, v11  }
0x253: {  	v14 =	vand.u32 $0x300, v14;
	v25 =	vld.idx.msk [tilespmem:v9+s26+$0x0], $0xffff;
	v9 =	vand.u32 $0x1800, v27;
	v27 =	vor.u32 v0, v11  }
0x254: {  	s10 =	simm.s32 $0x8;
	v29 =	vor.u32 v4, v17;
	v24 =	vld.idx.msk [tilespmem:v24+s26+$0x0], $0xffff;
	v9 =	vor.u32 v14, v9;
	[tilespmem:s23+$0xB0] =	vst v16  }
0x255: {  	v14 =	vmov s10;
	v30 =	vor.u32 v0, v9;
	[tilespmem:s23+$0xFFFFFFB0] =	vst v15;
	v18 =	vld.idx.msk [tilespmem:v18+s26+$0x0], $0xffff  }
0x256: {  	v58 =	vor.u32 v1, v8;
	[tilespmem:s23+$0x30] =	vst v23;
	v15 =	vshll.u32 v14, $0x8;
	v14 =	vshll.u32 v14, $0x7;
	v28 =	vld.idx.msk [tilespmem:v28+s26+$0x0], $0xffff  }
0x257: {  	v23 =	vor.u32 v5, v13;
	v22 =	vld.idx.msk [tilespmem:v22+s26+$0x0], $0xffff;
	v31 =	vand.u32 $0x1800, v15;
	v16 =	vand.u32 $0x200, v14  }
0x258: {  	v56 =	vor.u32 v5, v19;
	[tilespmem:s23+$0xFFFFFF30] =	vst v25;
	v14 =	vor.u32 v16, v31;
	v25 =	vld.idx.msk [tilespmem:v27+s26+$0x0], $0xffff  }
0x259: {  	s0 =	simm.s32 $0xB300;
	v31 =	vor.u32 v0, v14;
	v29 =	vld.idx.msk [tilespmem:v29+s26+$0x0], $0xffff  }
0x25a: {  	v27 =	vor.u32 v5, v20;
	[tilespmem:s0+$0xFFFFFF80] =	vst v24;
	v30 =	vld.idx.msk [tilespmem:v30+s26+$0x0], $0xffff  }
0x25b: {  	v57 =	vor.u32 v1, v11;
	v59 =	vld.idx.msk [tilespmem:v58+s26+$0x0], $0xffff;
	[tilespmem:s23+$0xC0] =	vst v18  }
0x25c: {  	[tilespmem:s23+$0xFFFFFFC0] =	vst v28;
	v28 =	vor.u32 v1, v9;
	v23 =	vld.idx.msk [tilespmem:v23+s26+$0x0], $0xffff  }
0x25d: {  	[tilespmem:s23+$0x40] =	vst v22;
	v22 =	vor.u32 v6, v13;
	v32 =	vld.idx.msk [tilespmem:v56+s26+$0x0], $0xffff  }
0x25e: {  	[tilespmem:s0+$0xFFFFFF00] =	vst v26;
	v18 =	vld.idx.msk [tilespmem:v31+s26+$0x0], $0xffff;
	v31 =	vor.u32 v1, v21  }
0x25f: {  	v27 =	vld.idx.msk [tilespmem:v27+s26+$0x0], $0xffff;
	[tilespmem:s0+$0x80] =	vst v25;
	v25 =	vor.u32 v5, v17  }
0x260: {  	v24 =	vld.idx.msk [tilespmem:v57+s26+$0x0], $0xffff;
	[tilespmem:s0+$0x0] =	vst v30;
	v30 =	vor.u32 v6, v19  }
0x261: {  	v60 =	vor.u32 v2, v11;
	v28 =	vld.idx.msk [tilespmem:v28+s26+$0x0], $0xffff;
	[tilespmem:s23+$0xD0] =	vst v23  }
0x262: {  	[tilespmem:s23+$0xFFFFFF40] =	vst v29;
	v23 =	vor.u32 v2, v8;
	v26 =	vld.idx.msk [tilespmem:v22+s26+$0x0], $0xffff  }
0x263: {  	v13 =	vor.u32 v7, v13;
	[tilespmem:s0+$0xFFFFFF90] =	vst v59;
	v31 =	vld.idx.msk [tilespmem:v31+s26+$0x0], $0xffff  }
0x264: {  	v35 =	vor.u32 v2, v9;
	[tilespmem:s23+$0xFFFFFFD0] =	vst v32;
	v25 =	vld.idx.msk [tilespmem:v25+s26+$0x0], $0xffff  }
0x265: {  	v29 =	vor.u32 v2, v21;
	[tilespmem:s0+$0x90] =	vst v24;
	v22 =	vld.idx.msk [tilespmem:v30+s26+$0x0], $0xffff  }
0x266: {  	s25 =	simm.s32 $0x9;
	v24 =	vor.u32 v6, v20;
	v30 =	vld.idx.msk [tilespmem:v60+s26+$0x0], $0xffff;
	[tilespmem:s0+$0x10] =	vst v28  }
0x267: {  	v63 =	vor.u32 v3, v11;
	v61 =	vld.idx.msk [tilespmem:v23+s26+$0x0], $0xffff;
	[tilespmem:s23+$0xE0] =	vst v26;
	v26 =	vmov s25  }
0x268: {  	v23 =	vor.u32 v6, v17;
	[tilespmem:s0+$0xFFFFFF10] =	vst v31;
	v28 =	vld.idx.msk [tilespmem:v13+s26+$0x0], $0xffff;
	v13 =	vshll.u32 v26, $0x8;
	v31 =	vshll.u32 v26, $0x7  }
0x269: {  	v36 =	vor.u32 v3, v8;
	[tilespmem:s23+$0x50] =	vst v27;
	v62 =	vld.idx.msk [tilespmem:v35+s26+$0x0], $0xffff;
	v13 =	vand.u32 $0x1800, v13;
	v27 =	vand.u32 $0x280, v31  }
0x26a: {  	v33 =	vor.u32 v3, v9;
	[tilespmem:s23+$0xFFFFFF50] =	vst v25;
	v26 =	vld.idx.msk [tilespmem:v29+s26+$0x0], $0xffff;
	v13 =	vor.u32 v27, v13  }
0x26b: {  	v24 =	vld.idx.msk [tilespmem:v24+s26+$0x0], $0xffff;
	[tilespmem:s0+$0xA0] =	vst v30;
	v25 =	vor.u32 v0, v13  }
0x26c: {  	s25 =	simm.s32 $0xA;
	v29 =	vor.u32 v3, v21;
	v21 =	vld.idx.msk [tilespmem:v63+s26+$0x0], $0xffff  }
0x26d: {  	v30 =	vmov s25;
	v31 =	vor.u32 v7, v19;
	v23 =	vld.idx.msk [tilespmem:v23+s26+$0x0], $0xffff;
	[tilespmem:s0+$0xFFFFFFA0] =	vst v61  }
0x26e: {  	s10 =	simm.s32 $0xB;
	v20 =	vor.u32 v7, v20;
	s25 =	simm.s32 $0xC;
	v32 =	vshll.u32 v30, $0x8;
	[tilespmem:s0+$0x20] =	vst v62;
	v27 =	vld.idx.msk [tilespmem:v36+s26+$0x0], $0xffff  }
.LBB2_9:
0x26f: {  	p0 =	slt.u32 s25, $0x1C;
	v19 =	vmov s10;
	v34 =	vor.u32 v12, v10;
	v33 =	vld.idx.msk [tilespmem:v33+s26+$0x0], $0xffff;
	v35 =	vor.u32 v4, v11;
	[tilespmem:s23+$0xF0] =	vst v28;
	v10 =	vmovc v15  }
0x270: {  	v12 =	vmovc v16;
	v25 =	vld.idx.msk [tilespmem:v25+s26+$0x0], $0xffff;
	v15 =	vshll.u32 v19, $0x8;
	v19 =	vshll.u32 v19, $0x7;
	[tilespmem:s0+$0xFFFFFF20] =	vst v26;
	v26 =	vor.u32 v4, v8  }
0x271: {  	v15 =	vand.u32 $0x1800, v15;
	v16 =	vand.u32 $0x380, v19;
	v28 =	vld.idx.msk [tilespmem:v29+s26+$0x0], $0xffff;
	v29 =	vor.u32 v4, v9;
	[tilespmem:s23+$0xFFFFFFE0] =	vst v22  }
0x272: {  	v19 =	vshll.u32 v30, $0x7;
	v30 =	vor.u32 v7, v17;
	v22 =	vor.u32 v16, v15;
	v31 =	vld.idx.msk [tilespmem:v31+s26+$0x0], $0xffff;
	[tilespmem:s23+$0x60] =	vst v24  }
0x273: {  	v17 =	vmovc v34;
	v15 =	vand.u32 $0x1800, v32;
	v16 =	vand.u32 $0x300, v19;
	v24 =	vor.u32 v0, v22;
	[tilespmem:s0+$0xB0] =	vst v21;
	v20 =	vld.idx.msk [tilespmem:v20+s26+$0x0], $0xffff  }
0x274: {  	v19 =	vor.u32 v16, v15;
	v21 =	vor.u32 v4, v17;
	[tilespmem:s0+$0xFFFFFFB0] =	vst v27;
	v27 =	vld.idx.msk [tilespmem:v35+s26+$0x0], $0xffff  }
0x275: {  	v16 =	vmov s25;
	v32 =	vor.u32 v0, v19;
	v26 =	vld.idx.msk [tilespmem:v26+s26+$0x0], $0xffff;
	[tilespmem:s0+$0x30] =	vst v33  }
0x276: {  	v15 =	vshll.u32 v16, $0x8;
	v16 =	vshll.u32 v16, $0x7;
	v33 =	vor.u32 v5, v11;
	v29 =	vld.idx.msk [tilespmem:v29+s26+$0x0], $0xffff;
	[tilespmem:s23+$0xFFFFFF60] =	vst v23  }
0x277: {  	v16 =	vand.u32 $0x200, v16;
	v23 =	vand.u32 $0x1800, v15;
	[tilespmem:s0+$0xFFFFFF30] =	vst v28;
	v28 =	vor.u32 v5, v8;
	v30 =	vld.idx.msk [tilespmem:v30+s26+$0x0], $0xffff  }
0x278: {  	v34 =	vor.u32 v16, v23;
	v23 =	vld.idx.msk [tilespmem:v24+s26+$0x0], $0xffff;
	v24 =	vor.u32 v5, v9;
	[tilespmem:s23+$0xFFFFFFF0] =	vst v31  }
0x279: {  	v31 =	vor.u32 v0, v34;
	v21 =	vld.idx.msk [tilespmem:v21+s26+$0x0], $0xffff;
	[tilespmem:s23+$0x70] =	vst v20  }
0x27a: {  	v20 =	vld.idx.msk [tilespmem:v32+s26+$0x0], $0xffff;
	v32 =	vor.u32 v1, v22;
	[tilespmem:s0+$0xC0] =	vst v27  }
0x27b: {  	v27 =	vor.u32 v1, v13;
	[tilespmem:s0+$0xFFFFFFC0] =	vst v26;
	v26 =	vld.idx.msk [tilespmem:v33+s26+$0x0], $0xffff  }
0x27c: {  	v33 =	vor.u32 v1, v19;
	v28 =	vld.idx.msk [tilespmem:v28+s26+$0x0], $0xffff;
	[tilespmem:s0+$0x40] =	vst v29  }
0x27d: {  	v29 =	vor.u32 v6, v11;
	v24 =	vld.idx.msk [tilespmem:v24+s26+$0x0], $0xffff;
	[tilespmem:s23+$0xFFFFFF70] =	vst v30;
	s23 =	smov.u32 s0;
	s0 =	sadd.s32 $0x200, s0  }
0x27e: {  	v30 =	vld.idx.msk [tilespmem:v31+s26+$0x0], $0xffff;
	v31 =	vor.u32 v1, v14;
	[tilespmem:s0+$0x80] =	vst v23  }
0x27f: {  	[tilespmem:s0+$0xFFFFFF80] =	vst v25;
	v23 =	vld.idx.msk [tilespmem:v32+s26+$0x0], $0xffff;
	v25 =	vor.u32 v5, v17  }
0x280: {  	v27 =	vld.idx.msk [tilespmem:v27+s26+$0x0], $0xffff;
	[tilespmem:s0+$0x0] =	vst v20;
	v20 =	vor.u32 v6, v8  }
0x281: {  	v32 =	vld.idx.msk [tilespmem:v33+s26+$0x0], $0xffff;
	v33 =	vor.u32 v2, v22;
	[tilespmem:s23+$0xD0] =	vst v26  }
0x282: {  	v26 =	vor.u32 v2, v13;
	[tilespmem:s0+$0xFFFFFF00] =	vst v18;
	v29 =	vld.idx.msk [tilespmem:v29+s26+$0x0], $0xffff  }
0x283: {  	v35 =	vor.u32 v2, v19;
	v31 =	vld.idx.msk [tilespmem:v31+s26+$0x0], $0xffff;
	[tilespmem:s23+$0xFFFFFF40] =	vst v21  }
0x284: {  	v18 =	vmov v30;
	v21 =	vld.idx.msk [tilespmem:v25+s26+$0x0], $0xffff;
	[tilespmem:s23+$0xFFFFFFD0] =	vst v28;
	v25 =	vor.u32 v7, v11;
	v11 =	vmov v22  }
0x285: {  	v30 =	vor.u32 v2, v14;
	[tilespmem:s0+$0x90] =	vst v23;
	v22 =	vld.idx.msk [tilespmem:v20+s26+$0x0], $0xffff  }
0x286: {  	s10 =	sadd.s32 $0x1, s25;
	v23 =	vor.u32 v6, v9;
	[tilespmem:s0+$0xFFFFFF90] =	vst v27;
	v20 =	vld.idx.msk [tilespmem:v33+s26+$0x0], $0xffff  }
0x287: {  	v27 =	vmov s10;
	v36 =	vld.idx.msk [tilespmem:v26+s26+$0x0], $0xffff;
	[tilespmem:s0+$0x10] =	vst v32;
	v32 =	vor.u32 v6, v17  }
0x288: {  	v37 =	vor.u32 v3, v11;
	v26 =	vshll.u32 v27, $0x8;
	v27 =	vshll.u32 v27, $0x7;
	v35 =	vld.idx.msk [tilespmem:v35+s26+$0x0], $0xffff;
	[tilespmem:s23+$0xE0] =	vst v29  }
0x289: {  	v38 =	vor.u32 v3, v13;
	v26 =	vand.u32 $0x1800, v26;
	v27 =	vand.u32 $0x280, v27;
	[tilespmem:s0+$0xFFFFFF10] =	vst v31;
	v28 =	vld.idx.msk [tilespmem:v25+s26+$0x0], $0xffff  }
.Ltmp5:
0x28a: {  	v33 =	vor.u32 v3, v19;
	v27 =	vor.u32 v27, v26;
	v26 =	vld.idx.msk [tilespmem:v30+s26+$0x0], $0xffff;
	[tilespmem:s23+$0x50] =	vst v24;
	(pc) =	sbr.rel @p0 .LBB2_9-.Ltmp5, $4  }
0x28b: {  	v25 =	vor.u32 v0, v27;
	[tilespmem:s23+$0xFFFFFF50] =	vst v21;
	v24 =	vld.idx.msk [tilespmem:v23+s26+$0x0], $0xffff  }
0x28c: {  	s10 =	sadd.s32 $0x2, s25;
	v29 =	vor.u32 v3, v14;
	v14 =	vmov v34;
	[tilespmem:s0+$0xA0] =	vst v20;
	v23 =	vld.idx.msk [tilespmem:v32+s26+$0x0], $0xffff  }
0x28d: {  	v31 =	vor.u32 v7, v8;
	v8 =	vmovc v13;
	v30 =	vmov s10;
	v13 =	vmov v27;
	[tilespmem:s0+$0xFFFFFFA0] =	vst v36;
	v21 =	vld.idx.msk [tilespmem:v37+s26+$0x0], $0xffff  }
0x28e: {  	s10 =	sadd.s32 $0x3, s25;
	s25 =	sadd.s32 $0x4, s25;
	v32 =	vshll.u32 v30, $0x8;
	v20 =	vor.u32 v7, v9;
	v9 =	vmov v19;
	v27 =	vld.idx.msk [tilespmem:v38+s26+$0x0], $0xffff;
	[tilespmem:s0+$0x20] =	vst v35  }
0x28f: {  	_ =	sdelay $0x1  }
0x290: {  	[tilespmem:s23+$0xF0] =	vst v28  }
0x291: {  	[tilespmem:s0+$0xFFFFFF20] =	vst v26  }
0x292: {  	v19 =	vmov s10;
	v59 =	vld.idx.msk [tilespmem:v33+s26+$0x0], $0xffff;
	v60 =	vor.u32 v4, v11;
	v61 =	vor.u32 v4, v8;
	[tilespmem:s23+$0xFFFFFFE0] =	vst v22  }
0x293: {  	v30 =	vshll.u32 v30, $0x7;
	v37 =	vand.u32 $0x1800, v32;
	v17 =	vor.u32 v7, v17;
	v44 =	vld.idx.msk [tilespmem:v25+s26+$0x0], $0xffff;
	s25 =	sadd.s32 $0x200, s0;
	[tilespmem:s23+$0x60] =	vst v24  }
0x294: {  	v34 =	vshll.u32 v19, $0x8;
	v19 =	vshll.u32 v19, $0x7;
	v62 =	vld.idx.msk [tilespmem:v29+s26+$0x0], $0xffff;
	v30 =	vand.u32 $0x300, v30;
	[tilespmem:s25+$0xFFFFFF00] =	vst v18  }
0x295: {  	v34 =	vand.u32 $0x1800, v34;
	v19 =	vand.u32 $0x380, v19;
	v39 =	vld.idx.msk [tilespmem:v20+s26+$0x0], $0xffff;
	v20 =	vor.u32 v30, v37;
	[tilespmem:s23+$0xFFFFFF60] =	vst v23  }
0x296: {  	v36 =	vld.idx.msk [tilespmem:v31+s26+$0x0], $0xffff;
	v19 =	vor.u32 v19, v34;
	[tilespmem:s0+$0xB0] =	vst v21;
	v30 =	vor.u32 v0, v20  }
0x297: {  	v38 =	vor.u32 v0, v19;
	[tilespmem:s0+$0xFFFFFFB0] =	vst v27  }
0x298: {  	v50 =	vor.u32 v1, v14;
	v40 =	vld.idx.msk [tilespmem:v60+s26+$0x0], $0xffff;
	[tilespmem:s0+$0x30] =	vst v59  }
0x299: {  	v47 =	vor.u32 v1, v13;
	v26 =	vld.idx.msk [tilespmem:v61+s26+$0x0], $0xffff;
	[tilespmem:s25+$0xFFFFFF80] =	vst v44  }
0x29a: {  	v63 =	vor.u32 v4, v9;
	v49 =	vld.idx.msk [tilespmem:v17+s26+$0x0], $0xffff;
	[tilespmem:s0+$0xFFFFFF30] =	vst v62  }
0x29b: {  	v42 =	vor.u32 v5, v11;
	[tilespmem:s23+$0xFFFFFFF0] =	vst v36;
	v46 =	vld.idx.msk [tilespmem:v30+s26+$0x0], $0xffff  }
0x29c: {  	v48 =	vor.u32 v1, v20;
	[tilespmem:s23+$0x70] =	vst v39;
	v43 =	vld.idx.msk [tilespmem:v38+s26+$0x0], $0xffff  }
0x29d: {  	v10 =	vor.u32 v12, v10;
	v45 =	vor.u32 v1, v19;
	v55 =	vld.idx.msk [tilespmem:v50+s26+$0x0], $0xffff;
	[tilespmem:s0+$0xC0] =	vst v40  }
0x29e: {  	v51 =	vor.u32 v4, v10;
	v24 =	vld.idx.msk [tilespmem:v47+s26+$0x0], $0xffff;
	[tilespmem:s0+$0xFFFFFFC0] =	vst v26  }
0x29f: {  	v54 =	vor.u32 v2, v13;
	v41 =	vld.idx.msk [tilespmem:v63+s26+$0x0], $0xffff;
	[tilespmem:s23+$0xFFFFFF70] =	vst v49  }
0x2a0: {  	v52 =	vor.u32 v5, v8;
	v22 =	vld.idx.msk [tilespmem:v42+s26+$0x0], $0xffff;
	[tilespmem:s25+$0x0] =	vst v46  }
0x2a1: {  	v57 =	vor.u32 v2, v14;
	[tilespmem:s25+$0x80] =	vst v43;
	v26 =	vld.idx.msk [tilespmem:v48+s26+$0x0], $0xffff  }
0x2a2: {  	v56 =	vor.u32 v2, v20;
	[tilespmem:s25+$0xFFFFFF10] =	vst v55;
	v21 =	vld.idx.msk [tilespmem:v45+s26+$0x0], $0xffff  }
0x2a3: {  	v53 =	vor.u32 v2, v19;
	v23 =	vld.idx.msk [tilespmem:v51+s26+$0x0], $0xffff;
	[tilespmem:s25+$0xFFFFFF90] =	vst v24  }
0x2a4: {  	v59 =	vor.u32 v6, v11;
	[tilespmem:s0+$0x40] =	vst v41;
	v18 =	vld.idx.msk [tilespmem:v54+s26+$0x0], $0xffff  }
0x2a5: {  	v63 =	vor.u32 v3, v13;
	v58 =	vld.idx.msk [tilespmem:v52+s26+$0x0], $0xffff;
	[tilespmem:s0+$0xD0] =	vst v22  }
0x2a6: {  	v60 =	vor.u32 v5, v9;
	v22 =	vld.idx.msk [tilespmem:v57+s26+$0x0], $0xffff;
	[tilespmem:s25+$0x10] =	vst v26  }
0x2a7: {  	v32 =	vor.u32 v3, v14;
	[tilespmem:s25+$0x90] =	vst v21;
	v17 =	vld.idx.msk [tilespmem:v56+s26+$0x0], $0xffff  }
0x2a8: {  	v30 =	vor.u32 v3, v20;
	[tilespmem:s0+$0xFFFFFF40] =	vst v23;
	v61 =	vld.idx.msk [tilespmem:v53+s26+$0x0], $0xffff  }
0x2a9: {  	v62 =	vor.u32 v3, v19;
	v31 =	vld.idx.msk [tilespmem:v59+s26+$0x0], $0xffff;
	[tilespmem:s25+$0xFFFFFFA0] =	vst v18  }
0x2aa: {  	v41 =	vor.u32 v6, v8;
	[tilespmem:s0+$0xFFFFFFD0] =	vst v58;
	v12 =	vld.idx.msk [tilespmem:v63+s26+$0x0], $0xffff  }
0x2ab: {  	v34 =	vor.u32 v7, v11;
	v21 =	vld.idx.msk [tilespmem:v60+s26+$0x0], $0xffff;
	[tilespmem:s25+$0xFFFFFF20] =	vst v22  }
0x2ac: {  	v15 =	vor.u32 v16, v15;
	v37 =	vor.u32 v4, v13;
	v14 =	vld.idx.msk [tilespmem:v32+s26+$0x0], $0xffff;
	[tilespmem:s25+$0x20] =	vst v17  }
0x2ad: {  	v40 =	vor.u32 v4, v15;
	[tilespmem:s25+$0xA0] =	vst v61;
	v23 =	vld.idx.msk [tilespmem:v30+s26+$0x0], $0xffff  }
0x2ae: {  	v38 =	vor.u32 v4, v20;
	[tilespmem:s0+$0xE0] =	vst v31;
	v35 =	vld.idx.msk [tilespmem:v62+s26+$0x0], $0xffff  }
0x2af: {  	v36 =	vor.u32 v4, v19;
	v48 =	vld.idx.msk [tilespmem:v41+s26+$0x0], $0xffff;
	[tilespmem:s25+$0xFFFFFFB0] =	vst v12  }
0x2b0: {  	v33 =	vor.u32 v5, v10;
	v11 =	vld.idx.msk [tilespmem:v34+s26+$0x0], $0xffff;
	[tilespmem:s0+$0x50] =	vst v21  }
0x2b1: {  	v8 =	vor.u32 v7, v8;
	v44 =	vld.idx.msk [tilespmem:v37+s26+$0x0], $0xffff;
	[tilespmem:s25+$0xFFFFFF30] =	vst v14  }
0x2b2: {  	v46 =	vor.u32 v5, v13;
	v21 =	vld.idx.msk [tilespmem:v40+s26+$0x0], $0xffff;
	[tilespmem:s25+$0x30] =	vst v23  }
0x2b3: {  	v49 =	vor.u32 v5, v15;
	[tilespmem:s25+$0xB0] =	vst v35;
	v16 =	vld.idx.msk [tilespmem:v38+s26+$0x0], $0xffff  }
0x2b4: {  	v47 =	vor.u32 v5, v20;
	[tilespmem:s0+$0xFFFFFFE0] =	vst v48;
	v43 =	vld.idx.msk [tilespmem:v36+s26+$0x0], $0xffff  }
0x2b5: {  	v39 =	vld.idx.msk [tilespmem:v33+s26+$0x0], $0xffff;
	v45 =	vor.u32 v5, v19;
	[tilespmem:s0+$0xF0] =	vst v11  }
0x2b6: {  	v50 =	vor.u32 v6, v10;
	v8 =	vld.idx.msk [tilespmem:v8+s26+$0x0], $0xffff;
	[tilespmem:s25+$0xFFFFFFC0] =	vst v44  }
0x2b7: {  	v42 =	vor.u32 v6, v9;
	v14 =	vld.idx.msk [tilespmem:v46+s26+$0x0], $0xffff;
	[tilespmem:s25+$0xFFFFFF40] =	vst v21  }
0x2b8: {  	v53 =	vor.u32 v6, v13;
	v11 =	vld.idx.msk [tilespmem:v49+s26+$0x0], $0xffff;
	[tilespmem:s25+$0x40] =	vst v16  }
0x2b9: {  	v56 =	vor.u32 v6, v15;
	[tilespmem:s25+$0xC0] =	vst v43;
	v52 =	vld.idx.msk [tilespmem:v47+s26+$0x0], $0xffff  }
0x2ba: {  	v54 =	vor.u32 v6, v20;
	[tilespmem:s0+$0xFFFFFF50] =	vst v39;
	v12 =	vld.idx.msk [tilespmem:v45+s26+$0x0], $0xffff  }
0x2bb: {  	v51 =	vor.u32 v6, v19;
	v55 =	vld.idx.msk [tilespmem:v50+s26+$0x0], $0xffff;
	[tilespmem:s0+$0xFFFFFFF0] =	vst v8  }
0x2bc: {  	v10 =	vor.u32 v7, v10;
	v18 =	vld.idx.msk [tilespmem:v42+s26+$0x0], $0xffff;
	[tilespmem:s25+$0xFFFFFFD0] =	vst v14  }
0x2bd: {  	v57 =	vor.u32 v7, v9;
	v59 =	vld.idx.msk [tilespmem:v53+s26+$0x0], $0xffff;
	[tilespmem:s25+$0xFFFFFF50] =	vst v11  }
0x2be: {  	v61 =	vor.u32 v7, v13;
	v62 =	vld.idx.msk [tilespmem:v56+s26+$0x0], $0xffff;
	[tilespmem:s25+$0x50] =	vst v52  }
0x2bf: {  	v8 =	vor.u32 v7, v15;
	[tilespmem:s25+$0xD0] =	vst v12;
	v60 =	vld.idx.msk [tilespmem:v54+s26+$0x0], $0xffff  }
0x2c0: {  	v63 =	vor.u32 v7, v20;
	[tilespmem:s0+$0xFFFFFF60] =	vst v55;
	v12 =	vld.idx.msk [tilespmem:v51+s26+$0x0], $0xffff  }
0x2c1: {  	v58 =	vor.u32 v7, v19;
	v10 =	vld.idx.msk [tilespmem:v10+s26+$0x0], $0xffff;
	[tilespmem:s0+$0x60] =	vst v18  }
0x2c2: {  	v9 =	vld.idx.msk [tilespmem:v57+s26+$0x0], $0xffff;
	[tilespmem:s25+$0xFFFFFFE0] =	vst v59  }
0x2c3: {  	v13 =	vld.idx.msk [tilespmem:v61+s26+$0x0], $0xffff;
	[tilespmem:s25+$0xFFFFFF60] =	vst v62  }
0x2c4: {  	v8 =	vld.idx.msk [tilespmem:v8+s26+$0x0], $0xffff;
	[tilespmem:s25+$0x60] =	vst v60  }
0x2c5: {  	[tilespmem:s25+$0xE0] =	vst v12;
	v11 =	vld.idx.msk [tilespmem:v63+s26+$0x0], $0xffff  }
0x2c6: {  	[tilespmem:s0+$0xFFFFFF70] =	vst v10;
	v12 =	vld.idx.msk [tilespmem:v58+s26+$0x0], $0xffff  }
0x2c7: {  	[tilespmem:s0+$0x70] =	vst v9  }
0x2c8: {  	[tilespmem:s25+$0xFFFFFFF0] =	vst v13  }
0x2c9: {  	[tilespmem:s25+$0xFFFFFF70] =	vst v8  }
.Ltmp6:
0x2ca: {  	s23 =	sor.u32 $0x600, s31;
	[tilespmem:s25+$0x70] =	vst v11;
	(pc) =	sbr.rel @p1 .LBB2_12-.Ltmp6, $4  }
0x2cb: {  	s31 =	sadd.s32 s3, s23;
	[tilespmem:s25+$0xF0] =	vst v12  }
0x2cc: {  	[hbm4b:s31+s4] =	stream.linear.scatter [tilespmem:s14], [sflag:$0xF], $0x800, $0x38;
	[tilespmem:$0xC000] =	vst v63  }
0x2cd: {  	s0 =	sadd.s32 s23, s15  }
0x2ce: {  	[hbm4b:s0+s4] =	stream.linear.scatter [tilespmem:s20], [sflag:$0x10], $0x800, $0x38;
	[tilespmem:$0xC000] =	vst v63  }
0x2cf: {  	s0 =	sadd.s32 s28, s19  }
.Ltmp7:
0x2d0: {  	s0 =	sshll.u32 s0, $0x5;
	(pc) =	sbr.rel .LBB2_2-.Ltmp7, $4  }
0x2d1: {  	s10 =	sadd.s32 s2, s0  }
0x2d2: {  	[tilespmem:s26], [sflag:$0x7] =	stream.linear.gather [hbm4b:s10+s4], $0x1000, $0x38;
	[tilespmem:$0xC000] =	vst v63  }
0x2d3: {  	s31 =	simm.s32 $0x7000;
	s6 =	sadd.s32 $0x1, s6;
	s0 =	sadd.s32 s0, s7  }
0x2d4: {  	[tilespmem:s31], [sflag:$0x8] =	stream.linear.gather [hbm4b:s0+s4], $0x1000, $0x38;
	[tilespmem:$0xC000] =	vst v63  }
.LBB2_13:
0x2d5: {  	_ =	sfence.sel $0x180000  }
0x2d6: {  	[bflag:$0x0] =	sbarrier.arrive $0xFFFF  }
0x2d7: {  	_ =	strace $0x90000047  }
0x2d8: {  	s0 =	stileid.u32;
	[bflag:$0x2] =	sbarrier.arrive $0xFFFF  }
0x2d9: {  	p0 =	sne.s32 s0, $0x0;
	s0 =	rddreg [dreg:$0x2]  }
0x2da: {  	s0 =	sadd.s32 @!p0 $0x100000, s0  }
0x2db: {  	[sflag:s0] =	ssyncadd.tile.s32 @!p0 $0x1;
	_ =	shalt  }
.Lfunc_end2:
_tile_overlayer_lowered:
.L_overlay_start_2:
0x2dc: {  	(tag) =	ssettag $0x2  }
0x2dd: {  	s0 =	rddreg [dreg:$0x0];
	s2 =	stileid.u32  }
0x2de: {  	s1 =	rddreg [dreg:$0x1];
	p0 =	sne.s32 s2, $0x0  }
0x2df: {  	s3 =	rddreg [dreg:$0x2];
	[bflag:$0x3] =	sbarrier.arrive $0xFFFF;
	s2 =	simm.s32 @!p0 $0x1C11  }
0x2e0: {  	[timem:s3], [sflag:s2] =	dma.local @!p0 [hbm:s0], s1  }
0x2e1: {  	s0 =	simm.s32 @!p0 $0x11  }
0x2e2: {  	_ =	swait.ge @!p0 [sflag:s0], s1  }
0x2e3: {  	s1 =	ssub.s32 @!p0 $0x0, s1;
	[sflag:s0] =	ssyncset.done @!p0 $0x0  }
0x2e4: {  	[sflag:s0] =	ssyncadd.s32 @!p0 s1  }
0x2e5: {  	[bflag:$0x3] =	sbarrier.arrive $0xFFFF  }
0x2e6: {  	_ =	shalt  }

</sc_bundles>
